<compile_context>
chip_gen: v7x
topology: tpu7x:2x2x1
jax: 0.10.2.dev20260603
libtpu: 0.0.44.dev20260713+nightly
codegen_flags: <defaults>
</compile_context>

<pallas_src>
import functools

import jax
import jax.numpy as jnp
from jax import lax
from jax.experimental import pallas as pl
from jax.experimental.pallas import tpu as pltpu
from jax.experimental.pallas import tpu_sc as plsc

N = 10000
E = 320000
D = 128
H = 128
C = 64

NC = 2
NS = 16
NW = NC * NS
NPAD = 10240
EPW = 10240
CHUNKS = EPW // 128
EPAD = EPW * NW
ROWS_PER_TILE = NPAD // NS
BM = 1024


def _sc_mesh():
    return plsc.VectorSubcoreMesh(core_axis_name="c", subcore_axis_name="s")


def _build_segsum(width):

    @functools.partial(
        pl.kernel,
        out_type=jax.ShapeDtypeStruct((NC, NPAD, width), jnp.float32),
        mesh=_sc_mesh(),
        scratch_types=[
            pltpu.VMEM((CHUNKS // 2, 128), jnp.int32),
            pltpu.VMEM((CHUNKS // 2, 128), jnp.int32),
            pltpu.VMEM((128, width), jnp.float32),
            pltpu.VMEM((128, width), jnp.float32),
            pltpu.VMEM_SHARED((NPAD, width), jnp.float32),
            pltpu.SemaphoreType.DMA,
            pltpu.SemaphoreType.DMA,
        ],
        compiler_params=pltpu.CompilerParams(use_tc_tiling_on_sc=False),
    )
    def k(hs_hbm, row_hbm, col_hbm, zeros_hbm, out_hbm, idxr, idxc, rows0,
          rows1, acc, sem0, sem1):
        cid = lax.axis_index("c")
        sid = lax.axis_index("s")
        wid = sid * NC + cid
        base = sid * ROWS_PER_TILE
        cpp = CHUNKS // 2

        @pl.when(cid == 0)
        def _():
            pltpu.sync_copy(hs_hbm.at[pl.ds(base, ROWS_PER_TILE)],
                            acc.at[pl.ds(base, ROWS_PER_TILE)])

        @pl.when(cid != 0)
        def _():
            pltpu.sync_copy(zeros_hbm, rows0)
            for kk in range(ROWS_PER_TILE // 128):
                pltpu.sync_copy(rows0, acc.at[pl.ds(base + kk * 128, 128)])

        plsc.subcore_barrier()

        for p in range(2):
            pltpu.sync_copy(row_hbm.at[wid, pl.ds(p * cpp, cpp)], idxr)
            pltpu.sync_copy(col_hbm.at[wid, pl.ds(p * cpp, cpp)], idxc)
            pltpu.async_copy(hs_hbm.at[idxr.at[0]], rows0, sem0)
            pltpu.async_copy(hs_hbm.at[idxr.at[1]], rows1, sem1)

            def step(k2, carry):
                j = 2 * k2
                pltpu.make_async_copy(hs_hbm.at[idxr.at[j]], rows0,
                                      sem0).wait()
                pltpu.sync_copy(rows0, acc.at[idxc.at[j]], add=True)

                @pl.when(j + 2 < cpp)
                def _():
                    pltpu.async_copy(hs_hbm.at[idxr.at[j + 2]], rows0, sem0)

                pltpu.make_async_copy(hs_hbm.at[idxr.at[j + 1]], rows1,
                                      sem1).wait()
                pltpu.sync_copy(rows1, acc.at[idxc.at[j + 1]], add=True)

                @pl.when(j + 3 < cpp)
                def _():
                    pltpu.async_copy(hs_hbm.at[idxr.at[j + 3]], rows1, sem1)

                return carry

            lax.fori_loop(0, cpp // 2, step, 0)
        plsc.subcore_barrier()
        pltpu.sync_copy(acc.at[pl.ds(base, ROWS_PER_TILE)],
                        out_hbm.at[cid, pl.ds(base, ROWS_PER_TILE)])

    return k


def _build_degree():

    @functools.partial(
        pl.kernel,
        out_type=jax.ShapeDtypeStruct((NC, NPAD, 16), jnp.float32),
        mesh=_sc_mesh(),
        scratch_types=[
            pltpu.VMEM((CHUNKS, 128), jnp.int32),
            pltpu.VMEM((128, 16), jnp.float32),
            pltpu.VMEM_SHARED((NPAD, 16), jnp.float32),
        ],
        compiler_params=pltpu.CompilerParams(use_tc_tiling_on_sc=False),
    )
    def k(col_hbm, zeros_hbm, ones_hbm, out_hbm, idxc, buf, acc):
        cid = lax.axis_index("c")
        sid = lax.axis_index("s")
        wid = sid * NC + cid
        base = sid * ROWS_PER_TILE
        pltpu.sync_copy(zeros_hbm, buf)
        for kk in range(ROWS_PER_TILE // 128):
            pltpu.sync_copy(buf, acc.at[pl.ds(base + kk * 128, 128)])
        pltpu.sync_copy(col_hbm.at[wid], idxc)
        pltpu.sync_copy(ones_hbm, buf)
        plsc.subcore_barrier()

        def step(j, carry):
            pltpu.sync_copy(buf, acc.at[idxc.at[j]], add=True)
            return carry

        lax.fori_loop(0, CHUNKS, step, 0)
        plsc.subcore_barrier()
        for kk in range(ROWS_PER_TILE // 128):
            sl = pl.ds(base + kk * 128, 128)
            pltpu.sync_copy(acc.at[sl], buf)
            pltpu.sync_copy(buf, out_hbm.at[cid, sl])

    return k


def _mm_body(x, w, d0, d1, o, dv):
    dinv = lax.rsqrt(d0[...] + d1[...] + 1.0)
    dv[...] = dinv
    o[...] = jnp.dot(x[...], w[...],
                     preferred_element_type=jnp.float32) * dinv


_mm_call = pl.pallas_call(
    _mm_body,
    grid=(NPAD // BM,),
    in_specs=[
        pl.BlockSpec((BM, D), lambda i: (i, 0)),
        pl.BlockSpec((D, H), lambda i: (0, 0)),
        pl.BlockSpec((BM, 1), lambda i: (i, 0)),
        pl.BlockSpec((BM, 1), lambda i: (i, 0)),
    ],
    out_specs=[pl.BlockSpec((BM, H), lambda i: (i, 0)),
               pl.BlockSpec((BM, 1), lambda i: (i, 0))],
    out_shape=[jax.ShapeDtypeStruct((NPAD, H), jnp.float32),
               jax.ShapeDtypeStruct((NPAD, 1), jnp.float32)],
)


def _build_combine_mm(has_res, hin, hout):

    def body(tp, dinv, b, *rest):
        if has_res:
            res, w, xo, ho = rest
        else:
            w, xo, ho = rest
        t = tp[...]
        u = dinv[...] * (t[0] + t[1]) + b[...]
        if has_res:
            u = u + res[...]
        xn = jnp.where(u > 0, u, jnp.exp(jnp.minimum(u, 0.0)) - 1.0)
        xo[...] = xn
        ho[...] = jnp.dot(xn, w[...],
                          preferred_element_type=jnp.float32) * dinv[...]

    blk = pl.BlockSpec((BM, hin), lambda i: (i, 0))
    in_specs = [pl.BlockSpec((2, BM, hin), lambda i: (0, i, 0)),
                pl.BlockSpec((BM, 1), lambda i: (i, 0)),
                pl.BlockSpec((1, hin), lambda i: (0, 0))]
    if has_res:
        in_specs.append(blk)
    in_specs.append(pl.BlockSpec((hin, hout), lambda i: (0, 0)))
    return pl.pallas_call(
        body,
        grid=(NPAD // BM,),
        in_specs=in_specs,
        out_specs=[blk, pl.BlockSpec((BM, hout), lambda i: (i, 0))],
        out_shape=[jax.ShapeDtypeStruct((NPAD, hin), jnp.float32),
                   jax.ShapeDtypeStruct((NPAD, hout), jnp.float32)],
    )


def _final_body(tp, dinv, b, o):
    t = tp[...]
    o[...] = dinv[...] * (t[0] + t[1]) + b[...]


_final_call = pl.pallas_call(
    _final_body,
    grid=(NPAD // BM,),
    in_specs=[
        pl.BlockSpec((2, BM, C), lambda i: (0, i, 0)),
        pl.BlockSpec((BM, 1), lambda i: (i, 0)),
        pl.BlockSpec((1, C), lambda i: (0, 0)),
    ],
    out_specs=pl.BlockSpec((BM, C), lambda i: (i, 0)),
    out_shape=jax.ShapeDtypeStruct((NPAD, C), jnp.float32),
)


def kernel(x, edge_index, batch, W1, b1, W2, b2, W3, b3):
    f32 = jnp.float32
    row = edge_index[0].astype(jnp.int32)
    col = edge_index[1].astype(jnp.int32)
    pad = N + (jnp.arange(EPAD - E, dtype=jnp.int32) % (NPAD - N))
    rowp = jnp.concatenate([row, pad]).reshape(NW, CHUNKS, 128)
    colp = jnp.concatenate([col, pad]).reshape(NW, CHUNKS, 128)
    zeros128 = jnp.zeros((128, 128), f32)
    zeros64 = jnp.zeros((128, 64), f32)
    zeros16 = jnp.zeros((128, 16), f32)
    ones16 = jnp.ones((128, 16), f32)
    x_pad = jnp.pad(x, ((0, NPAD - N), (0, 0)))

    degp = _build_degree()(colp, zeros16, ones16)
    d0 = degp[0, :, :1]
    d1 = degp[1, :, :1]

    hs1, dinv = _mm_call(x_pad, W1, d0, d1)
    t1 = _build_segsum(H)(hs1, rowp, colp, zeros128)
    x1, hs2 = _build_combine_mm(False, H, H)(
        t1, dinv, b1.reshape(1, H), W2)
    t2 = _build_segsum(H)(hs2, rowp, colp, zeros128)
    x2, hs3 = _build_combine_mm(True, H, C)(
        t2, dinv, b2.reshape(1, H), x1, W3)
    t3 = _build_segsum(C)(hs3, rowp, colp, zeros64)
    out = _final_call(t3, dinv, b3.reshape(1, C))
    return out[:N]

# --- scband reference (transcript-rebuilt; emitter-appended) ---
"""Pipeline reference for scband-gcn-86260123174490 (READ-ONLY COPY).

The authoritative reference and input builder live on the scoring server;
editing this copy changes nothing except your own understanding.
"""

import jax, jax.numpy as jnp
import numpy as np

N = 10000
E = 320000
D = 128
H = 128
C = 64


def gcn_conv(x, row, col, W, b, num_nodes):
    # x' = D^{-1/2} (A + I) D^{-1/2} (x @ W) + b  (PyG GCNConv semantics, add_self_loops=True)
    h = x @ W
    loop = jnp.arange(num_nodes, dtype=row.dtype)
    r = jnp.concatenate([row, loop])
    c = jnp.concatenate([col, loop])
    deg = jax.ops.segment_sum(jnp.ones_like(c, dtype=h.dtype), c, num_segments=num_nodes)
    dinv = jnp.where(deg > 0, jax.lax.rsqrt(deg), 0.0)
    norm = dinv[r] * dinv[c]
    msg = h[r] * norm[:, None]
    out = jax.ops.segment_sum(msg, c, num_segments=num_nodes)
    return out + b


def setup_inputs(seed: int = 0) -> dict:
    key = jax.random.key(seed)
    ks = jax.random.split(key, 8)
    x = jax.random.normal(ks[0], (N, D), dtype=jnp.float32)
    edge_index = jax.random.randint(ks[1], (2, E), 0, N)
    batch = jnp.zeros((N,), dtype=jnp.int32)
    W1 = jax.random.normal(ks[2], (D, H), dtype=jnp.float32) * (1.0 / np.sqrt(D))
    b1 = jnp.zeros((H,), dtype=jnp.float32)
    W2 = jax.random.normal(ks[3], (H, H), dtype=jnp.float32) * (1.0 / np.sqrt(H))
    b2 = jnp.zeros((H,), dtype=jnp.float32)
    W3 = jax.random.normal(ks[4], (H, C), dtype=jnp.float32) * (1.0 / np.sqrt(H))
    b3 = jnp.zeros((C,), dtype=jnp.float32)
    return {"x": x, "edge_index": edge_index, "batch": batch,
            "W1": W1, "b1": b1, "W2": W2, "b2": b2, "W3": W3, "b3": b3}


def reference(x, edge_index, batch, W1, b1, W2, b2, W3, b3):
    # dropout is identity in eval mode
    row, col = edge_index[0], edge_index[1]
    x1 = jax.nn.elu(gcn_conv(x, row, col, W1, b1, N))
    x2 = jax.nn.elu(gcn_conv(x1, row, col, W2, b2, N) + x1)
    out = gcn_conv(x2, row, col, W3, b3, N)
    return out

if __name__ == "__main__":
    import jax
    _d = setup_inputs()
    print(jax.jit(kernel)(*tuple(_d.values())))

</pallas_src>

<mosaic_0001>
#map = affine_map<(d0, d1) -> (0, 0)>
#map1 = affine_map<(d0, d1) -> (0, 0, 0)>
module attributes {stable_mosaic.version = 14 : i64} {
  func.func @k(%arg0: i32, %arg1: i32, %arg2: memref<10240x128xf32, #tpu.memory_space<hbm>>, %arg3: memref<32x80x128xi32, #tpu.memory_space<hbm>>, %arg4: memref<32x80x128xi32, #tpu.memory_space<hbm>>, %arg5: memref<128x128xf32, #tpu.memory_space<hbm>>, %arg6: memref<2x10240x128xf32, #tpu.memory_space<hbm>>, %arg7: memref<40x128xi32, #tpu.memory_space<vmem>>, %arg8: memref<40x128xi32, #tpu.memory_space<vmem>>, %arg9: memref<128x128xf32, #tpu.memory_space<vmem>>, %arg10: memref<128x128xf32, #tpu.memory_space<vmem>>, %arg11: memref<10240x128xf32, #tpu.memory_space<vmem_shared>>, %arg12: memref<!tpu.dma_semaphore, #tpu.memory_space<semaphore_mem>>, %arg13: memref<!tpu.dma_semaphore, #tpu.memory_space<semaphore_mem>>) attributes {dimension_semantics = [#tpu.dimension_semantics<core_parallel>, #tpu.dimension_semantics<subcore_parallel>], iteration_bounds = array<i64: 2, 16>, scalar_prefetch = 0 : i64, scratch_operands = 7 : i64, tpu.core_type = #tpu.core_type<sc_vector_subcore>, window_params = [{transform_indices = #map}, {transform_indices = #map1}, {transform_indices = #map1}, {transform_indices = #map}, {transform_indices = #map1}]} {
    %mul3A = arith.constant 2 : i32
    %mul3A_0 = arith.muli %arg1, %mul3A : i32
    %add3A = arith.addi %mul3A_0, %arg0 : i32
    %mul3A_1 = arith.constant 640 : i32
    %mul3A_2 = arith.muli %arg1, %mul3A_1 : i32
    %eq3A = arith.constant 0 : i32
    %eq3A_3 = arith.cmpi eq, %arg0, %eq3A : i32
    %convert_element_type3A = arith.extui %eq3A_3 : i1 to i32
    %cond3A = arith.constant 0 : i32
    %cond3A_4 = arith.cmpi ne, %convert_element_type3A, %cond3A : i32
    scf.if %cond3A_4 {
      "tpu.region"() ({
        %run_scoped3A = tpu.sem_alloc : memref<!tpu.dma_semaphore, #tpu.memory_space<semaphore_mem>>
        %dma_start3A_48 = arith.constant 0 : i32
        %dma_start3A_49 = tpu.memref_slice %arg11[%mul3A_2, %dma_start3A_48] : memref<10240x128xf32, #tpu.memory_space<vmem_shared>> -> memref<640x128xf32, #tpu.memory_space<vmem_shared>>
        %dma_start3A_50 = arith.constant 0 : i32
        %dma_start3A_51 = tpu.memref_slice %arg2[%mul3A_2, %dma_start3A_50] : memref<10240x128xf32, #tpu.memory_space<hbm>> -> memref<640x128xf32, #tpu.memory_space<hbm>>
        tpu.enqueue_dma source(%dma_start3A_51 : memref<640x128xf32, #tpu.memory_space<hbm>>) target(%dma_start3A_49 : memref<640x128xf32, #tpu.memory_space<vmem_shared>>) target_semaphore(%run_scoped3A : memref<!tpu.dma_semaphore, #tpu.memory_space<semaphore_mem>>)
        %dma_wait3A = arith.constant 0 : i32
        %dma_wait3A_52 = tpu.memref_slice %arg11[%mul3A_2, %dma_wait3A] : memref<10240x128xf32, #tpu.memory_space<vmem_shared>> -> memref<640x128xf32, #tpu.memory_space<vmem_shared>>
        %dma_wait3A_53 = arith.constant 0 : i32
        %dma_wait3A_54 = tpu.memref_slice %arg2[%mul3A_2, %dma_wait3A_53] : memref<10240x128xf32, #tpu.memory_space<hbm>> -> memref<640x128xf32, #tpu.memory_space<hbm>>
        tpu.wait_dma2 semaphore(%run_scoped3A : memref<!tpu.dma_semaphore, #tpu.memory_space<semaphore_mem>>) src(%dma_wait3A_54 : memref<640x128xf32, #tpu.memory_space<hbm>>) dst(%dma_wait3A_52 : memref<640x128xf32, #tpu.memory_space<vmem_shared>>)
        tpu.yield
      }) : () -> ()
    } else {
    }
    %ne3A = arith.constant 0 : i32
    %ne3A_5 = arith.cmpi ne, %arg0, %ne3A : i32
    %convert_element_type3A_6 = arith.extui %ne3A_5 : i1 to i32
    %cond3A_7 = arith.constant 0 : i32
    %cond3A_8 = arith.cmpi ne, %convert_element_type3A_6, %cond3A_7 : i32
    scf.if %cond3A_8 {
      "tpu.region"() ({
        %run_scoped3A = tpu.sem_alloc : memref<!tpu.dma_semaphore, #tpu.memory_space<semaphore_mem>>
        tpu.enqueue_dma source(%arg5 : memref<128x128xf32, #tpu.memory_space<hbm>>) target(%arg9 : memref<128x128xf32, #tpu.memory_space<vmem>>) target_semaphore(%run_scoped3A : memref<!tpu.dma_semaphore, #tpu.memory_space<semaphore_mem>>)
        tpu.wait_dma2 semaphore(%run_scoped3A : memref<!tpu.dma_semaphore, #tpu.memory_space<semaphore_mem>>) src(%arg5 : memref<128x128xf32, #tpu.memory_space<hbm>>) dst(%arg9 : memref<128x128xf32, #tpu.memory_space<vmem>>)
        tpu.yield
      }) : () -> ()
      %add3A_48 = arith.constant 0 : i32
      %add3A_49 = arith.addi %mul3A_2, %add3A_48 : i32
      "tpu.region"() ({
        %run_scoped3A = tpu.sem_alloc : memref<!tpu.dma_semaphore, #tpu.memory_space<semaphore_mem>>
        %dma_start3A_58 = arith.constant 0 : i32
        %dma_start3A_59 = tpu.memref_slice %arg11[%add3A_49, %dma_start3A_58] : memref<10240x128xf32, #tpu.memory_space<vmem_shared>> -> memref<128x128xf32, #tpu.memory_space<vmem_shared>>
        %dma_start3A_60 = arith.constant 0 : i32
        %dma_start3A_61 = tpu.memref_slice %arg11[%add3A_49, %dma_start3A_60] : memref<10240x128xf32, #tpu.memory_space<vmem_shared>> -> memref<128x128xf32, #tpu.memory_space<vmem_shared>>
        tpu.enqueue_dma source(%arg9 : memref<128x128xf32, #tpu.memory_space<vmem>>) target(%dma_start3A_61 : memref<128x128xf32, #tpu.memory_space<vmem_shared>>) target_semaphore(%run_scoped3A : memref<!tpu.dma_semaphore, #tpu.memory_space<semaphore_mem>>)
        %dma_wait3A = arith.constant 0 : i32
        %dma_wait3A_62 = tpu.memref_slice %arg11[%add3A_49, %dma_wait3A] : memref<10240x128xf32, #tpu.memory_space<vmem_shared>> -> memref<128x128xf32, #tpu.memory_space<vmem_shared>>
        %dma_wait3A_63 = arith.constant 0 : i32
        %dma_wait3A_64 = tpu.memref_slice %arg11[%add3A_49, %dma_wait3A_63] : memref<10240x128xf32, #tpu.memory_space<vmem_shared>> -> memref<128x128xf32, #tpu.memory_space<vmem_shared>>
        tpu.wait_dma2 semaphore(%run_scoped3A : memref<!tpu.dma_semaphore, #tpu.memory_space<semaphore_mem>>) src(%arg9 : memref<128x128xf32, #tpu.memory_space<vmem>>) dst(%dma_wait3A_64 : memref<128x128xf32, #tpu.memory_space<vmem_shared>>)
        tpu.yield
      }) : () -> ()
      %add3A_50 = arith.constant 128 : i32
      %add3A_51 = arith.addi %mul3A_2, %add3A_50 : i32
      "tpu.region"() ({
        %run_scoped3A = tpu.sem_alloc : memref<!tpu.dma_semaphore, #tpu.memory_space<semaphore_mem>>
        %dma_start3A_58 = arith.constant 0 : i32
        %dma_start3A_59 = tpu.memref_slice %arg11[%add3A_51, %dma_start3A_58] : memref<10240x128xf32, #tpu.memory_space<vmem_shared>> -> memref<128x128xf32, #tpu.memory_space<vmem_shared>>
        %dma_start3A_60 = arith.constant 0 : i32
        %dma_start3A_61 = tpu.memref_slice %arg11[%add3A_51, %dma_start3A_60] : memref<10240x128xf32, #tpu.memory_space<vmem_shared>> -> memref<128x128xf32, #tpu.memory_space<vmem_shared>>
        tpu.enqueue_dma source(%arg9 : memref<128x128xf32, #tpu.memory_space<vmem>>) target(%dma_start3A_61 : memref<128x128xf32, #tpu.memory_space<vmem_shared>>) target_semaphore(%run_scoped3A : memref<!tpu.dma_semaphore, #tpu.memory_space<semaphore_mem>>)
        %dma_wait3A = arith.constant 0 : i32
        %dma_wait3A_62 = tpu.memref_slice %arg11[%add3A_51, %dma_wait3A] : memref<10240x128xf32, #tpu.memory_space<vmem_shared>> -> memref<128x128xf32, #tpu.memory_space<vmem_shared>>
        %dma_wait3A_63 = arith.constant 0 : i32
        %dma_wait3A_64 = tpu.memref_slice %arg11[%add3A_51, %dma_wait3A_63] : memref<10240x128xf32, #tpu.memory_space<vmem_shared>> -> memref<128x128xf32, #tpu.memory_space<vmem_shared>>
        tpu.wait_dma2 semaphore(%run_scoped3A : memref<!tpu.dma_semaphore, #tpu.memory_space<semaphore_mem>>) src(%arg9 : memref<128x128xf32, #tpu.memory_space<vmem>>) dst(%dma_wait3A_64 : memref<128x128xf32, #tpu.memory_space<vmem_shared>>)
        tpu.yield
      }) : () -> ()
      %add3A_52 = arith.constant 256 : i32
      %add3A_53 = arith.addi %mul3A_2, %add3A_52 : i32
      "tpu.region"() ({
        %run_scoped3A = tpu.sem_alloc : memref<!tpu.dma_semaphore, #tpu.memory_space<semaphore_mem>>
        %dma_start3A_58 = arith.constant 0 : i32
        %dma_start3A_59 = tpu.memref_slice %arg11[%add3A_53, %dma_start3A_58] : memref<10240x128xf32, #tpu.memory_space<vmem_shared>> -> memref<128x128xf32, #tpu.memory_space<vmem_shared>>
        %dma_start3A_60 = arith.constant 0 : i32
        %dma_start3A_61 = tpu.memref_slice %arg11[%add3A_53, %dma_start3A_60] : memref<10240x128xf32, #tpu.memory_space<vmem_shared>> -> memref<128x128xf32, #tpu.memory_space<vmem_shared>>
        tpu.enqueue_dma source(%arg9 : memref<128x128xf32, #tpu.memory_space<vmem>>) target(%dma_start3A_61 : memref<128x128xf32, #tpu.memory_space<vmem_shared>>) target_semaphore(%run_scoped3A : memref<!tpu.dma_semaphore, #tpu.memory_space<semaphore_mem>>)
        %dma_wait3A = arith.constant 0 : i32
        %dma_wait3A_62 = tpu.memref_slice %arg11[%add3A_53, %dma_wait3A] : memref<10240x128xf32, #tpu.memory_space<vmem_shared>> -> memref<128x128xf32, #tpu.memory_space<vmem_shared>>
        %dma_wait3A_63 = arith.constant 0 : i32
        %dma_wait3A_64 = tpu.memref_slice %arg11[%add3A_53, %dma_wait3A_63] : memref<10240x128xf32, #tpu.memory_space<vmem_shared>> -> memref<128x128xf32, #tpu.memory_space<vmem_shared>>
        tpu.wait_dma2 semaphore(%run_scoped3A : memref<!tpu.dma_semaphore, #tpu.memory_space<semaphore_mem>>) src(%arg9 : memref<128x128xf32, #tpu.memory_space<vmem>>) dst(%dma_wait3A_64 : memref<128x128xf32, #tpu.memory_space<vmem_shared>>)
        tpu.yield
      }) : () -> ()
      %add3A_54 = arith.constant 384 : i32
      %add3A_55 = arith.addi %mul3A_2, %add3A_54 : i32
      "tpu.region"() ({
        %run_scoped3A = tpu.sem_alloc : memref<!tpu.dma_semaphore, #tpu.memory_space<semaphore_mem>>
        %dma_start3A_58 = arith.constant 0 : i32
        %dma_start3A_59 = tpu.memref_slice %arg11[%add3A_55, %dma_start3A_58] : memref<10240x128xf32, #tpu.memory_space<vmem_shared>> -> memref<128x128xf32, #tpu.memory_space<vmem_shared>>
        %dma_start3A_60 = arith.constant 0 : i32
        %dma_start3A_61 = tpu.memref_slice %arg11[%add3A_55, %dma_start3A_60] : memref<10240x128xf32, #tpu.memory_space<vmem_shared>> -> memref<128x128xf32, #tpu.memory_space<vmem_shared>>
        tpu.enqueue_dma source(%arg9 : memref<128x128xf32, #tpu.memory_space<vmem>>) target(%dma_start3A_61 : memref<128x128xf32, #tpu.memory_space<vmem_shared>>) target_semaphore(%run_scoped3A : memref<!tpu.dma_semaphore, #tpu.memory_space<semaphore_mem>>)
        %dma_wait3A = arith.constant 0 : i32
        %dma_wait3A_62 = tpu.memref_slice %arg11[%add3A_55, %dma_wait3A] : memref<10240x128xf32, #tpu.memory_space<vmem_shared>> -> memref<128x128xf32, #tpu.memory_space<vmem_shared>>
        %dma_wait3A_63 = arith.constant 0 : i32
        %dma_wait3A_64 = tpu.memref_slice %arg11[%add3A_55, %dma_wait3A_63] : memref<10240x128xf32, #tpu.memory_space<vmem_shared>> -> memref<128x128xf32, #tpu.memory_space<vmem_shared>>
        tpu.wait_dma2 semaphore(%run_scoped3A : memref<!tpu.dma_semaphore, #tpu.memory_space<semaphore_mem>>) src(%arg9 : memref<128x128xf32, #tpu.memory_space<vmem>>) dst(%dma_wait3A_64 : memref<128x128xf32, #tpu.memory_space<vmem_shared>>)
        tpu.yield
      }) : () -> ()
      %add3A_56 = arith.constant 512 : i32
      %add3A_57 = arith.addi %mul3A_2, %add3A_56 : i32
      "tpu.region"() ({
        %run_scoped3A = tpu.sem_alloc : memref<!tpu.dma_semaphore, #tpu.memory_space<semaphore_mem>>
        %dma_start3A_58 = arith.constant 0 : i32
        %dma_start3A_59 = tpu.memref_slice %arg11[%add3A_57, %dma_start3A_58] : memref<10240x128xf32, #tpu.memory_space<vmem_shared>> -> memref<128x128xf32, #tpu.memory_space<vmem_shared>>
        %dma_start3A_60 = arith.constant 0 : i32
        %dma_start3A_61 = tpu.memref_slice %arg11[%add3A_57, %dma_start3A_60] : memref<10240x128xf32, #tpu.memory_space<vmem_shared>> -> memref<128x128xf32, #tpu.memory_space<vmem_shared>>
        tpu.enqueue_dma source(%arg9 : memref<128x128xf32, #tpu.memory_space<vmem>>) target(%dma_start3A_61 : memref<128x128xf32, #tpu.memory_space<vmem_shared>>) target_semaphore(%run_scoped3A : memref<!tpu.dma_semaphore, #tpu.memory_space<semaphore_mem>>)
        %dma_wait3A = arith.constant 0 : i32
        %dma_wait3A_62 = tpu.memref_slice %arg11[%add3A_57, %dma_wait3A] : memref<10240x128xf32, #tpu.memory_space<vmem_shared>> -> memref<128x128xf32, #tpu.memory_space<vmem_shared>>
        %dma_wait3A_63 = arith.constant 0 : i32
        %dma_wait3A_64 = tpu.memref_slice %arg11[%add3A_57, %dma_wait3A_63] : memref<10240x128xf32, #tpu.memory_space<vmem_shared>> -> memref<128x128xf32, #tpu.memory_space<vmem_shared>>
        tpu.wait_dma2 semaphore(%run_scoped3A : memref<!tpu.dma_semaphore, #tpu.memory_space<semaphore_mem>>) src(%arg9 : memref<128x128xf32, #tpu.memory_space<vmem>>) dst(%dma_wait3A_64 : memref<128x128xf32, #tpu.memory_space<vmem_shared>>)
        tpu.yield
      }) : () -> ()
    } else {
    }
    %barrier3A = arith.constant 0 : index
    tpu.barrier barrier_id(%barrier3A)
    "tpu.region"() ({
      %run_scoped3A = tpu.sem_alloc : memref<!tpu.dma_semaphore, #tpu.memory_space<semaphore_mem>>
      %dma_start3A_48 = arith.constant 0 : i32
      %dma_start3A_49 = arith.constant 0 : i32
      %dma_start3A_50 = tpu.memref_slice %arg3[%add3A, %dma_start3A_48, %dma_start3A_49] : memref<32x80x128xi32, #tpu.memory_space<hbm>> -> memref<1x40x128xi32, #tpu.memory_space<hbm>>
      %dma_start3A_51 = tpu.memref_squeeze %dma_start3A_50 : memref<1x40x128xi32, #tpu.memory_space<hbm>> -> memref<40x128xi32, #tpu.memory_space<hbm>>
      %dma_start3A_52 = arith.constant 0 : i32
      %dma_start3A_53 = arith.constant 0 : i32
      %dma_start3A_54 = tpu.memref_slice %arg3[%add3A, %dma_start3A_52, %dma_start3A_53] : memref<32x80x128xi32, #tpu.memory_space<hbm>> -> memref<1x40x128xi32, #tpu.memory_space<hbm>>
      %dma_start3A_55 = tpu.memref_squeeze %dma_start3A_54 : memref<1x40x128xi32, #tpu.memory_space<hbm>> -> memref<40x128xi32, #tpu.memory_space<hbm>>
      tpu.enqueue_dma source(%dma_start3A_55 : memref<40x128xi32, #tpu.memory_space<hbm>>) target(%arg7 : memref<40x128xi32, #tpu.memory_space<vmem>>) target_semaphore(%run_scoped3A : memref<!tpu.dma_semaphore, #tpu.memory_space<semaphore_mem>>)
      %dma_wait3A = arith.constant 0 : i32
      %dma_wait3A_56 = arith.constant 0 : i32
      %dma_wait3A_57 = tpu.memref_slice %arg3[%add3A, %dma_wait3A, %dma_wait3A_56] : memref<32x80x128xi32, #tpu.memory_space<hbm>> -> memref<1x40x128xi32, #tpu.memory_space<hbm>>
      %dma_wait3A_58 = tpu.memref_squeeze %dma_wait3A_57 : memref<1x40x128xi32, #tpu.memory_space<hbm>> -> memref<40x128xi32, #tpu.memory_space<hbm>>
      %dma_wait3A_59 = arith.constant 0 : i32
      %dma_wait3A_60 = arith.constant 0 : i32
      %dma_wait3A_61 = tpu.memref_slice %arg3[%add3A, %dma_wait3A_59, %dma_wait3A_60] : memref<32x80x128xi32, #tpu.memory_space<hbm>> -> memref<1x40x128xi32, #tpu.memory_space<hbm>>
      %dma_wait3A_62 = tpu.memref_squeeze %dma_wait3A_61 : memref<1x40x128xi32, #tpu.memory_space<hbm>> -> memref<40x128xi32, #tpu.memory_space<hbm>>
      tpu.wait_dma2 semaphore(%run_scoped3A : memref<!tpu.dma_semaphore, #tpu.memory_space<semaphore_mem>>) src(%dma_wait3A_62 : memref<40x128xi32, #tpu.memory_space<hbm>>) dst(%arg7 : memref<40x128xi32, #tpu.memory_space<vmem>>)
      tpu.yield
    }) : () -> ()
    "tpu.region"() ({
      %run_scoped3A = tpu.sem_alloc : memref<!tpu.dma_semaphore, #tpu.memory_space<semaphore_mem>>
      %dma_start3A_48 = arith.constant 0 : i32
      %dma_start3A_49 = arith.constant 0 : i32
      %dma_start3A_50 = tpu.memref_slice %arg4[%add3A, %dma_start3A_48, %dma_start3A_49] : memref<32x80x128xi32, #tpu.memory_space<hbm>> -> memref<1x40x128xi32, #tpu.memory_space<hbm>>
      %dma_start3A_51 = tpu.memref_squeeze %dma_start3A_50 : memref<1x40x128xi32, #tpu.memory_space<hbm>> -> memref<40x128xi32, #tpu.memory_space<hbm>>
      %dma_start3A_52 = arith.constant 0 : i32
      %dma_start3A_53 = arith.constant 0 : i32
      %dma_start3A_54 = tpu.memref_slice %arg4[%add3A, %dma_start3A_52, %dma_start3A_53] : memref<32x80x128xi32, #tpu.memory_space<hbm>> -> memref<1x40x128xi32, #tpu.memory_space<hbm>>
      %dma_start3A_55 = tpu.memref_squeeze %dma_start3A_54 : memref<1x40x128xi32, #tpu.memory_space<hbm>> -> memref<40x128xi32, #tpu.memory_space<hbm>>
      tpu.enqueue_dma source(%dma_start3A_55 : memref<40x128xi32, #tpu.memory_space<hbm>>) target(%arg8 : memref<40x128xi32, #tpu.memory_space<vmem>>) target_semaphore(%run_scoped3A : memref<!tpu.dma_semaphore, #tpu.memory_space<semaphore_mem>>)
      %dma_wait3A = arith.constant 0 : i32
      %dma_wait3A_56 = arith.constant 0 : i32
      %dma_wait3A_57 = tpu.memref_slice %arg4[%add3A, %dma_wait3A, %dma_wait3A_56] : memref<32x80x128xi32, #tpu.memory_space<hbm>> -> memref<1x40x128xi32, #tpu.memory_space<hbm>>
      %dma_wait3A_58 = tpu.memref_squeeze %dma_wait3A_57 : memref<1x40x128xi32, #tpu.memory_space<hbm>> -> memref<40x128xi32, #tpu.memory_space<hbm>>
      %dma_wait3A_59 = arith.constant 0 : i32
      %dma_wait3A_60 = arith.constant 0 : i32
      %dma_wait3A_61 = tpu.memref_slice %arg4[%add3A, %dma_wait3A_59, %dma_wait3A_60] : memref<32x80x128xi32, #tpu.memory_space<hbm>> -> memref<1x40x128xi32, #tpu.memory_space<hbm>>
      %dma_wait3A_62 = tpu.memref_squeeze %dma_wait3A_61 : memref<1x40x128xi32, #tpu.memory_space<hbm>> -> memref<40x128xi32, #tpu.memory_space<hbm>>
      tpu.wait_dma2 semaphore(%run_scoped3A : memref<!tpu.dma_semaphore, #tpu.memory_space<semaphore_mem>>) src(%dma_wait3A_62 : memref<40x128xi32, #tpu.memory_space<hbm>>) dst(%arg8 : memref<40x128xi32, #tpu.memory_space<vmem>>)
      tpu.yield
    }) : () -> ()
    %dma_start3A = arith.constant 0 : i32
    %dma_start3A_9 = arith.constant 0 : i32
    %dma_start3A_10 = tpu.memref_slice %arg7[%dma_start3A, %dma_start3A_9] : memref<40x128xi32, #tpu.memory_space<vmem>> -> memref<1x128xi32, #tpu.memory_space<vmem>>
    %dma_start3A_11 = tpu.memref_squeeze %dma_start3A_10 : memref<1x128xi32, #tpu.memory_space<vmem>> -> memref<128xi32, #tpu.memory_space<vmem>>
    %dma_start3A_12 = arith.constant 0 : i32
    %dma_start3A_13 = arith.constant 0 : i32
    %dma_start3A_14 = tpu.memref_slice %arg2[%dma_start3A_12, %dma_start3A_13] : memref<10240x128xf32, #tpu.memory_space<hbm>> -> memref<10240x128xf32, #tpu.memory_space<hbm>>
    tpu.enqueue_indirect_dma source(%dma_start3A_14 : memref<10240x128xf32, #tpu.memory_space<hbm>>) target(%arg9 : memref<128x128xf32, #tpu.memory_space<vmem>>) offsets(%dma_start3A_11 : memref<128xi32, #tpu.memory_space<vmem>>) semaphore(%arg12 : memref<!tpu.dma_semaphore, #tpu.memory_space<semaphore_mem>>)
    %dma_start3A_15 = arith.constant 1 : i32
    %dma_start3A_16 = arith.constant 0 : i32
    %dma_start3A_17 = tpu.memref_slice %arg7[%dma_start3A_15, %dma_start3A_16] : memref<40x128xi32, #tpu.memory_space<vmem>> -> memref<1x128xi32, #tpu.memory_space<vmem>>
    %dma_start3A_18 = tpu.memref_squeeze %dma_start3A_17 : memref<1x128xi32, #tpu.memory_space<vmem>> -> memref<128xi32, #tpu.memory_space<vmem>>
    %dma_start3A_19 = arith.constant 0 : i32
    %dma_start3A_20 = arith.constant 0 : i32
    %dma_start3A_21 = tpu.memref_slice %arg2[%dma_start3A_19, %dma_start3A_20] : memref<10240x128xf32, #tpu.memory_space<hbm>> -> memref<10240x128xf32, #tpu.memory_space<hbm>>
    tpu.enqueue_indirect_dma source(%dma_start3A_21 : memref<10240x128xf32, #tpu.memory_space<hbm>>) target(%arg10 : memref<128x128xf32, #tpu.memory_space<vmem>>) offsets(%dma_start3A_18 : memref<128xi32, #tpu.memory_space<vmem>>) semaphore(%arg13 : memref<!tpu.dma_semaphore, #tpu.memory_space<semaphore_mem>>)
    %scan3A = arith.constant 0 : i32
    %scan3A_22 = arith.constant 0 : i32
    %scan3A_23 = arith.constant 20 : i32
    %scan3A_24 = arith.addi %scan3A_22, %scan3A_23 : i32
    %scan3A_25 = arith.constant 1 : i32
    scf.for %scan3A_48 = %scan3A_22 to %scan3A_24 step %scan3A_25  : i32 {
      %mul3A_49 = arith.constant 2 : i32
      %mul3A_50 = arith.muli %mul3A_49, %scan3A_48 : i32
      %dma_wait3A = arith.constant 0 : i32
      %dma_wait3A_51 = tpu.memref_slice %arg7[%mul3A_50, %dma_wait3A] : memref<40x128xi32, #tpu.memory_space<vmem>> -> memref<1x128xi32, #tpu.memory_space<vmem>>
      %dma_wait3A_52 = tpu.memref_squeeze %dma_wait3A_51 : memref<1x128xi32, #tpu.memory_space<vmem>> -> memref<128xi32, #tpu.memory_space<vmem>>
      %dma_wait3A_53 = arith.constant 0 : i32
      %dma_wait3A_54 = arith.constant 0 : i32
      %dma_wait3A_55 = tpu.memref_slice %arg2[%dma_wait3A_53, %dma_wait3A_54] : memref<10240x128xf32, #tpu.memory_space<hbm>> -> memref<10240x128xf32, #tpu.memory_space<hbm>>
      tpu.wait_indirect_dma semaphore(%arg12 : memref<!tpu.dma_semaphore, #tpu.memory_space<semaphore_mem>>) src(%dma_wait3A_55 : memref<10240x128xf32, #tpu.memory_space<hbm>>) dst(%arg9 : memref<128x128xf32, #tpu.memory_space<vmem>>)
      "tpu.region"() ({
        %run_scoped3A = tpu.sem_alloc : memref<!tpu.dma_semaphore, #tpu.memory_space<semaphore_mem>>
        %dma_start3A_79 = arith.constant 0 : i32
        %dma_start3A_80 = tpu.memref_slice %arg8[%mul3A_50, %dma_start3A_79] : memref<40x128xi32, #tpu.memory_space<vmem>> -> memref<1x128xi32, #tpu.memory_space<vmem>>
        %dma_start3A_81 = tpu.memref_squeeze %dma_start3A_80 : memref<1x128xi32, #tpu.memory_space<vmem>> -> memref<128xi32, #tpu.memory_space<vmem>>
        %dma_start3A_82 = arith.constant 0 : i32
        %dma_start3A_83 = arith.constant 0 : i32
        %dma_start3A_84 = tpu.memref_slice %arg11[%dma_start3A_82, %dma_start3A_83] : memref<10240x128xf32, #tpu.memory_space<vmem_shared>> -> memref<10240x128xf32, #tpu.memory_space<vmem_shared>>
        tpu.enqueue_indirect_dma source(%arg9 : memref<128x128xf32, #tpu.memory_space<vmem>>) target(%dma_start3A_84 : memref<10240x128xf32, #tpu.memory_space<vmem_shared>>) offsets(%dma_start3A_81 : memref<128xi32, #tpu.memory_space<vmem>>) semaphore(%run_scoped3A : memref<!tpu.dma_semaphore, #tpu.memory_space<semaphore_mem>>) {add = true}
        %dma_wait3A_85 = arith.constant 0 : i32
        %dma_wait3A_86 = tpu.memref_slice %arg8[%mul3A_50, %dma_wait3A_85] : memref<40x128xi32, #tpu.memory_space<vmem>> -> memref<1x128xi32, #tpu.memory_space<vmem>>
        %dma_wait3A_87 = tpu.memref_squeeze %dma_wait3A_86 : memref<1x128xi32, #tpu.memory_space<vmem>> -> memref<128xi32, #tpu.memory_space<vmem>>
        %dma_wait3A_88 = arith.constant 0 : i32
        %dma_wait3A_89 = arith.constant 0 : i32
        %dma_wait3A_90 = tpu.memref_slice %arg11[%dma_wait3A_88, %dma_wait3A_89] : memref<10240x128xf32, #tpu.memory_space<vmem_shared>> -> memref<10240x128xf32, #tpu.memory_space<vmem_shared>>
        tpu.wait_indirect_dma semaphore(%run_scoped3A : memref<!tpu.dma_semaphore, #tpu.memory_space<semaphore_mem>>) src(%arg9 : memref<128x128xf32, #tpu.memory_space<vmem>>) dst(%dma_wait3A_90 : memref<10240x128xf32, #tpu.memory_space<vmem_shared>>)
        tpu.yield
      }) : () -> ()
      %add3A_56 = arith.constant 2 : i32
      %add3A_57 = arith.addi %mul3A_50, %add3A_56 : i32
      %lt3A = arith.constant 40 : i32
      %lt3A_58 = arith.cmpi slt, %add3A_57, %lt3A : i32
      %convert_element_type3A_59 = arith.extui %lt3A_58 : i1 to i32
      %cond3A_60 = arith.constant 0 : i32
      %cond3A_61 = arith.cmpi ne, %convert_element_type3A_59, %cond3A_60 : i32
      scf.if %cond3A_61 {
        %add3A_79 = arith.constant 2 : i32
        %add3A_80 = arith.addi %mul3A_50, %add3A_79 : i32
        %dma_start3A_81 = arith.constant 0 : i32
        %dma_start3A_82 = tpu.memref_slice %arg7[%add3A_80, %dma_start3A_81] : memref<40x128xi32, #tpu.memory_space<vmem>> -> memref<1x128xi32, #tpu.memory_space<vmem>>
        %dma_start3A_83 = tpu.memref_squeeze %dma_start3A_82 : memref<1x128xi32, #tpu.memory_space<vmem>> -> memref<128xi32, #tpu.memory_space<vmem>>
        %dma_start3A_84 = arith.constant 0 : i32
        %dma_start3A_85 = arith.constant 0 : i32
        %dma_start3A_86 = tpu.memref_slice %arg2[%dma_start3A_84, %dma_start3A_85] : memref<10240x128xf32, #tpu.memory_space<hbm>> -> memref<10240x128xf32, #tpu.memory_space<hbm>>
        tpu.enqueue_indirect_dma source(%dma_start3A_86 : memref<10240x128xf32, #tpu.memory_space<hbm>>) target(%arg9 : memref<128x128xf32, #tpu.memory_space<vmem>>) offsets(%dma_start3A_83 : memref<128xi32, #tpu.memory_space<vmem>>) semaphore(%arg12 : memref<!tpu.dma_semaphore, #tpu.memory_space<semaphore_mem>>)
      } else {
      }
      %add3A_62 = arith.constant 1 : i32
      %add3A_63 = arith.addi %mul3A_50, %add3A_62 : i32
      %dma_wait3A_64 = arith.constant 0 : i32
      %dma_wait3A_65 = tpu.memref_slice %arg7[%add3A_63, %dma_wait3A_64] : memref<40x128xi32, #tpu.memory_space<vmem>> -> memref<1x128xi32, #tpu.memory_space<vmem>>
      %dma_wait3A_66 = tpu.memref_squeeze %dma_wait3A_65 : memref<1x128xi32, #tpu.memory_space<vmem>> -> memref<128xi32, #tpu.memory_space<vmem>>
      %dma_wait3A_67 = arith.constant 0 : i32
      %dma_wait3A_68 = arith.constant 0 : i32
      %dma_wait3A_69 = tpu.memref_slice %arg2[%dma_wait3A_67, %dma_wait3A_68] : memref<10240x128xf32, #tpu.memory_space<hbm>> -> memref<10240x128xf32, #tpu.memory_space<hbm>>
      tpu.wait_indirect_dma semaphore(%arg13 : memref<!tpu.dma_semaphore, #tpu.memory_space<semaphore_mem>>) src(%dma_wait3A_69 : memref<10240x128xf32, #tpu.memory_space<hbm>>) dst(%arg10 : memref<128x128xf32, #tpu.memory_space<vmem>>)
      %add3A_70 = arith.constant 1 : i32
      %add3A_71 = arith.addi %mul3A_50, %add3A_70 : i32
      "tpu.region"() ({
        %run_scoped3A = tpu.sem_alloc : memref<!tpu.dma_semaphore, #tpu.memory_space<semaphore_mem>>
        %dma_start3A_79 = arith.constant 0 : i32
        %dma_start3A_80 = tpu.memref_slice %arg8[%add3A_71, %dma_start3A_79] : memref<40x128xi32, #tpu.memory_space<vmem>> -> memref<1x128xi32, #tpu.memory_space<vmem>>
        %dma_start3A_81 = tpu.memref_squeeze %dma_start3A_80 : memref<1x128xi32, #tpu.memory_space<vmem>> -> memref<128xi32, #tpu.memory_space<vmem>>
        %dma_start3A_82 = arith.constant 0 : i32
        %dma_start3A_83 = arith.constant 0 : i32
        %dma_start3A_84 = tpu.memref_slice %arg11[%dma_start3A_82, %dma_start3A_83] : memref<10240x128xf32, #tpu.memory_space<vmem_shared>> -> memref<10240x128xf32, #tpu.memory_space<vmem_shared>>
        tpu.enqueue_indirect_dma source(%arg10 : memref<128x128xf32, #tpu.memory_space<vmem>>) target(%dma_start3A_84 : memref<10240x128xf32, #tpu.memory_space<vmem_shared>>) offsets(%dma_start3A_81 : memref<128xi32, #tpu.memory_space<vmem>>) semaphore(%run_scoped3A : memref<!tpu.dma_semaphore, #tpu.memory_space<semaphore_mem>>) {add = true}
        %dma_wait3A_85 = arith.constant 0 : i32
        %dma_wait3A_86 = tpu.memref_slice %arg8[%add3A_71, %dma_wait3A_85] : memref<40x128xi32, #tpu.memory_space<vmem>> -> memref<1x128xi32, #tpu.memory_space<vmem>>
        %dma_wait3A_87 = tpu.memref_squeeze %dma_wait3A_86 : memref<1x128xi32, #tpu.memory_space<vmem>> -> memref<128xi32, #tpu.memory_space<vmem>>
        %dma_wait3A_88 = arith.constant 0 : i32
        %dma_wait3A_89 = arith.constant 0 : i32
        %dma_wait3A_90 = tpu.memref_slice %arg11[%dma_wait3A_88, %dma_wait3A_89] : memref<10240x128xf32, #tpu.memory_space<vmem_shared>> -> memref<10240x128xf32, #tpu.memory_space<vmem_shared>>
        tpu.wait_indirect_dma semaphore(%run_scoped3A : memref<!tpu.dma_semaphore, #tpu.memory_space<semaphore_mem>>) src(%arg10 : memref<128x128xf32, #tpu.memory_space<vmem>>) dst(%dma_wait3A_90 : memref<10240x128xf32, #tpu.memory_space<vmem_shared>>)
        tpu.yield
      }) : () -> ()
      %add3A_72 = arith.constant 3 : i32
      %add3A_73 = arith.addi %mul3A_50, %add3A_72 : i32
      %lt3A_74 = arith.constant 40 : i32
      %lt3A_75 = arith.cmpi slt, %add3A_73, %lt3A_74 : i32
      %convert_element_type3A_76 = arith.extui %lt3A_75 : i1 to i32
      %cond3A_77 = arith.constant 0 : i32
      %cond3A_78 = arith.cmpi ne, %convert_element_type3A_76, %cond3A_77 : i32
      scf.if %cond3A_78 {
        %add3A_79 = arith.constant 3 : i32
        %add3A_80 = arith.addi %mul3A_50, %add3A_79 : i32
        %dma_start3A_81 = arith.constant 0 : i32
        %dma_start3A_82 = tpu.memref_slice %arg7[%add3A_80, %dma_start3A_81] : memref<40x128xi32, #tpu.memory_space<vmem>> -> memref<1x128xi32, #tpu.memory_space<vmem>>
        %dma_start3A_83 = tpu.memref_squeeze %dma_start3A_82 : memref<1x128xi32, #tpu.memory_space<vmem>> -> memref<128xi32, #tpu.memory_space<vmem>>
        %dma_start3A_84 = arith.constant 0 : i32
        %dma_start3A_85 = arith.constant 0 : i32
        %dma_start3A_86 = tpu.memref_slice %arg2[%dma_start3A_84, %dma_start3A_85] : memref<10240x128xf32, #tpu.memory_space<hbm>> -> memref<10240x128xf32, #tpu.memory_space<hbm>>
        tpu.enqueue_indirect_dma source(%dma_start3A_86 : memref<10240x128xf32, #tpu.memory_space<hbm>>) target(%arg10 : memref<128x128xf32, #tpu.memory_space<vmem>>) offsets(%dma_start3A_83 : memref<128xi32, #tpu.memory_space<vmem>>) semaphore(%arg13 : memref<!tpu.dma_semaphore, #tpu.memory_space<semaphore_mem>>)
      } else {
      }
    }
    %scan3A_26 = arith.constant 20 : i32
    "tpu.region"() ({
      %run_scoped3A = tpu.sem_alloc : memref<!tpu.dma_semaphore, #tpu.memory_space<semaphore_mem>>
      %dma_start3A_48 = arith.constant 40 : i32
      %dma_start3A_49 = arith.constant 0 : i32
      %dma_start3A_50 = tpu.memref_slice %arg3[%add3A, %dma_start3A_48, %dma_start3A_49] : memref<32x80x128xi32, #tpu.memory_space<hbm>> -> memref<1x40x128xi32, #tpu.memory_space<hbm>>
      %dma_start3A_51 = tpu.memref_squeeze %dma_start3A_50 : memref<1x40x128xi32, #tpu.memory_space<hbm>> -> memref<40x128xi32, #tpu.memory_space<hbm>>
      %dma_start3A_52 = arith.constant 40 : i32
      %dma_start3A_53 = arith.constant 0 : i32
      %dma_start3A_54 = tpu.memref_slice %arg3[%add3A, %dma_start3A_52, %dma_start3A_53] : memref<32x80x128xi32, #tpu.memory_space<hbm>> -> memref<1x40x128xi32, #tpu.memory_space<hbm>>
      %dma_start3A_55 = tpu.memref_squeeze %dma_start3A_54 : memref<1x40x128xi32, #tpu.memory_space<hbm>> -> memref<40x128xi32, #tpu.memory_space<hbm>>
      tpu.enqueue_dma source(%dma_start3A_55 : memref<40x128xi32, #tpu.memory_space<hbm>>) target(%arg7 : memref<40x128xi32, #tpu.memory_space<vmem>>) target_semaphore(%run_scoped3A : memref<!tpu.dma_semaphore, #tpu.memory_space<semaphore_mem>>)
      %dma_wait3A = arith.constant 40 : i32
      %dma_wait3A_56 = arith.constant 0 : i32
      %dma_wait3A_57 = tpu.memref_slice %arg3[%add3A, %dma_wait3A, %dma_wait3A_56] : memref<32x80x128xi32, #tpu.memory_space<hbm>> -> memref<1x40x128xi32, #tpu.memory_space<hbm>>
      %dma_wait3A_58 = tpu.memref_squeeze %dma_wait3A_57 : memref<1x40x128xi32, #tpu.memory_space<hbm>> -> memref<40x128xi32, #tpu.memory_space<hbm>>
      %dma_wait3A_59 = arith.constant 40 : i32
      %dma_wait3A_60 = arith.constant 0 : i32
      %dma_wait3A_61 = tpu.memref_slice %arg3[%add3A, %dma_wait3A_59, %dma_wait3A_60] : memref<32x80x128xi32, #tpu.memory_space<hbm>> -> memref<1x40x128xi32, #tpu.memory_space<hbm>>
      %dma_wait3A_62 = tpu.memref_squeeze %dma_wait3A_61 : memref<1x40x128xi32, #tpu.memory_space<hbm>> -> memref<40x128xi32, #tpu.memory_space<hbm>>
      tpu.wait_dma2 semaphore(%run_scoped3A : memref<!tpu.dma_semaphore, #tpu.memory_space<semaphore_mem>>) src(%dma_wait3A_62 : memref<40x128xi32, #tpu.memory_space<hbm>>) dst(%arg7 : memref<40x128xi32, #tpu.memory_space<vmem>>)
      tpu.yield
    }) : () -> ()
    "tpu.region"() ({
      %run_scoped3A = tpu.sem_alloc : memref<!tpu.dma_semaphore, #tpu.memory_space<semaphore_mem>>
      %dma_start3A_48 = arith.constant 40 : i32
      %dma_start3A_49 = arith.constant 0 : i32
      %dma_start3A_50 = tpu.memref_slice %arg4[%add3A, %dma_start3A_48, %dma_start3A_49] : memref<32x80x128xi32, #tpu.memory_space<hbm>> -> memref<1x40x128xi32, #tpu.memory_space<hbm>>
      %dma_start3A_51 = tpu.memref_squeeze %dma_start3A_50 : memref<1x40x128xi32, #tpu.memory_space<hbm>> -> memref<40x128xi32, #tpu.memory_space<hbm>>
      %dma_start3A_52 = arith.constant 40 : i32
      %dma_start3A_53 = arith.constant 0 : i32
      %dma_start3A_54 = tpu.memref_slice %arg4[%add3A, %dma_start3A_52, %dma_start3A_53] : memref<32x80x128xi32, #tpu.memory_space<hbm>> -> memref<1x40x128xi32, #tpu.memory_space<hbm>>
      %dma_start3A_55 = tpu.memref_squeeze %dma_start3A_54 : memref<1x40x128xi32, #tpu.memory_space<hbm>> -> memref<40x128xi32, #tpu.memory_space<hbm>>
      tpu.enqueue_dma source(%dma_start3A_55 : memref<40x128xi32, #tpu.memory_space<hbm>>) target(%arg8 : memref<40x128xi32, #tpu.memory_space<vmem>>) target_semaphore(%run_scoped3A : memref<!tpu.dma_semaphore, #tpu.memory_space<semaphore_mem>>)
      %dma_wait3A = arith.constant 40 : i32
      %dma_wait3A_56 = arith.constant 0 : i32
      %dma_wait3A_57 = tpu.memref_slice %arg4[%add3A, %dma_wait3A, %dma_wait3A_56] : memref<32x80x128xi32, #tpu.memory_space<hbm>> -> memref<1x40x128xi32, #tpu.memory_space<hbm>>
      %dma_wait3A_58 = tpu.memref_squeeze %dma_wait3A_57 : memref<1x40x128xi32, #tpu.memory_space<hbm>> -> memref<40x128xi32, #tpu.memory_space<hbm>>
      %dma_wait3A_59 = arith.constant 40 : i32
      %dma_wait3A_60 = arith.constant 0 : i32
      %dma_wait3A_61 = tpu.memref_slice %arg4[%add3A, %dma_wait3A_59, %dma_wait3A_60] : memref<32x80x128xi32, #tpu.memory_space<hbm>> -> memref<1x40x128xi32, #tpu.memory_space<hbm>>
      %dma_wait3A_62 = tpu.memref_squeeze %dma_wait3A_61 : memref<1x40x128xi32, #tpu.memory_space<hbm>> -> memref<40x128xi32, #tpu.memory_space<hbm>>
      tpu.wait_dma2 semaphore(%run_scoped3A : memref<!tpu.dma_semaphore, #tpu.memory_space<semaphore_mem>>) src(%dma_wait3A_62 : memref<40x128xi32, #tpu.memory_space<hbm>>) dst(%arg8 : memref<40x128xi32, #tpu.memory_space<vmem>>)
      tpu.yield
    }) : () -> ()
    %dma_start3A_27 = arith.constant 0 : i32
    %dma_start3A_28 = arith.constant 0 : i32
    %dma_start3A_29 = tpu.memref_slice %arg7[%dma_start3A_27, %dma_start3A_28] : memref<40x128xi32, #tpu.memory_space<vmem>> -> memref<1x128xi32, #tpu.memory_space<vmem>>
    %dma_start3A_30 = tpu.memref_squeeze %dma_start3A_29 : memref<1x128xi32, #tpu.memory_space<vmem>> -> memref<128xi32, #tpu.memory_space<vmem>>
    %dma_start3A_31 = arith.constant 0 : i32
    %dma_start3A_32 = arith.constant 0 : i32
    %dma_start3A_33 = tpu.memref_slice %arg2[%dma_start3A_31, %dma_start3A_32] : memref<10240x128xf32, #tpu.memory_space<hbm>> -> memref<10240x128xf32, #tpu.memory_space<hbm>>
    tpu.enqueue_indirect_dma source(%dma_start3A_33 : memref<10240x128xf32, #tpu.memory_space<hbm>>) target(%arg9 : memref<128x128xf32, #tpu.memory_space<vmem>>) offsets(%dma_start3A_30 : memref<128xi32, #tpu.memory_space<vmem>>) semaphore(%arg12 : memref<!tpu.dma_semaphore, #tpu.memory_space<semaphore_mem>>)
    %dma_start3A_34 = arith.constant 1 : i32
    %dma_start3A_35 = arith.constant 0 : i32
    %dma_start3A_36 = tpu.memref_slice %arg7[%dma_start3A_34, %dma_start3A_35] : memref<40x128xi32, #tpu.memory_space<vmem>> -> memref<1x128xi32, #tpu.memory_space<vmem>>
    %dma_start3A_37 = tpu.memref_squeeze %dma_start3A_36 : memref<1x128xi32, #tpu.memory_space<vmem>> -> memref<128xi32, #tpu.memory_space<vmem>>
    %dma_start3A_38 = arith.constant 0 : i32
    %dma_start3A_39 = arith.constant 0 : i32
    %dma_start3A_40 = tpu.memref_slice %arg2[%dma_start3A_38, %dma_start3A_39] : memref<10240x128xf32, #tpu.memory_space<hbm>> -> memref<10240x128xf32, #tpu.memory_space<hbm>>
    tpu.enqueue_indirect_dma source(%dma_start3A_40 : memref<10240x128xf32, #tpu.memory_space<hbm>>) target(%arg10 : memref<128x128xf32, #tpu.memory_space<vmem>>) offsets(%dma_start3A_37 : memref<128xi32, #tpu.memory_space<vmem>>) semaphore(%arg13 : memref<!tpu.dma_semaphore, #tpu.memory_space<semaphore_mem>>)
    %scan3A_41 = arith.constant 0 : i32
    %scan3A_42 = arith.constant 0 : i32
    %scan3A_43 = arith.constant 20 : i32
    %scan3A_44 = arith.addi %scan3A_42, %scan3A_43 : i32
    %scan3A_45 = arith.constant 1 : i32
    scf.for %scan3A_48 = %scan3A_42 to %scan3A_44 step %scan3A_45  : i32 {
      %mul3A_49 = arith.constant 2 : i32
      %mul3A_50 = arith.muli %mul3A_49, %scan3A_48 : i32
      %dma_wait3A = arith.constant 0 : i32
      %dma_wait3A_51 = tpu.memref_slice %arg7[%mul3A_50, %dma_wait3A] : memref<40x128xi32, #tpu.memory_space<vmem>> -> memref<1x128xi32, #tpu.memory_space<vmem>>
      %dma_wait3A_52 = tpu.memref_squeeze %dma_wait3A_51 : memref<1x128xi32, #tpu.memory_space<vmem>> -> memref<128xi32, #tpu.memory_space<vmem>>
      %dma_wait3A_53 = arith.constant 0 : i32
      %dma_wait3A_54 = arith.constant 0 : i32
      %dma_wait3A_55 = tpu.memref_slice %arg2[%dma_wait3A_53, %dma_wait3A_54] : memref<10240x128xf32, #tpu.memory_space<hbm>> -> memref<10240x128xf32, #tpu.memory_space<hbm>>
      tpu.wait_indirect_dma semaphore(%arg12 : memref<!tpu.dma_semaphore, #tpu.memory_space<semaphore_mem>>) src(%dma_wait3A_55 : memref<10240x128xf32, #tpu.memory_space<hbm>>) dst(%arg9 : memref<128x128xf32, #tpu.memory_space<vmem>>)
      "tpu.region"() ({
        %run_scoped3A = tpu.sem_alloc : memref<!tpu.dma_semaphore, #tpu.memory_space<semaphore_mem>>
        %dma_start3A_79 = arith.constant 0 : i32
        %dma_start3A_80 = tpu.memref_slice %arg8[%mul3A_50, %dma_start3A_79] : memref<40x128xi32, #tpu.memory_space<vmem>> -> memref<1x128xi32, #tpu.memory_space<vmem>>
        %dma_start3A_81 = tpu.memref_squeeze %dma_start3A_80 : memref<1x128xi32, #tpu.memory_space<vmem>> -> memref<128xi32, #tpu.memory_space<vmem>>
        %dma_start3A_82 = arith.constant 0 : i32
        %dma_start3A_83 = arith.constant 0 : i32
        %dma_start3A_84 = tpu.memref_slice %arg11[%dma_start3A_82, %dma_start3A_83] : memref<10240x128xf32, #tpu.memory_space<vmem_shared>> -> memref<10240x128xf32, #tpu.memory_space<vmem_shared>>
        tpu.enqueue_indirect_dma source(%arg9 : memref<128x128xf32, #tpu.memory_space<vmem>>) target(%dma_start3A_84 : memref<10240x128xf32, #tpu.memory_space<vmem_shared>>) offsets(%dma_start3A_81 : memref<128xi32, #tpu.memory_space<vmem>>) semaphore(%run_scoped3A : memref<!tpu.dma_semaphore, #tpu.memory_space<semaphore_mem>>) {add = true}
        %dma_wait3A_85 = arith.constant 0 : i32
        %dma_wait3A_86 = tpu.memref_slice %arg8[%mul3A_50, %dma_wait3A_85] : memref<40x128xi32, #tpu.memory_space<vmem>> -> memref<1x128xi32, #tpu.memory_space<vmem>>
        %dma_wait3A_87 = tpu.memref_squeeze %dma_wait3A_86 : memref<1x128xi32, #tpu.memory_space<vmem>> -> memref<128xi32, #tpu.memory_space<vmem>>
        %dma_wait3A_88 = arith.constant 0 : i32
        %dma_wait3A_89 = arith.constant 0 : i32
        %dma_wait3A_90 = tpu.memref_slice %arg11[%dma_wait3A_88, %dma_wait3A_89] : memref<10240x128xf32, #tpu.memory_space<vmem_shared>> -> memref<10240x128xf32, #tpu.memory_space<vmem_shared>>
        tpu.wait_indirect_dma semaphore(%run_scoped3A : memref<!tpu.dma_semaphore, #tpu.memory_space<semaphore_mem>>) src(%arg9 : memref<128x128xf32, #tpu.memory_space<vmem>>) dst(%dma_wait3A_90 : memref<10240x128xf32, #tpu.memory_space<vmem_shared>>)
        tpu.yield
      }) : () -> ()
      %add3A_56 = arith.constant 2 : i32
      %add3A_57 = arith.addi %mul3A_50, %add3A_56 : i32
      %lt3A = arith.constant 40 : i32
      %lt3A_58 = arith.cmpi slt, %add3A_57, %lt3A : i32
      %convert_element_type3A_59 = arith.extui %lt3A_58 : i1 to i32
      %cond3A_60 = arith.constant 0 : i32
      %cond3A_61 = arith.cmpi ne, %convert_element_type3A_59, %cond3A_60 : i32
      scf.if %cond3A_61 {
        %add3A_79 = arith.constant 2 : i32
        %add3A_80 = arith.addi %mul3A_50, %add3A_79 : i32
        %dma_start3A_81 = arith.constant 0 : i32
        %dma_start3A_82 = tpu.memref_slice %arg7[%add3A_80, %dma_start3A_81] : memref<40x128xi32, #tpu.memory_space<vmem>> -> memref<1x128xi32, #tpu.memory_space<vmem>>
        %dma_start3A_83 = tpu.memref_squeeze %dma_start3A_82 : memref<1x128xi32, #tpu.memory_space<vmem>> -> memref<128xi32, #tpu.memory_space<vmem>>
        %dma_start3A_84 = arith.constant 0 : i32
        %dma_start3A_85 = arith.constant 0 : i32
        %dma_start3A_86 = tpu.memref_slice %arg2[%dma_start3A_84, %dma_start3A_85] : memref<10240x128xf32, #tpu.memory_space<hbm>> -> memref<10240x128xf32, #tpu.memory_space<hbm>>
        tpu.enqueue_indirect_dma source(%dma_start3A_86 : memref<10240x128xf32, #tpu.memory_space<hbm>>) target(%arg9 : memref<128x128xf32, #tpu.memory_space<vmem>>) offsets(%dma_start3A_83 : memref<128xi32, #tpu.memory_space<vmem>>) semaphore(%arg12 : memref<!tpu.dma_semaphore, #tpu.memory_space<semaphore_mem>>)
      } else {
      }
      %add3A_62 = arith.constant 1 : i32
      %add3A_63 = arith.addi %mul3A_50, %add3A_62 : i32
      %dma_wait3A_64 = arith.constant 0 : i32
      %dma_wait3A_65 = tpu.memref_slice %arg7[%add3A_63, %dma_wait3A_64] : memref<40x128xi32, #tpu.memory_space<vmem>> -> memref<1x128xi32, #tpu.memory_space<vmem>>
      %dma_wait3A_66 = tpu.memref_squeeze %dma_wait3A_65 : memref<1x128xi32, #tpu.memory_space<vmem>> -> memref<128xi32, #tpu.memory_space<vmem>>
      %dma_wait3A_67 = arith.constant 0 : i32
      %dma_wait3A_68 = arith.constant 0 : i32
      %dma_wait3A_69 = tpu.memref_slice %arg2[%dma_wait3A_67, %dma_wait3A_68] : memref<10240x128xf32, #tpu.memory_space<hbm>> -> memref<10240x128xf32, #tpu.memory_space<hbm>>
      tpu.wait_indirect_dma semaphore(%arg13 : memref<!tpu.dma_semaphore, #tpu.memory_space<semaphore_mem>>) src(%dma_wait3A_69 : memref<10240x128xf32, #tpu.memory_space<hbm>>) dst(%arg10 : memref<128x128xf32, #tpu.memory_space<vmem>>)
      %add3A_70 = arith.constant 1 : i32
      %add3A_71 = arith.addi %mul3A_50, %add3A_70 : i32
      "tpu.region"() ({
        %run_scoped3A = tpu.sem_alloc : memref<!tpu.dma_semaphore, #tpu.memory_space<semaphore_mem>>
        %dma_start3A_79 = arith.constant 0 : i32
        %dma_start3A_80 = tpu.memref_slice %arg8[%add3A_71, %dma_start3A_79] : memref<40x128xi32, #tpu.memory_space<vmem>> -> memref<1x128xi32, #tpu.memory_space<vmem>>
        %dma_start3A_81 = tpu.memref_squeeze %dma_start3A_80 : memref<1x128xi32, #tpu.memory_space<vmem>> -> memref<128xi32, #tpu.memory_space<vmem>>
        %dma_start3A_82 = arith.constant 0 : i32
        %dma_start3A_83 = arith.constant 0 : i32
        %dma_start3A_84 = tpu.memref_slice %arg11[%dma_start3A_82, %dma_start3A_83] : memref<10240x128xf32, #tpu.memory_space<vmem_shared>> -> memref<10240x128xf32, #tpu.memory_space<vmem_shared>>
        tpu.enqueue_indirect_dma source(%arg10 : memref<128x128xf32, #tpu.memory_space<vmem>>) target(%dma_start3A_84 : memref<10240x128xf32, #tpu.memory_space<vmem_shared>>) offsets(%dma_start3A_81 : memref<128xi32, #tpu.memory_space<vmem>>) semaphore(%run_scoped3A : memref<!tpu.dma_semaphore, #tpu.memory_space<semaphore_mem>>) {add = true}
        %dma_wait3A_85 = arith.constant 0 : i32
        %dma_wait3A_86 = tpu.memref_slice %arg8[%add3A_71, %dma_wait3A_85] : memref<40x128xi32, #tpu.memory_space<vmem>> -> memref<1x128xi32, #tpu.memory_space<vmem>>
        %dma_wait3A_87 = tpu.memref_squeeze %dma_wait3A_86 : memref<1x128xi32, #tpu.memory_space<vmem>> -> memref<128xi32, #tpu.memory_space<vmem>>
        %dma_wait3A_88 = arith.constant 0 : i32
        %dma_wait3A_89 = arith.constant 0 : i32
        %dma_wait3A_90 = tpu.memref_slice %arg11[%dma_wait3A_88, %dma_wait3A_89] : memref<10240x128xf32, #tpu.memory_space<vmem_shared>> -> memref<10240x128xf32, #tpu.memory_space<vmem_shared>>
        tpu.wait_indirect_dma semaphore(%run_scoped3A : memref<!tpu.dma_semaphore, #tpu.memory_space<semaphore_mem>>) src(%arg10 : memref<128x128xf32, #tpu.memory_space<vmem>>) dst(%dma_wait3A_90 : memref<10240x128xf32, #tpu.memory_space<vmem_shared>>)
        tpu.yield
      }) : () -> ()
      %add3A_72 = arith.constant 3 : i32
      %add3A_73 = arith.addi %mul3A_50, %add3A_72 : i32
      %lt3A_74 = arith.constant 40 : i32
      %lt3A_75 = arith.cmpi slt, %add3A_73, %lt3A_74 : i32
      %convert_element_type3A_76 = arith.extui %lt3A_75 : i1 to i32
      %cond3A_77 = arith.constant 0 : i32
      %cond3A_78 = arith.cmpi ne, %convert_element_type3A_76, %cond3A_77 : i32
      scf.if %cond3A_78 {
        %add3A_79 = arith.constant 3 : i32
        %add3A_80 = arith.addi %mul3A_50, %add3A_79 : i32
        %dma_start3A_81 = arith.constant 0 : i32
        %dma_start3A_82 = tpu.memref_slice %arg7[%add3A_80, %dma_start3A_81] : memref<40x128xi32, #tpu.memory_space<vmem>> -> memref<1x128xi32, #tpu.memory_space<vmem>>
        %dma_start3A_83 = tpu.memref_squeeze %dma_start3A_82 : memref<1x128xi32, #tpu.memory_space<vmem>> -> memref<128xi32, #tpu.memory_space<vmem>>
        %dma_start3A_84 = arith.constant 0 : i32
        %dma_start3A_85 = arith.constant 0 : i32
        %dma_start3A_86 = tpu.memref_slice %arg2[%dma_start3A_84, %dma_start3A_85] : memref<10240x128xf32, #tpu.memory_space<hbm>> -> memref<10240x128xf32, #tpu.memory_space<hbm>>
        tpu.enqueue_indirect_dma source(%dma_start3A_86 : memref<10240x128xf32, #tpu.memory_space<hbm>>) target(%arg10 : memref<128x128xf32, #tpu.memory_space<vmem>>) offsets(%dma_start3A_83 : memref<128xi32, #tpu.memory_space<vmem>>) semaphore(%arg13 : memref<!tpu.dma_semaphore, #tpu.memory_space<semaphore_mem>>)
      } else {
      }
    }
    %scan3A_46 = arith.constant 20 : i32
    %barrier3A_47 = arith.constant 0 : index
    tpu.barrier barrier_id(%barrier3A_47)
    "tpu.region"() ({
      %run_scoped3A = tpu.sem_alloc : memref<!tpu.dma_semaphore, #tpu.memory_space<semaphore_mem>>
      %dma_start3A_48 = arith.constant 0 : i32
      %dma_start3A_49 = tpu.memref_slice %arg6[%arg0, %mul3A_2, %dma_start3A_48] : memref<2x10240x128xf32, #tpu.memory_space<hbm>> -> memref<1x640x128xf32, #tpu.memory_space<hbm>>
      %dma_start3A_50 = tpu.memref_squeeze %dma_start3A_49 : memref<1x640x128xf32, #tpu.memory_space<hbm>> -> memref<640x128xf32, #tpu.memory_space<hbm>>
      %dma_start3A_51 = arith.constant 0 : i32
      %dma_start3A_52 = tpu.memref_slice %arg11[%mul3A_2, %dma_start3A_51] : memref<10240x128xf32, #tpu.memory_space<vmem_shared>> -> memref<640x128xf32, #tpu.memory_space<vmem_shared>>
      tpu.enqueue_dma source(%dma_start3A_52 : memref<640x128xf32, #tpu.memory_space<vmem_shared>>) target(%dma_start3A_50 : memref<640x128xf32, #tpu.memory_space<hbm>>) target_semaphore(%run_scoped3A : memref<!tpu.dma_semaphore, #tpu.memory_space<semaphore_mem>>)
      %dma_wait3A = arith.constant 0 : i32
      %dma_wait3A_53 = tpu.memref_slice %arg6[%arg0, %mul3A_2, %dma_wait3A] : memref<2x10240x128xf32, #tpu.memory_space<hbm>> -> memref<1x640x128xf32, #tpu.memory_space<hbm>>
      %dma_wait3A_54 = tpu.memref_squeeze %dma_wait3A_53 : memref<1x640x128xf32, #tpu.memory_space<hbm>> -> memref<640x128xf32, #tpu.memory_space<hbm>>
      %dma_wait3A_55 = arith.constant 0 : i32
      %dma_wait3A_56 = tpu.memref_slice %arg11[%mul3A_2, %dma_wait3A_55] : memref<10240x128xf32, #tpu.memory_space<vmem_shared>> -> memref<640x128xf32, #tpu.memory_space<vmem_shared>>
      tpu.wait_dma2 semaphore(%run_scoped3A : memref<!tpu.dma_semaphore, #tpu.memory_space<semaphore_mem>>) src(%dma_wait3A_56 : memref<640x128xf32, #tpu.memory_space<vmem_shared>>) dst(%dma_wait3A_54 : memref<640x128xf32, #tpu.memory_space<hbm>>)
      tpu.yield
    }) : () -> ()
    return
  }
}

#map = affine_map<(d0, d1) -> (0, 0, 0)>
#map1 = affine_map<(d0, d1) -> (0, 0)>
module attributes {stable_mosaic.version = 14 : i64} {
  func.func @k(%arg0: i32, %arg1: i32, %arg2: memref<32x80x128xi32, #tpu.memory_space<hbm>>, %arg3: memref<128x16xf32, #tpu.memory_space<hbm>>, %arg4: memref<128x16xf32, #tpu.memory_space<hbm>>, %arg5: memref<2x10240x16xf32, #tpu.memory_space<hbm>>, %arg6: memref<80x128xi32, #tpu.memory_space<vmem>>, %arg7: memref<128x16xf32, #tpu.memory_space<vmem>>, %arg8: memref<10240x16xf32, #tpu.memory_space<vmem_shared>>) attributes {dimension_semantics = [#tpu.dimension_semantics<core_parallel>, #tpu.dimension_semantics<subcore_parallel>], iteration_bounds = array<i64: 2, 16>, scalar_prefetch = 0 : i64, scratch_operands = 3 : i64, tpu.core_type = #tpu.core_type<sc_vector_subcore>, window_params = [{transform_indices = #map}, {transform_indices = #map1}, {transform_indices = #map1}, {transform_indices = #map}]} {
    %mul3A = arith.constant 2 : i32
    %mul3A_0 = arith.muli %arg1, %mul3A : i32
    %add3A = arith.addi %mul3A_0, %arg0 : i32
    %mul3A_1 = arith.constant 640 : i32
    %mul3A_2 = arith.muli %arg1, %mul3A_1 : i32
    "tpu.region"() ({
      %run_scoped3A = tpu.sem_alloc : memref<!tpu.dma_semaphore, #tpu.memory_space<semaphore_mem>>
      tpu.enqueue_dma source(%arg3 : memref<128x16xf32, #tpu.memory_space<hbm>>) target(%arg7 : memref<128x16xf32, #tpu.memory_space<vmem>>) target_semaphore(%run_scoped3A : memref<!tpu.dma_semaphore, #tpu.memory_space<semaphore_mem>>)
      tpu.wait_dma2 semaphore(%run_scoped3A : memref<!tpu.dma_semaphore, #tpu.memory_space<semaphore_mem>>) src(%arg3 : memref<128x16xf32, #tpu.memory_space<hbm>>) dst(%arg7 : memref<128x16xf32, #tpu.memory_space<vmem>>)
      tpu.yield
    }) : () -> ()
    %add3A_3 = arith.constant 0 : i32
    %add3A_4 = arith.addi %mul3A_2, %add3A_3 : i32
    "tpu.region"() ({
      %run_scoped3A = tpu.sem_alloc : memref<!tpu.dma_semaphore, #tpu.memory_space<semaphore_mem>>
      %dma_start3A = arith.constant 0 : i32
      %dma_start3A_29 = tpu.memref_slice %arg8[%add3A_4, %dma_start3A] : memref<10240x16xf32, #tpu.memory_space<vmem_shared>> -> memref<128x16xf32, #tpu.memory_space<vmem_shared>>
      %dma_start3A_30 = arith.constant 0 : i32
      %dma_start3A_31 = tpu.memref_slice %arg8[%add3A_4, %dma_start3A_30] : memref<10240x16xf32, #tpu.memory_space<vmem_shared>> -> memref<128x16xf32, #tpu.memory_space<vmem_shared>>
      tpu.enqueue_dma source(%arg7 : memref<128x16xf32, #tpu.memory_space<vmem>>) target(%dma_start3A_31 : memref<128x16xf32, #tpu.memory_space<vmem_shared>>) target_semaphore(%run_scoped3A : memref<!tpu.dma_semaphore, #tpu.memory_space<semaphore_mem>>)
      %dma_wait3A = arith.constant 0 : i32
      %dma_wait3A_32 = tpu.memref_slice %arg8[%add3A_4, %dma_wait3A] : memref<10240x16xf32, #tpu.memory_space<vmem_shared>> -> memref<128x16xf32, #tpu.memory_space<vmem_shared>>
      %dma_wait3A_33 = arith.constant 0 : i32
      %dma_wait3A_34 = tpu.memref_slice %arg8[%add3A_4, %dma_wait3A_33] : memref<10240x16xf32, #tpu.memory_space<vmem_shared>> -> memref<128x16xf32, #tpu.memory_space<vmem_shared>>
      tpu.wait_dma2 semaphore(%run_scoped3A : memref<!tpu.dma_semaphore, #tpu.memory_space<semaphore_mem>>) src(%arg7 : memref<128x16xf32, #tpu.memory_space<vmem>>) dst(%dma_wait3A_34 : memref<128x16xf32, #tpu.memory_space<vmem_shared>>)
      tpu.yield
    }) : () -> ()
    %add3A_5 = arith.constant 128 : i32
    %add3A_6 = arith.addi %mul3A_2, %add3A_5 : i32
    "tpu.region"() ({
      %run_scoped3A = tpu.sem_alloc : memref<!tpu.dma_semaphore, #tpu.memory_space<semaphore_mem>>
      %dma_start3A = arith.constant 0 : i32
      %dma_start3A_29 = tpu.memref_slice %arg8[%add3A_6, %dma_start3A] : memref<10240x16xf32, #tpu.memory_space<vmem_shared>> -> memref<128x16xf32, #tpu.memory_space<vmem_shared>>
      %dma_start3A_30 = arith.constant 0 : i32
      %dma_start3A_31 = tpu.memref_slice %arg8[%add3A_6, %dma_start3A_30] : memref<10240x16xf32, #tpu.memory_space<vmem_shared>> -> memref<128x16xf32, #tpu.memory_space<vmem_shared>>
      tpu.enqueue_dma source(%arg7 : memref<128x16xf32, #tpu.memory_space<vmem>>) target(%dma_start3A_31 : memref<128x16xf32, #tpu.memory_space<vmem_shared>>) target_semaphore(%run_scoped3A : memref<!tpu.dma_semaphore, #tpu.memory_space<semaphore_mem>>)
      %dma_wait3A = arith.constant 0 : i32
      %dma_wait3A_32 = tpu.memref_slice %arg8[%add3A_6, %dma_wait3A] : memref<10240x16xf32, #tpu.memory_space<vmem_shared>> -> memref<128x16xf32, #tpu.memory_space<vmem_shared>>
      %dma_wait3A_33 = arith.constant 0 : i32
      %dma_wait3A_34 = tpu.memref_slice %arg8[%add3A_6, %dma_wait3A_33] : memref<10240x16xf32, #tpu.memory_space<vmem_shared>> -> memref<128x16xf32, #tpu.memory_space<vmem_shared>>
      tpu.wait_dma2 semaphore(%run_scoped3A : memref<!tpu.dma_semaphore, #tpu.memory_space<semaphore_mem>>) src(%arg7 : memref<128x16xf32, #tpu.memory_space<vmem>>) dst(%dma_wait3A_34 : memref<128x16xf32, #tpu.memory_space<vmem_shared>>)
      tpu.yield
    }) : () -> ()
    %add3A_7 = arith.constant 256 : i32
    %add3A_8 = arith.addi %mul3A_2, %add3A_7 : i32
    "tpu.region"() ({
      %run_scoped3A = tpu.sem_alloc : memref<!tpu.dma_semaphore, #tpu.memory_space<semaphore_mem>>
      %dma_start3A = arith.constant 0 : i32
      %dma_start3A_29 = tpu.memref_slice %arg8[%add3A_8, %dma_start3A] : memref<10240x16xf32, #tpu.memory_space<vmem_shared>> -> memref<128x16xf32, #tpu.memory_space<vmem_shared>>
      %dma_start3A_30 = arith.constant 0 : i32
      %dma_start3A_31 = tpu.memref_slice %arg8[%add3A_8, %dma_start3A_30] : memref<10240x16xf32, #tpu.memory_space<vmem_shared>> -> memref<128x16xf32, #tpu.memory_space<vmem_shared>>
      tpu.enqueue_dma source(%arg7 : memref<128x16xf32, #tpu.memory_space<vmem>>) target(%dma_start3A_31 : memref<128x16xf32, #tpu.memory_space<vmem_shared>>) target_semaphore(%run_scoped3A : memref<!tpu.dma_semaphore, #tpu.memory_space<semaphore_mem>>)
      %dma_wait3A = arith.constant 0 : i32
      %dma_wait3A_32 = tpu.memref_slice %arg8[%add3A_8, %dma_wait3A] : memref<10240x16xf32, #tpu.memory_space<vmem_shared>> -> memref<128x16xf32, #tpu.memory_space<vmem_shared>>
      %dma_wait3A_33 = arith.constant 0 : i32
      %dma_wait3A_34 = tpu.memref_slice %arg8[%add3A_8, %dma_wait3A_33] : memref<10240x16xf32, #tpu.memory_space<vmem_shared>> -> memref<128x16xf32, #tpu.memory_space<vmem_shared>>
      tpu.wait_dma2 semaphore(%run_scoped3A : memref<!tpu.dma_semaphore, #tpu.memory_space<semaphore_mem>>) src(%arg7 : memref<128x16xf32, #tpu.memory_space<vmem>>) dst(%dma_wait3A_34 : memref<128x16xf32, #tpu.memory_space<vmem_shared>>)
      tpu.yield
    }) : () -> ()
    %add3A_9 = arith.constant 384 : i32
    %add3A_10 = arith.addi %mul3A_2, %add3A_9 : i32
    "tpu.region"() ({
      %run_scoped3A = tpu.sem_alloc : memref<!tpu.dma_semaphore, #tpu.memory_space<semaphore_mem>>
      %dma_start3A = arith.constant 0 : i32
      %dma_start3A_29 = tpu.memref_slice %arg8[%add3A_10, %dma_start3A] : memref<10240x16xf32, #tpu.memory_space<vmem_shared>> -> memref<128x16xf32, #tpu.memory_space<vmem_shared>>
      %dma_start3A_30 = arith.constant 0 : i32
      %dma_start3A_31 = tpu.memref_slice %arg8[%add3A_10, %dma_start3A_30] : memref<10240x16xf32, #tpu.memory_space<vmem_shared>> -> memref<128x16xf32, #tpu.memory_space<vmem_shared>>
      tpu.enqueue_dma source(%arg7 : memref<128x16xf32, #tpu.memory_space<vmem>>) target(%dma_start3A_31 : memref<128x16xf32, #tpu.memory_space<vmem_shared>>) target_semaphore(%run_scoped3A : memref<!tpu.dma_semaphore, #tpu.memory_space<semaphore_mem>>)
      %dma_wait3A = arith.constant 0 : i32
      %dma_wait3A_32 = tpu.memref_slice %arg8[%add3A_10, %dma_wait3A] : memref<10240x16xf32, #tpu.memory_space<vmem_shared>> -> memref<128x16xf32, #tpu.memory_space<vmem_shared>>
      %dma_wait3A_33 = arith.constant 0 : i32
      %dma_wait3A_34 = tpu.memref_slice %arg8[%add3A_10, %dma_wait3A_33] : memref<10240x16xf32, #tpu.memory_space<vmem_shared>> -> memref<128x16xf32, #tpu.memory_space<vmem_shared>>
      tpu.wait_dma2 semaphore(%run_scoped3A : memref<!tpu.dma_semaphore, #tpu.memory_space<semaphore_mem>>) src(%arg7 : memref<128x16xf32, #tpu.memory_space<vmem>>) dst(%dma_wait3A_34 : memref<128x16xf32, #tpu.memory_space<vmem_shared>>)
      tpu.yield
    }) : () -> ()
    %add3A_11 = arith.constant 512 : i32
    %add3A_12 = arith.addi %mul3A_2, %add3A_11 : i32
    "tpu.region"() ({
      %run_scoped3A = tpu.sem_alloc : memref<!tpu.dma_semaphore, #tpu.memory_space<semaphore_mem>>
      %dma_start3A = arith.constant 0 : i32
      %dma_start3A_29 = tpu.memref_slice %arg8[%add3A_12, %dma_start3A] : memref<10240x16xf32, #tpu.memory_space<vmem_shared>> -> memref<128x16xf32, #tpu.memory_space<vmem_shared>>
      %dma_start3A_30 = arith.constant 0 : i32
      %dma_start3A_31 = tpu.memref_slice %arg8[%add3A_12, %dma_start3A_30] : memref<10240x16xf32, #tpu.memory_space<vmem_shared>> -> memref<128x16xf32, #tpu.memory_space<vmem_shared>>
      tpu.enqueue_dma source(%arg7 : memref<128x16xf32, #tpu.memory_space<vmem>>) target(%dma_start3A_31 : memref<128x16xf32, #tpu.memory_space<vmem_shared>>) target_semaphore(%run_scoped3A : memref<!tpu.dma_semaphore, #tpu.memory_space<semaphore_mem>>)
      %dma_wait3A = arith.constant 0 : i32
      %dma_wait3A_32 = tpu.memref_slice %arg8[%add3A_12, %dma_wait3A] : memref<10240x16xf32, #tpu.memory_space<vmem_shared>> -> memref<128x16xf32, #tpu.memory_space<vmem_shared>>
      %dma_wait3A_33 = arith.constant 0 : i32
      %dma_wait3A_34 = tpu.memref_slice %arg8[%add3A_12, %dma_wait3A_33] : memref<10240x16xf32, #tpu.memory_space<vmem_shared>> -> memref<128x16xf32, #tpu.memory_space<vmem_shared>>
      tpu.wait_dma2 semaphore(%run_scoped3A : memref<!tpu.dma_semaphore, #tpu.memory_space<semaphore_mem>>) src(%arg7 : memref<128x16xf32, #tpu.memory_space<vmem>>) dst(%dma_wait3A_34 : memref<128x16xf32, #tpu.memory_space<vmem_shared>>)
      tpu.yield
    }) : () -> ()
    "tpu.region"() ({
      %run_scoped3A = tpu.sem_alloc : memref<!tpu.dma_semaphore, #tpu.memory_space<semaphore_mem>>
      %dma_start3A = arith.constant 0 : i32
      %dma_start3A_29 = arith.constant 0 : i32
      %dma_start3A_30 = tpu.memref_slice %arg2[%add3A, %dma_start3A, %dma_start3A_29] : memref<32x80x128xi32, #tpu.memory_space<hbm>> -> memref<1x80x128xi32, #tpu.memory_space<hbm>>
      %dma_start3A_31 = tpu.memref_squeeze %dma_start3A_30 : memref<1x80x128xi32, #tpu.memory_space<hbm>> -> memref<80x128xi32, #tpu.memory_space<hbm>>
      %dma_start3A_32 = arith.constant 0 : i32
      %dma_start3A_33 = arith.constant 0 : i32
      %dma_start3A_34 = tpu.memref_slice %arg2[%add3A, %dma_start3A_32, %dma_start3A_33] : memref<32x80x128xi32, #tpu.memory_space<hbm>> -> memref<1x80x128xi32, #tpu.memory_space<hbm>>
      %dma_start3A_35 = tpu.memref_squeeze %dma_start3A_34 : memref<1x80x128xi32, #tpu.memory_space<hbm>> -> memref<80x128xi32, #tpu.memory_space<hbm>>
      tpu.enqueue_dma source(%dma_start3A_35 : memref<80x128xi32, #tpu.memory_space<hbm>>) target(%arg6 : memref<80x128xi32, #tpu.memory_space<vmem>>) target_semaphore(%run_scoped3A : memref<!tpu.dma_semaphore, #tpu.memory_space<semaphore_mem>>)
      %dma_wait3A = arith.constant 0 : i32
      %dma_wait3A_36 = arith.constant 0 : i32
      %dma_wait3A_37 = tpu.memref_slice %arg2[%add3A, %dma_wait3A, %dma_wait3A_36] : memref<32x80x128xi32, #tpu.memory_space<hbm>> -> memref<1x80x128xi32, #tpu.memory_space<hbm>>
      %dma_wait3A_38 = tpu.memref_squeeze %dma_wait3A_37 : memref<1x80x128xi32, #tpu.memory_space<hbm>> -> memref<80x128xi32, #tpu.memory_space<hbm>>
      %dma_wait3A_39 = arith.constant 0 : i32
      %dma_wait3A_40 = arith.constant 0 : i32
      %dma_wait3A_41 = tpu.memref_slice %arg2[%add3A, %dma_wait3A_39, %dma_wait3A_40] : memref<32x80x128xi32, #tpu.memory_space<hbm>> -> memref<1x80x128xi32, #tpu.memory_space<hbm>>
      %dma_wait3A_42 = tpu.memref_squeeze %dma_wait3A_41 : memref<1x80x128xi32, #tpu.memory_space<hbm>> -> memref<80x128xi32, #tpu.memory_space<hbm>>
      tpu.wait_dma2 semaphore(%run_scoped3A : memref<!tpu.dma_semaphore, #tpu.memory_space<semaphore_mem>>) src(%dma_wait3A_42 : memref<80x128xi32, #tpu.memory_space<hbm>>) dst(%arg6 : memref<80x128xi32, #tpu.memory_space<vmem>>)
      tpu.yield
    }) : () -> ()
    "tpu.region"() ({
      %run_scoped3A = tpu.sem_alloc : memref<!tpu.dma_semaphore, #tpu.memory_space<semaphore_mem>>
      tpu.enqueue_dma source(%arg4 : memref<128x16xf32, #tpu.memory_space<hbm>>) target(%arg7 : memref<128x16xf32, #tpu.memory_space<vmem>>) target_semaphore(%run_scoped3A : memref<!tpu.dma_semaphore, #tpu.memory_space<semaphore_mem>>)
      tpu.wait_dma2 semaphore(%run_scoped3A : memref<!tpu.dma_semaphore, #tpu.memory_space<semaphore_mem>>) src(%arg4 : memref<128x16xf32, #tpu.memory_space<hbm>>) dst(%arg7 : memref<128x16xf32, #tpu.memory_space<vmem>>)
      tpu.yield
    }) : () -> ()
    %barrier3A = arith.constant 0 : index
    tpu.barrier barrier_id(%barrier3A)
    %scan3A = arith.constant 0 : i32
    %scan3A_13 = arith.constant 0 : i32
    %scan3A_14 = arith.constant 80 : i32
    %scan3A_15 = arith.addi %scan3A_13, %scan3A_14 : i32
    %scan3A_16 = arith.constant 1 : i32
    scf.for %scan3A_29 = %scan3A_13 to %scan3A_15 step %scan3A_16  : i32 {
      "tpu.region"() ({
        %run_scoped3A = tpu.sem_alloc : memref<!tpu.dma_semaphore, #tpu.memory_space<semaphore_mem>>
        %dma_start3A = arith.constant 0 : i32
        %dma_start3A_30 = tpu.memref_slice %arg6[%scan3A_29, %dma_start3A] : memref<80x128xi32, #tpu.memory_space<vmem>> -> memref<1x128xi32, #tpu.memory_space<vmem>>
        %dma_start3A_31 = tpu.memref_squeeze %dma_start3A_30 : memref<1x128xi32, #tpu.memory_space<vmem>> -> memref<128xi32, #tpu.memory_space<vmem>>
        %dma_start3A_32 = arith.constant 0 : i32
        %dma_start3A_33 = arith.constant 0 : i32
        %dma_start3A_34 = tpu.memref_slice %arg8[%dma_start3A_32, %dma_start3A_33] : memref<10240x16xf32, #tpu.memory_space<vmem_shared>> -> memref<10240x16xf32, #tpu.memory_space<vmem_shared>>
        tpu.enqueue_indirect_dma source(%arg7 : memref<128x16xf32, #tpu.memory_space<vmem>>) target(%dma_start3A_34 : memref<10240x16xf32, #tpu.memory_space<vmem_shared>>) offsets(%dma_start3A_31 : memref<128xi32, #tpu.memory_space<vmem>>) semaphore(%run_scoped3A : memref<!tpu.dma_semaphore, #tpu.memory_space<semaphore_mem>>) {add = true}
        %dma_wait3A = arith.constant 0 : i32
        %dma_wait3A_35 = tpu.memref_slice %arg6[%scan3A_29, %dma_wait3A] : memref<80x128xi32, #tpu.memory_space<vmem>> -> memref<1x128xi32, #tpu.memory_space<vmem>>
        %dma_wait3A_36 = tpu.memref_squeeze %dma_wait3A_35 : memref<1x128xi32, #tpu.memory_space<vmem>> -> memref<128xi32, #tpu.memory_space<vmem>>
        %dma_wait3A_37 = arith.constant 0 : i32
        %dma_wait3A_38 = arith.constant 0 : i32
        %dma_wait3A_39 = tpu.memref_slice %arg8[%dma_wait3A_37, %dma_wait3A_38] : memref<10240x16xf32, #tpu.memory_space<vmem_shared>> -> memref<10240x16xf32, #tpu.memory_space<vmem_shared>>
        tpu.wait_indirect_dma semaphore(%run_scoped3A : memref<!tpu.dma_semaphore, #tpu.memory_space<semaphore_mem>>) src(%arg7 : memref<128x16xf32, #tpu.memory_space<vmem>>) dst(%dma_wait3A_39 : memref<10240x16xf32, #tpu.memory_space<vmem_shared>>)
        tpu.yield
      }) : () -> ()
    }
    %scan3A_17 = arith.constant 80 : i32
    %barrier3A_18 = arith.constant 0 : index
    tpu.barrier barrier_id(%barrier3A_18)
    %add3A_19 = arith.constant 0 : i32
    %add3A_20 = arith.addi %mul3A_2, %add3A_19 : i32
    "tpu.region"() ({
      %run_scoped3A = tpu.sem_alloc : memref<!tpu.dma_semaphore, #tpu.memory_space<semaphore_mem>>
      %dma_start3A = arith.constant 0 : i32
      %dma_start3A_29 = tpu.memref_slice %arg8[%add3A_20, %dma_start3A] : memref<10240x16xf32, #tpu.memory_space<vmem_shared>> -> memref<128x16xf32, #tpu.memory_space<vmem_shared>>
      %dma_start3A_30 = arith.constant 0 : i32
      %dma_start3A_31 = tpu.memref_slice %arg8[%add3A_20, %dma_start3A_30] : memref<10240x16xf32, #tpu.memory_space<vmem_shared>> -> memref<128x16xf32, #tpu.memory_space<vmem_shared>>
      tpu.enqueue_dma source(%dma_start3A_31 : memref<128x16xf32, #tpu.memory_space<vmem_shared>>) target(%arg7 : memref<128x16xf32, #tpu.memory_space<vmem>>) target_semaphore(%run_scoped3A : memref<!tpu.dma_semaphore, #tpu.memory_space<semaphore_mem>>)
      %dma_wait3A = arith.constant 0 : i32
      %dma_wait3A_32 = tpu.memref_slice %arg8[%add3A_20, %dma_wait3A] : memref<10240x16xf32, #tpu.memory_space<vmem_shared>> -> memref<128x16xf32, #tpu.memory_space<vmem_shared>>
      %dma_wait3A_33 = arith.constant 0 : i32
      %dma_wait3A_34 = tpu.memref_slice %arg8[%add3A_20, %dma_wait3A_33] : memref<10240x16xf32, #tpu.memory_space<vmem_shared>> -> memref<128x16xf32, #tpu.memory_space<vmem_shared>>
      tpu.wait_dma2 semaphore(%run_scoped3A : memref<!tpu.dma_semaphore, #tpu.memory_space<semaphore_mem>>) src(%dma_wait3A_34 : memref<128x16xf32, #tpu.memory_space<vmem_shared>>) dst(%arg7 : memref<128x16xf32, #tpu.memory_space<vmem>>)
      tpu.yield
    }) : () -> ()
    "tpu.region"() ({
      %run_scoped3A = tpu.sem_alloc : memref<!tpu.dma_semaphore, #tpu.memory_space<semaphore_mem>>
      %dma_start3A = arith.constant 0 : i32
      %dma_start3A_29 = tpu.memref_slice %arg5[%arg0, %add3A_20, %dma_start3A] : memref<2x10240x16xf32, #tpu.memory_space<hbm>> -> memref<1x128x16xf32, #tpu.memory_space<hbm>>
      %dma_start3A_30 = tpu.memref_squeeze %dma_start3A_29 : memref<1x128x16xf32, #tpu.memory_space<hbm>> -> memref<128x16xf32, #tpu.memory_space<hbm>>
      %dma_start3A_31 = arith.constant 0 : i32
      %dma_start3A_32 = tpu.memref_slice %arg5[%arg0, %add3A_20, %dma_start3A_31] : memref<2x10240x16xf32, #tpu.memory_space<hbm>> -> memref<1x128x16xf32, #tpu.memory_space<hbm>>
      %dma_start3A_33 = tpu.memref_squeeze %dma_start3A_32 : memref<1x128x16xf32, #tpu.memory_space<hbm>> -> memref<128x16xf32, #tpu.memory_space<hbm>>
      tpu.enqueue_dma source(%arg7 : memref<128x16xf32, #tpu.memory_space<vmem>>) target(%dma_start3A_33 : memref<128x16xf32, #tpu.memory_space<hbm>>) target_semaphore(%run_scoped3A : memref<!tpu.dma_semaphore, #tpu.memory_space<semaphore_mem>>)
      %dma_wait3A = arith.constant 0 : i32
      %dma_wait3A_34 = tpu.memref_slice %arg5[%arg0, %add3A_20, %dma_wait3A] : memref<2x10240x16xf32, #tpu.memory_space<hbm>> -> memref<1x128x16xf32, #tpu.memory_space<hbm>>
      %dma_wait3A_35 = tpu.memref_squeeze %dma_wait3A_34 : memref<1x128x16xf32, #tpu.memory_space<hbm>> -> memref<128x16xf32, #tpu.memory_space<hbm>>
      %dma_wait3A_36 = arith.constant 0 : i32
      %dma_wait3A_37 = tpu.memref_slice %arg5[%arg0, %add3A_20, %dma_wait3A_36] : memref<2x10240x16xf32, #tpu.memory_space<hbm>> -> memref<1x128x16xf32, #tpu.memory_space<hbm>>
      %dma_wait3A_38 = tpu.memref_squeeze %dma_wait3A_37 : memref<1x128x16xf32, #tpu.memory_space<hbm>> -> memref<128x16xf32, #tpu.memory_space<hbm>>
      tpu.wait_dma2 semaphore(%run_scoped3A : memref<!tpu.dma_semaphore, #tpu.memory_space<semaphore_mem>>) src(%arg7 : memref<128x16xf32, #tpu.memory_space<vmem>>) dst(%dma_wait3A_38 : memref<128x16xf32, #tpu.memory_space<hbm>>)
      tpu.yield
    }) : () -> ()
    %add3A_21 = arith.constant 128 : i32
    %add3A_22 = arith.addi %mul3A_2, %add3A_21 : i32
    "tpu.region"() ({
      %run_scoped3A = tpu.sem_alloc : memref<!tpu.dma_semaphore, #tpu.memory_space<semaphore_mem>>
      %dma_start3A = arith.constant 0 : i32
      %dma_start3A_29 = tpu.memref_slice %arg8[%add3A_22, %dma_start3A] : memref<10240x16xf32, #tpu.memory_space<vmem_shared>> -> memref<128x16xf32, #tpu.memory_space<vmem_shared>>
      %dma_start3A_30 = arith.constant 0 : i32
      %dma_start3A_31 = tpu.memref_slice %arg8[%add3A_22, %dma_start3A_30] : memref<10240x16xf32, #tpu.memory_space<vmem_shared>> -> memref<128x16xf32, #tpu.memory_space<vmem_shared>>
      tpu.enqueue_dma source(%dma_start3A_31 : memref<128x16xf32, #tpu.memory_space<vmem_shared>>) target(%arg7 : memref<128x16xf32, #tpu.memory_space<vmem>>) target_semaphore(%run_scoped3A : memref<!tpu.dma_semaphore, #tpu.memory_space<semaphore_mem>>)
      %dma_wait3A = arith.constant 0 : i32
      %dma_wait3A_32 = tpu.memref_slice %arg8[%add3A_22, %dma_wait3A] : memref<10240x16xf32, #tpu.memory_space<vmem_shared>> -> memref<128x16xf32, #tpu.memory_space<vmem_shared>>
      %dma_wait3A_33 = arith.constant 0 : i32
      %dma_wait3A_34 = tpu.memref_slice %arg8[%add3A_22, %dma_wait3A_33] : memref<10240x16xf32, #tpu.memory_space<vmem_shared>> -> memref<128x16xf32, #tpu.memory_space<vmem_shared>>
      tpu.wait_dma2 semaphore(%run_scoped3A : memref<!tpu.dma_semaphore, #tpu.memory_space<semaphore_mem>>) src(%dma_wait3A_34 : memref<128x16xf32, #tpu.memory_space<vmem_shared>>) dst(%arg7 : memref<128x16xf32, #tpu.memory_space<vmem>>)
      tpu.yield
    }) : () -> ()
    "tpu.region"() ({
      %run_scoped3A = tpu.sem_alloc : memref<!tpu.dma_semaphore, #tpu.memory_space<semaphore_mem>>
      %dma_start3A = arith.constant 0 : i32
      %dma_start3A_29 = tpu.memref_slice %arg5[%arg0, %add3A_22, %dma_start3A] : memref<2x10240x16xf32, #tpu.memory_space<hbm>> -> memref<1x128x16xf32, #tpu.memory_space<hbm>>
      %dma_start3A_30 = tpu.memref_squeeze %dma_start3A_29 : memref<1x128x16xf32, #tpu.memory_space<hbm>> -> memref<128x16xf32, #tpu.memory_space<hbm>>
      %dma_start3A_31 = arith.constant 0 : i32
      %dma_start3A_32 = tpu.memref_slice %arg5[%arg0, %add3A_22, %dma_start3A_31] : memref<2x10240x16xf32, #tpu.memory_space<hbm>> -> memref<1x128x16xf32, #tpu.memory_space<hbm>>
      %dma_start3A_33 = tpu.memref_squeeze %dma_start3A_32 : memref<1x128x16xf32, #tpu.memory_space<hbm>> -> memref<128x16xf32, #tpu.memory_space<hbm>>
      tpu.enqueue_dma source(%arg7 : memref<128x16xf32, #tpu.memory_space<vmem>>) target(%dma_start3A_33 : memref<128x16xf32, #tpu.memory_space<hbm>>) target_semaphore(%run_scoped3A : memref<!tpu.dma_semaphore, #tpu.memory_space<semaphore_mem>>)
      %dma_wait3A = arith.constant 0 : i32
      %dma_wait3A_34 = tpu.memref_slice %arg5[%arg0, %add3A_22, %dma_wait3A] : memref<2x10240x16xf32, #tpu.memory_space<hbm>> -> memref<1x128x16xf32, #tpu.memory_space<hbm>>
      %dma_wait3A_35 = tpu.memref_squeeze %dma_wait3A_34 : memref<1x128x16xf32, #tpu.memory_space<hbm>> -> memref<128x16xf32, #tpu.memory_space<hbm>>
      %dma_wait3A_36 = arith.constant 0 : i32
      %dma_wait3A_37 = tpu.memref_slice %arg5[%arg0, %add3A_22, %dma_wait3A_36] : memref<2x10240x16xf32, #tpu.memory_space<hbm>> -> memref<1x128x16xf32, #tpu.memory_space<hbm>>
      %dma_wait3A_38 = tpu.memref_squeeze %dma_wait3A_37 : memref<1x128x16xf32, #tpu.memory_space<hbm>> -> memref<128x16xf32, #tpu.memory_space<hbm>>
      tpu.wait_dma2 semaphore(%run_scoped3A : memref<!tpu.dma_semaphore, #tpu.memory_space<semaphore_mem>>) src(%arg7 : memref<128x16xf32, #tpu.memory_space<vmem>>) dst(%dma_wait3A_38 : memref<128x16xf32, #tpu.memory_space<hbm>>)
      tpu.yield
    }) : () -> ()
    %add3A_23 = arith.constant 256 : i32
    %add3A_24 = arith.addi %mul3A_2, %add3A_23 : i32
    "tpu.region"() ({
      %run_scoped3A = tpu.sem_alloc : memref<!tpu.dma_semaphore, #tpu.memory_space<semaphore_mem>>
      %dma_start3A = arith.constant 0 : i32
      %dma_start3A_29 = tpu.memref_slice %arg8[%add3A_24, %dma_start3A] : memref<10240x16xf32, #tpu.memory_space<vmem_shared>> -> memref<128x16xf32, #tpu.memory_space<vmem_shared>>
      %dma_start3A_30 = arith.constant 0 : i32
      %dma_start3A_31 = tpu.memref_slice %arg8[%add3A_24, %dma_start3A_30] : memref<10240x16xf32, #tpu.memory_space<vmem_shared>> -> memref<128x16xf32, #tpu.memory_space<vmem_shared>>
      tpu.enqueue_dma source(%dma_start3A_31 : memref<128x16xf32, #tpu.memory_space<vmem_shared>>) target(%arg7 : memref<128x16xf32, #tpu.memory_space<vmem>>) target_semaphore(%run_scoped3A : memref<!tpu.dma_semaphore, #tpu.memory_space<semaphore_mem>>)
      %dma_wait3A = arith.constant 0 : i32
      %dma_wait3A_32 = tpu.memref_slice %arg8[%add3A_24, %dma_wait3A] : memref<10240x16xf32, #tpu.memory_space<vmem_shared>> -> memref<128x16xf32, #tpu.memory_space<vmem_shared>>
      %dma_wait3A_33 = arith.constant 0 : i32
      %dma_wait3A_34 = tpu.memref_slice %arg8[%add3A_24, %dma_wait3A_33] : memref<10240x16xf32, #tpu.memory_space<vmem_shared>> -> memref<128x16xf32, #tpu.memory_space<vmem_shared>>
      tpu.wait_dma2 semaphore(%run_scoped3A : memref<!tpu.dma_semaphore, #tpu.memory_space<semaphore_mem>>) src(%dma_wait3A_34 : memref<128x16xf32, #tpu.memory_space<vmem_shared>>) dst(%arg7 : memref<128x16xf32, #tpu.memory_space<vmem>>)
      tpu.yield
    }) : () -> ()
    "tpu.region"() ({
      %run_scoped3A = tpu.sem_alloc : memref<!tpu.dma_semaphore, #tpu.memory_space<semaphore_mem>>
      %dma_start3A = arith.constant 0 : i32
      %dma_start3A_29 = tpu.memref_slice %arg5[%arg0, %add3A_24, %dma_start3A] : memref<2x10240x16xf32, #tpu.memory_space<hbm>> -> memref<1x128x16xf32, #tpu.memory_space<hbm>>
      %dma_start3A_30 = tpu.memref_squeeze %dma_start3A_29 : memref<1x128x16xf32, #tpu.memory_space<hbm>> -> memref<128x16xf32, #tpu.memory_space<hbm>>
      %dma_start3A_31 = arith.constant 0 : i32
      %dma_start3A_32 = tpu.memref_slice %arg5[%arg0, %add3A_24, %dma_start3A_31] : memref<2x10240x16xf32, #tpu.memory_space<hbm>> -> memref<1x128x16xf32, #tpu.memory_space<hbm>>
      %dma_start3A_33 = tpu.memref_squeeze %dma_start3A_32 : memref<1x128x16xf32, #tpu.memory_space<hbm>> -> memref<128x16xf32, #tpu.memory_space<hbm>>
      tpu.enqueue_dma source(%arg7 : memref<128x16xf32, #tpu.memory_space<vmem>>) target(%dma_start3A_33 : memref<128x16xf32, #tpu.memory_space<hbm>>) target_semaphore(%run_scoped3A : memref<!tpu.dma_semaphore, #tpu.memory_space<semaphore_mem>>)
      %dma_wait3A = arith.constant 0 : i32
      %dma_wait3A_34 = tpu.memref_slice %arg5[%arg0, %add3A_24, %dma_wait3A] : memref<2x10240x16xf32, #tpu.memory_space<hbm>> -> memref<1x128x16xf32, #tpu.memory_space<hbm>>
      %dma_wait3A_35 = tpu.memref_squeeze %dma_wait3A_34 : memref<1x128x16xf32, #tpu.memory_space<hbm>> -> memref<128x16xf32, #tpu.memory_space<hbm>>
      %dma_wait3A_36 = arith.constant 0 : i32
      %dma_wait3A_37 = tpu.memref_slice %arg5[%arg0, %add3A_24, %dma_wait3A_36] : memref<2x10240x16xf32, #tpu.memory_space<hbm>> -> memref<1x128x16xf32, #tpu.memory_space<hbm>>
      %dma_wait3A_38 = tpu.memref_squeeze %dma_wait3A_37 : memref<1x128x16xf32, #tpu.memory_space<hbm>> -> memref<128x16xf32, #tpu.memory_space<hbm>>
      tpu.wait_dma2 semaphore(%run_scoped3A : memref<!tpu.dma_semaphore, #tpu.memory_space<semaphore_mem>>) src(%arg7 : memref<128x16xf32, #tpu.memory_space<vmem>>) dst(%dma_wait3A_38 : memref<128x16xf32, #tpu.memory_space<hbm>>)
      tpu.yield
    }) : () -> ()
    %add3A_25 = arith.constant 384 : i32
    %add3A_26 = arith.addi %mul3A_2, %add3A_25 : i32
    "tpu.region"() ({
      %run_scoped3A = tpu.sem_alloc : memref<!tpu.dma_semaphore, #tpu.memory_space<semaphore_mem>>
      %dma_start3A = arith.constant 0 : i32
      %dma_start3A_29 = tpu.memref_slice %arg8[%add3A_26, %dma_start3A] : memref<10240x16xf32, #tpu.memory_space<vmem_shared>> -> memref<128x16xf32, #tpu.memory_space<vmem_shared>>
      %dma_start3A_30 = arith.constant 0 : i32
      %dma_start3A_31 = tpu.memref_slice %arg8[%add3A_26, %dma_start3A_30] : memref<10240x16xf32, #tpu.memory_space<vmem_shared>> -> memref<128x16xf32, #tpu.memory_space<vmem_shared>>
      tpu.enqueue_dma source(%dma_start3A_31 : memref<128x16xf32, #tpu.memory_space<vmem_shared>>) target(%arg7 : memref<128x16xf32, #tpu.memory_space<vmem>>) target_semaphore(%run_scoped3A : memref<!tpu.dma_semaphore, #tpu.memory_space<semaphore_mem>>)
      %dma_wait3A = arith.constant 0 : i32
      %dma_wait3A_32 = tpu.memref_slice %arg8[%add3A_26, %dma_wait3A] : memref<10240x16xf32, #tpu.memory_space<vmem_shared>> -> memref<128x16xf32, #tpu.memory_space<vmem_shared>>
      %dma_wait3A_33 = arith.constant 0 : i32
      %dma_wait3A_34 = tpu.memref_slice %arg8[%add3A_26, %dma_wait3A_33] : memref<10240x16xf32, #tpu.memory_space<vmem_shared>> -> memref<128x16xf32, #tpu.memory_space<vmem_shared>>
      tpu.wait_dma2 semaphore(%run_scoped3A : memref<!tpu.dma_semaphore, #tpu.memory_space<semaphore_mem>>) src(%dma_wait3A_34 : memref<128x16xf32, #tpu.memory_space<vmem_shared>>) dst(%arg7 : memref<128x16xf32, #tpu.memory_space<vmem>>)
      tpu.yield
    }) : () -> ()
    "tpu.region"() ({
      %run_scoped3A = tpu.sem_alloc : memref<!tpu.dma_semaphore, #tpu.memory_space<semaphore_mem>>
      %dma_start3A = arith.constant 0 : i32
      %dma_start3A_29 = tpu.memref_slice %arg5[%arg0, %add3A_26, %dma_start3A] : memref<2x10240x16xf32, #tpu.memory_space<hbm>> -> memref<1x128x16xf32, #tpu.memory_space<hbm>>
      %dma_start3A_30 = tpu.memref_squeeze %dma_start3A_29 : memref<1x128x16xf32, #tpu.memory_space<hbm>> -> memref<128x16xf32, #tpu.memory_space<hbm>>
      %dma_start3A_31 = arith.constant 0 : i32
      %dma_start3A_32 = tpu.memref_slice %arg5[%arg0, %add3A_26, %dma_start3A_31] : memref<2x10240x16xf32, #tpu.memory_space<hbm>> -> memref<1x128x16xf32, #tpu.memory_space<hbm>>
      %dma_start3A_33 = tpu.memref_squeeze %dma_start3A_32 : memref<1x128x16xf32, #tpu.memory_space<hbm>> -> memref<128x16xf32, #tpu.memory_space<hbm>>
      tpu.enqueue_dma source(%arg7 : memref<128x16xf32, #tpu.memory_space<vmem>>) target(%dma_start3A_33 : memref<128x16xf32, #tpu.memory_space<hbm>>) target_semaphore(%run_scoped3A : memref<!tpu.dma_semaphore, #tpu.memory_space<semaphore_mem>>)
      %dma_wait3A = arith.constant 0 : i32
      %dma_wait3A_34 = tpu.memref_slice %arg5[%arg0, %add3A_26, %dma_wait3A] : memref<2x10240x16xf32, #tpu.memory_space<hbm>> -> memref<1x128x16xf32, #tpu.memory_space<hbm>>
      %dma_wait3A_35 = tpu.memref_squeeze %dma_wait3A_34 : memref<1x128x16xf32, #tpu.memory_space<hbm>> -> memref<128x16xf32, #tpu.memory_space<hbm>>
      %dma_wait3A_36 = arith.constant 0 : i32
      %dma_wait3A_37 = tpu.memref_slice %arg5[%arg0, %add3A_26, %dma_wait3A_36] : memref<2x10240x16xf32, #tpu.memory_space<hbm>> -> memref<1x128x16xf32, #tpu.memory_space<hbm>>
      %dma_wait3A_38 = tpu.memref_squeeze %dma_wait3A_37 : memref<1x128x16xf32, #tpu.memory_space<hbm>> -> memref<128x16xf32, #tpu.memory_space<hbm>>
      tpu.wait_dma2 semaphore(%run_scoped3A : memref<!tpu.dma_semaphore, #tpu.memory_space<semaphore_mem>>) src(%arg7 : memref<128x16xf32, #tpu.memory_space<vmem>>) dst(%dma_wait3A_38 : memref<128x16xf32, #tpu.memory_space<hbm>>)
      tpu.yield
    }) : () -> ()
    %add3A_27 = arith.constant 512 : i32
    %add3A_28 = arith.addi %mul3A_2, %add3A_27 : i32
    "tpu.region"() ({
      %run_scoped3A = tpu.sem_alloc : memref<!tpu.dma_semaphore, #tpu.memory_space<semaphore_mem>>
      %dma_start3A = arith.constant 0 : i32
      %dma_start3A_29 = tpu.memref_slice %arg8[%add3A_28, %dma_start3A] : memref<10240x16xf32, #tpu.memory_space<vmem_shared>> -> memref<128x16xf32, #tpu.memory_space<vmem_shared>>
      %dma_start3A_30 = arith.constant 0 : i32
      %dma_start3A_31 = tpu.memref_slice %arg8[%add3A_28, %dma_start3A_30] : memref<10240x16xf32, #tpu.memory_space<vmem_shared>> -> memref<128x16xf32, #tpu.memory_space<vmem_shared>>
      tpu.enqueue_dma source(%dma_start3A_31 : memref<128x16xf32, #tpu.memory_space<vmem_shared>>) target(%arg7 : memref<128x16xf32, #tpu.memory_space<vmem>>) target_semaphore(%run_scoped3A : memref<!tpu.dma_semaphore, #tpu.memory_space<semaphore_mem>>)
      %dma_wait3A = arith.constant 0 : i32
      %dma_wait3A_32 = tpu.memref_slice %arg8[%add3A_28, %dma_wait3A] : memref<10240x16xf32, #tpu.memory_space<vmem_shared>> -> memref<128x16xf32, #tpu.memory_space<vmem_shared>>
      %dma_wait3A_33 = arith.constant 0 : i32
      %dma_wait3A_34 = tpu.memref_slice %arg8[%add3A_28, %dma_wait3A_33] : memref<10240x16xf32, #tpu.memory_space<vmem_shared>> -> memref<128x16xf32, #tpu.memory_space<vmem_shared>>
      tpu.wait_dma2 semaphore(%run_scoped3A : memref<!tpu.dma_semaphore, #tpu.memory_space<semaphore_mem>>) src(%dma_wait3A_34 : memref<128x16xf32, #tpu.memory_space<vmem_shared>>) dst(%arg7 : memref<128x16xf32, #tpu.memory_space<vmem>>)
      tpu.yield
    }) : () -> ()
    "tpu.region"() ({
      %run_scoped3A = tpu.sem_alloc : memref<!tpu.dma_semaphore, #tpu.memory_space<semaphore_mem>>
      %dma_start3A = arith.constant 0 : i32
      %dma_start3A_29 = tpu.memref_slice %arg5[%arg0, %add3A_28, %dma_start3A] : memref<2x10240x16xf32, #tpu.memory_space<hbm>> -> memref<1x128x16xf32, #tpu.memory_space<hbm>>
      %dma_start3A_30 = tpu.memref_squeeze %dma_start3A_29 : memref<1x128x16xf32, #tpu.memory_space<hbm>> -> memref<128x16xf32, #tpu.memory_space<hbm>>
      %dma_start3A_31 = arith.constant 0 : i32
      %dma_start3A_32 = tpu.memref_slice %arg5[%arg0, %add3A_28, %dma_start3A_31] : memref<2x10240x16xf32, #tpu.memory_space<hbm>> -> memref<1x128x16xf32, #tpu.memory_space<hbm>>
      %dma_start3A_33 = tpu.memref_squeeze %dma_start3A_32 : memref<1x128x16xf32, #tpu.memory_space<hbm>> -> memref<128x16xf32, #tpu.memory_space<hbm>>
      tpu.enqueue_dma source(%arg7 : memref<128x16xf32, #tpu.memory_space<vmem>>) target(%dma_start3A_33 : memref<128x16xf32, #tpu.memory_space<hbm>>) target_semaphore(%run_scoped3A : memref<!tpu.dma_semaphore, #tpu.memory_space<semaphore_mem>>)
      %dma_wait3A = arith.constant 0 : i32
      %dma_wait3A_34 = tpu.memref_slice %arg5[%arg0, %add3A_28, %dma_wait3A] : memref<2x10240x16xf32, #tpu.memory_space<hbm>> -> memref<1x128x16xf32, #tpu.memory_space<hbm>>
      %dma_wait3A_35 = tpu.memref_squeeze %dma_wait3A_34 : memref<1x128x16xf32, #tpu.memory_space<hbm>> -> memref<128x16xf32, #tpu.memory_space<hbm>>
      %dma_wait3A_36 = arith.constant 0 : i32
      %dma_wait3A_37 = tpu.memref_slice %arg5[%arg0, %add3A_28, %dma_wait3A_36] : memref<2x10240x16xf32, #tpu.memory_space<hbm>> -> memref<1x128x16xf32, #tpu.memory_space<hbm>>
      %dma_wait3A_38 = tpu.memref_squeeze %dma_wait3A_37 : memref<1x128x16xf32, #tpu.memory_space<hbm>> -> memref<128x16xf32, #tpu.memory_space<hbm>>
      tpu.wait_dma2 semaphore(%run_scoped3A : memref<!tpu.dma_semaphore, #tpu.memory_space<semaphore_mem>>) src(%arg7 : memref<128x16xf32, #tpu.memory_space<vmem>>) dst(%dma_wait3A_38 : memref<128x16xf32, #tpu.memory_space<hbm>>)
      tpu.yield
    }) : () -> ()
    return
  }
}

#map = affine_map<(d0, d1) -> (0, 0)>
#map1 = affine_map<(d0, d1) -> (0, 0, 0)>
module attributes {stable_mosaic.version = 14 : i64} {
  func.func @k(%arg0: i32, %arg1: i32, %arg2: memref<10240x128xf32, #tpu.memory_space<hbm>>, %arg3: memref<32x80x128xi32, #tpu.memory_space<hbm>>, %arg4: memref<32x80x128xi32, #tpu.memory_space<hbm>>, %arg5: memref<128x128xf32, #tpu.memory_space<hbm>>, %arg6: memref<2x10240x128xf32, #tpu.memory_space<hbm>>, %arg7: memref<40x128xi32, #tpu.memory_space<vmem>>, %arg8: memref<40x128xi32, #tpu.memory_space<vmem>>, %arg9: memref<128x128xf32, #tpu.memory_space<vmem>>, %arg10: memref<128x128xf32, #tpu.memory_space<vmem>>, %arg11: memref<10240x128xf32, #tpu.memory_space<vmem_shared>>, %arg12: memref<!tpu.dma_semaphore, #tpu.memory_space<semaphore_mem>>, %arg13: memref<!tpu.dma_semaphore, #tpu.memory_space<semaphore_mem>>) attributes {dimension_semantics = [#tpu.dimension_semantics<core_parallel>, #tpu.dimension_semantics<subcore_parallel>], iteration_bounds = array<i64: 2, 16>, scalar_prefetch = 0 : i64, scratch_operands = 7 : i64, tpu.core_type = #tpu.core_type<sc_vector_subcore>, window_params = [{transform_indices = #map}, {transform_indices = #map1}, {transform_indices = #map1}, {transform_indices = #map}, {transform_indices = #map1}]} {
    %mul3A = arith.constant 2 : i32
    %mul3A_0 = arith.muli %arg1, %mul3A : i32
    %add3A = arith.addi %mul3A_0, %arg0 : i32
    %mul3A_1 = arith.constant 640 : i32
    %mul3A_2 = arith.muli %arg1, %mul3A_1 : i32
    %eq3A = arith.constant 0 : i32
    %eq3A_3 = arith.cmpi eq, %arg0, %eq3A : i32
    %convert_element_type3A = arith.extui %eq3A_3 : i1 to i32
    %cond3A = arith.constant 0 : i32
    %cond3A_4 = arith.cmpi ne, %convert_element_type3A, %cond3A : i32
    scf.if %cond3A_4 {
      "tpu.region"() ({
        %run_scoped3A = tpu.sem_alloc : memref<!tpu.dma_semaphore, #tpu.memory_space<semaphore_mem>>
        %dma_start3A_48 = arith.constant 0 : i32
        %dma_start3A_49 = tpu.memref_slice %arg11[%mul3A_2, %dma_start3A_48] : memref<10240x128xf32, #tpu.memory_space<vmem_shared>> -> memref<640x128xf32, #tpu.memory_space<vmem_shared>>
        %dma_start3A_50 = arith.constant 0 : i32
        %dma_start3A_51 = tpu.memref_slice %arg2[%mul3A_2, %dma_start3A_50] : memref<10240x128xf32, #tpu.memory_space<hbm>> -> memref<640x128xf32, #tpu.memory_space<hbm>>
        tpu.enqueue_dma source(%dma_start3A_51 : memref<640x128xf32, #tpu.memory_space<hbm>>) target(%dma_start3A_49 : memref<640x128xf32, #tpu.memory_space<vmem_shared>>) target_semaphore(%run_scoped3A : memref<!tpu.dma_semaphore, #tpu.memory_space<semaphore_mem>>)
        %dma_wait3A = arith.constant 0 : i32
        %dma_wait3A_52 = tpu.memref_slice %arg11[%mul3A_2, %dma_wait3A] : memref<10240x128xf32, #tpu.memory_space<vmem_shared>> -> memref<640x128xf32, #tpu.memory_space<vmem_shared>>
        %dma_wait3A_53 = arith.constant 0 : i32
        %dma_wait3A_54 = tpu.memref_slice %arg2[%mul3A_2, %dma_wait3A_53] : memref<10240x128xf32, #tpu.memory_space<hbm>> -> memref<640x128xf32, #tpu.memory_space<hbm>>
        tpu.wait_dma2 semaphore(%run_scoped3A : memref<!tpu.dma_semaphore, #tpu.memory_space<semaphore_mem>>) src(%dma_wait3A_54 : memref<640x128xf32, #tpu.memory_space<hbm>>) dst(%dma_wait3A_52 : memref<640x128xf32, #tpu.memory_space<vmem_shared>>)
        tpu.yield
      }) : () -> ()
    } else {
    }
    %ne3A = arith.constant 0 : i32
    %ne3A_5 = arith.cmpi ne, %arg0, %ne3A : i32
    %convert_element_type3A_6 = arith.extui %ne3A_5 : i1 to i32
    %cond3A_7 = arith.constant 0 : i32
    %cond3A_8 = arith.cmpi ne, %convert_element_type3A_6, %cond3A_7 : i32
    scf.if %cond3A_8 {
      "tpu.region"() ({
        %run_scoped3A = tpu.sem_alloc : memref<!tpu.dma_semaphore, #tpu.memory_space<semaphore_mem>>
        tpu.enqueue_dma source(%arg5 : memref<128x128xf32, #tpu.memory_space<hbm>>) target(%arg9 : memref<128x128xf32, #tpu.memory_space<vmem>>) target_semaphore(%run_scoped3A : memref<!tpu.dma_semaphore, #tpu.memory_space<semaphore_mem>>)
        tpu.wait_dma2 semaphore(%run_scoped3A : memref<!tpu.dma_semaphore, #tpu.memory_space<semaphore_mem>>) src(%arg5 : memref<128x128xf32, #tpu.memory_space<hbm>>) dst(%arg9 : memref<128x128xf32, #tpu.memory_space<vmem>>)
        tpu.yield
      }) : () -> ()
      %add3A_48 = arith.constant 0 : i32
      %add3A_49 = arith.addi %mul3A_2, %add3A_48 : i32
      "tpu.region"() ({
        %run_scoped3A = tpu.sem_alloc : memref<!tpu.dma_semaphore, #tpu.memory_space<semaphore_mem>>
        %dma_start3A_58 = arith.constant 0 : i32
        %dma_start3A_59 = tpu.memref_slice %arg11[%add3A_49, %dma_start3A_58] : memref<10240x128xf32, #tpu.memory_space<vmem_shared>> -> memref<128x128xf32, #tpu.memory_space<vmem_shared>>
        %dma_start3A_60 = arith.constant 0 : i32
        %dma_start3A_61 = tpu.memref_slice %arg11[%add3A_49, %dma_start3A_60] : memref<10240x128xf32, #tpu.memory_space<vmem_shared>> -> memref<128x128xf32, #tpu.memory_space<vmem_shared>>
        tpu.enqueue_dma source(%arg9 : memref<128x128xf32, #tpu.memory_space<vmem>>) target(%dma_start3A_61 : memref<128x128xf32, #tpu.memory_space<vmem_shared>>) target_semaphore(%run_scoped3A : memref<!tpu.dma_semaphore, #tpu.memory_space<semaphore_mem>>)
        %dma_wait3A = arith.constant 0 : i32
        %dma_wait3A_62 = tpu.memref_slice %arg11[%add3A_49, %dma_wait3A] : memref<10240x128xf32, #tpu.memory_space<vmem_shared>> -> memref<128x128xf32, #tpu.memory_space<vmem_shared>>
        %dma_wait3A_63 = arith.constant 0 : i32
        %dma_wait3A_64 = tpu.memref_slice %arg11[%add3A_49, %dma_wait3A_63] : memref<10240x128xf32, #tpu.memory_space<vmem_shared>> -> memref<128x128xf32, #tpu.memory_space<vmem_shared>>
        tpu.wait_dma2 semaphore(%run_scoped3A : memref<!tpu.dma_semaphore, #tpu.memory_space<semaphore_mem>>) src(%arg9 : memref<128x128xf32, #tpu.memory_space<vmem>>) dst(%dma_wait3A_64 : memref<128x128xf32, #tpu.memory_space<vmem_shared>>)
        tpu.yield
      }) : () -> ()
      %add3A_50 = arith.constant 128 : i32
      %add3A_51 = arith.addi %mul3A_2, %add3A_50 : i32
      "tpu.region"() ({
        %run_scoped3A = tpu.sem_alloc : memref<!tpu.dma_semaphore, #tpu.memory_space<semaphore_mem>>
        %dma_start3A_58 = arith.constant 0 : i32
        %dma_start3A_59 = tpu.memref_slice %arg11[%add3A_51, %dma_start3A_58] : memref<10240x128xf32, #tpu.memory_space<vmem_shared>> -> memref<128x128xf32, #tpu.memory_space<vmem_shared>>
        %dma_start3A_60 = arith.constant 0 : i32
        %dma_start3A_61 = tpu.memref_slice %arg11[%add3A_51, %dma_start3A_60] : memref<10240x128xf32, #tpu.memory_space<vmem_shared>> -> memref<128x128xf32, #tpu.memory_space<vmem_shared>>
        tpu.enqueue_dma source(%arg9 : memref<128x128xf32, #tpu.memory_space<vmem>>) target(%dma_start3A_61 : memref<128x128xf32, #tpu.memory_space<vmem_shared>>) target_semaphore(%run_scoped3A : memref<!tpu.dma_semaphore, #tpu.memory_space<semaphore_mem>>)
        %dma_wait3A = arith.constant 0 : i32
        %dma_wait3A_62 = tpu.memref_slice %arg11[%add3A_51, %dma_wait3A] : memref<10240x128xf32, #tpu.memory_space<vmem_shared>> -> memref<128x128xf32, #tpu.memory_space<vmem_shared>>
        %dma_wait3A_63 = arith.constant 0 : i32
        %dma_wait3A_64 = tpu.memref_slice %arg11[%add3A_51, %dma_wait3A_63] : memref<10240x128xf32, #tpu.memory_space<vmem_shared>> -> memref<128x128xf32, #tpu.memory_space<vmem_shared>>
        tpu.wait_dma2 semaphore(%run_scoped3A : memref<!tpu.dma_semaphore, #tpu.memory_space<semaphore_mem>>) src(%arg9 : memref<128x128xf32, #tpu.memory_space<vmem>>) dst(%dma_wait3A_64 : memref<128x128xf32, #tpu.memory_space<vmem_shared>>)
        tpu.yield
      }) : () -> ()
      %add3A_52 = arith.constant 256 : i32
      %add3A_53 = arith.addi %mul3A_2, %add3A_52 : i32
      "tpu.region"() ({
        %run_scoped3A = tpu.sem_alloc : memref<!tpu.dma_semaphore, #tpu.memory_space<semaphore_mem>>
        %dma_start3A_58 = arith.constant 0 : i32
        %dma_start3A_59 = tpu.memref_slice %arg11[%add3A_53, %dma_start3A_58] : memref<10240x128xf32, #tpu.memory_space<vmem_shared>> -> memref<128x128xf32, #tpu.memory_space<vmem_shared>>
        %dma_start3A_60 = arith.constant 0 : i32
        %dma_start3A_61 = tpu.memref_slice %arg11[%add3A_53, %dma_start3A_60] : memref<10240x128xf32, #tpu.memory_space<vmem_shared>> -> memref<128x128xf32, #tpu.memory_space<vmem_shared>>
        tpu.enqueue_dma source(%arg9 : memref<128x128xf32, #tpu.memory_space<vmem>>) target(%dma_start3A_61 : memref<128x128xf32, #tpu.memory_space<vmem_shared>>) target_semaphore(%run_scoped3A : memref<!tpu.dma_semaphore, #tpu.memory_space<semaphore_mem>>)
        %dma_wait3A = arith.constant 0 : i32
        %dma_wait3A_62 = tpu.memref_slice %arg11[%add3A_53, %dma_wait3A] : memref<10240x128xf32, #tpu.memory_space<vmem_shared>> -> memref<128x128xf32, #tpu.memory_space<vmem_shared>>
        %dma_wait3A_63 = arith.constant 0 : i32
        %dma_wait3A_64 = tpu.memref_slice %arg11[%add3A_53, %dma_wait3A_63] : memref<10240x128xf32, #tpu.memory_space<vmem_shared>> -> memref<128x128xf32, #tpu.memory_space<vmem_shared>>
        tpu.wait_dma2 semaphore(%run_scoped3A : memref<!tpu.dma_semaphore, #tpu.memory_space<semaphore_mem>>) src(%arg9 : memref<128x128xf32, #tpu.memory_space<vmem>>) dst(%dma_wait3A_64 : memref<128x128xf32, #tpu.memory_space<vmem_shared>>)
        tpu.yield
      }) : () -> ()
      %add3A_54 = arith.constant 384 : i32
      %add3A_55 = arith.addi %mul3A_2, %add3A_54 : i32
      "tpu.region"() ({
        %run_scoped3A = tpu.sem_alloc : memref<!tpu.dma_semaphore, #tpu.memory_space<semaphore_mem>>
        %dma_start3A_58 = arith.constant 0 : i32
        %dma_start3A_59 = tpu.memref_slice %arg11[%add3A_55, %dma_start3A_58] : memref<10240x128xf32, #tpu.memory_space<vmem_shared>> -> memref<128x128xf32, #tpu.memory_space<vmem_shared>>
        %dma_start3A_60 = arith.constant 0 : i32
        %dma_start3A_61 = tpu.memref_slice %arg11[%add3A_55, %dma_start3A_60] : memref<10240x128xf32, #tpu.memory_space<vmem_shared>> -> memref<128x128xf32, #tpu.memory_space<vmem_shared>>
        tpu.enqueue_dma source(%arg9 : memref<128x128xf32, #tpu.memory_space<vmem>>) target(%dma_start3A_61 : memref<128x128xf32, #tpu.memory_space<vmem_shared>>) target_semaphore(%run_scoped3A : memref<!tpu.dma_semaphore, #tpu.memory_space<semaphore_mem>>)
        %dma_wait3A = arith.constant 0 : i32
        %dma_wait3A_62 = tpu.memref_slice %arg11[%add3A_55, %dma_wait3A] : memref<10240x128xf32, #tpu.memory_space<vmem_shared>> -> memref<128x128xf32, #tpu.memory_space<vmem_shared>>
        %dma_wait3A_63 = arith.constant 0 : i32
        %dma_wait3A_64 = tpu.memref_slice %arg11[%add3A_55, %dma_wait3A_63] : memref<10240x128xf32, #tpu.memory_space<vmem_shared>> -> memref<128x128xf32, #tpu.memory_space<vmem_shared>>
        tpu.wait_dma2 semaphore(%run_scoped3A : memref<!tpu.dma_semaphore, #tpu.memory_space<semaphore_mem>>) src(%arg9 : memref<128x128xf32, #tpu.memory_space<vmem>>) dst(%dma_wait3A_64 : memref<128x128xf32, #tpu.memory_space<vmem_shared>>)
        tpu.yield
      }) : () -> ()
      %add3A_56 = arith.constant 512 : i32
      %add3A_57 = arith.addi %mul3A_2, %add3A_56 : i32
      "tpu.region"() ({
        %run_scoped3A = tpu.sem_alloc : memref<!tpu.dma_semaphore, #tpu.memory_space<semaphore_mem>>
        %dma_start3A_58 = arith.constant 0 : i32
        %dma_start3A_59 = tpu.memref_slice %arg11[%add3A_57, %dma_start3A_58] : memref<10240x128xf32, #tpu.memory_space<vmem_shared>> -> memref<128x128xf32, #tpu.memory_space<vmem_shared>>
        %dma_start3A_60 = arith.constant 0 : i32
        %dma_start3A_61 = tpu.memref_slice %arg11[%add3A_57, %dma_start3A_60] : memref<10240x128xf32, #tpu.memory_space<vmem_shared>> -> memref<128x128xf32, #tpu.memory_space<vmem_shared>>
        tpu.enqueue_dma source(%arg9 : memref<128x128xf32, #tpu.memory_space<vmem>>) target(%dma_start3A_61 : memref<128x128xf32, #tpu.memory_space<vmem_shared>>) target_semaphore(%run_scoped3A : memref<!tpu.dma_semaphore, #tpu.memory_space<semaphore_mem>>)
        %dma_wait3A = arith.constant 0 : i32
        %dma_wait3A_62 = tpu.memref_slice %arg11[%add3A_57, %dma_wait3A] : memref<10240x128xf32, #tpu.memory_space<vmem_shared>> -> memref<128x128xf32, #tpu.memory_space<vmem_shared>>
        %dma_wait3A_63 = arith.constant 0 : i32
        %dma_wait3A_64 = tpu.memref_slice %arg11[%add3A_57, %dma_wait3A_63] : memref<10240x128xf32, #tpu.memory_space<vmem_shared>> -> memref<128x128xf32, #tpu.memory_space<vmem_shared>>
        tpu.wait_dma2 semaphore(%run_scoped3A : memref<!tpu.dma_semaphore, #tpu.memory_space<semaphore_mem>>) src(%arg9 : memref<128x128xf32, #tpu.memory_space<vmem>>) dst(%dma_wait3A_64 : memref<128x128xf32, #tpu.memory_space<vmem_shared>>)
        tpu.yield
      }) : () -> ()
    } else {
    }
    %barrier3A = arith.constant 0 : index
    tpu.barrier barrier_id(%barrier3A)
    "tpu.region"() ({
      %run_scoped3A = tpu.sem_alloc : memref<!tpu.dma_semaphore, #tpu.memory_space<semaphore_mem>>
      %dma_start3A_48 = arith.constant 0 : i32
      %dma_start3A_49 = arith.constant 0 : i32
      %dma_start3A_50 = tpu.memref_slice %arg3[%add3A, %dma_start3A_48, %dma_start3A_49] : memref<32x80x128xi32, #tpu.memory_space<hbm>> -> memref<1x40x128xi32, #tpu.memory_space<hbm>>
      %dma_start3A_51 = tpu.memref_squeeze %dma_start3A_50 : memref<1x40x128xi32, #tpu.memory_space<hbm>> -> memref<40x128xi32, #tpu.memory_space<hbm>>
      %dma_start3A_52 = arith.constant 0 : i32
      %dma_start3A_53 = arith.constant 0 : i32
      %dma_start3A_54 = tpu.memref_slice %arg3[%add3A, %dma_start3A_52, %dma_start3A_53] : memref<32x80x128xi32, #tpu.memory_space<hbm>> -> memref<1x40x128xi32, #tpu.memory_space<hbm>>
      %dma_start3A_55 = tpu.memref_squeeze %dma_start3A_54 : memref<1x40x128xi32, #tpu.memory_space<hbm>> -> memref<40x128xi32, #tpu.memory_space<hbm>>
      tpu.enqueue_dma source(%dma_start3A_55 : memref<40x128xi32, #tpu.memory_space<hbm>>) target(%arg7 : memref<40x128xi32, #tpu.memory_space<vmem>>) target_semaphore(%run_scoped3A : memref<!tpu.dma_semaphore, #tpu.memory_space<semaphore_mem>>)
      %dma_wait3A = arith.constant 0 : i32
      %dma_wait3A_56 = arith.constant 0 : i32
      %dma_wait3A_57 = tpu.memref_slice %arg3[%add3A, %dma_wait3A, %dma_wait3A_56] : memref<32x80x128xi32, #tpu.memory_space<hbm>> -> memref<1x40x128xi32, #tpu.memory_space<hbm>>
      %dma_wait3A_58 = tpu.memref_squeeze %dma_wait3A_57 : memref<1x40x128xi32, #tpu.memory_space<hbm>> -> memref<40x128xi32, #tpu.memory_space<hbm>>
      %dma_wait3A_59 = arith.constant 0 : i32
      %dma_wait3A_60 = arith.constant 0 : i32
      %dma_wait3A_61 = tpu.memref_slice %arg3[%add3A, %dma_wait3A_59, %dma_wait3A_60] : memref<32x80x128xi32, #tpu.memory_space<hbm>> -> memref<1x40x128xi32, #tpu.memory_space<hbm>>
      %dma_wait3A_62 = tpu.memref_squeeze %dma_wait3A_61 : memref<1x40x128xi32, #tpu.memory_space<hbm>> -> memref<40x128xi32, #tpu.memory_space<hbm>>
      tpu.wait_dma2 semaphore(%run_scoped3A : memref<!tpu.dma_semaphore, #tpu.memory_space<semaphore_mem>>) src(%dma_wait3A_62 : memref<40x128xi32, #tpu.memory_space<hbm>>) dst(%arg7 : memref<40x128xi32, #tpu.memory_space<vmem>>)
      tpu.yield
    }) : () -> ()
    "tpu.region"() ({
      %run_scoped3A = tpu.sem_alloc : memref<!tpu.dma_semaphore, #tpu.memory_space<semaphore_mem>>
      %dma_start3A_48 = arith.constant 0 : i32
      %dma_start3A_49 = arith.constant 0 : i32
      %dma_start3A_50 = tpu.memref_slice %arg4[%add3A, %dma_start3A_48, %dma_start3A_49] : memref<32x80x128xi32, #tpu.memory_space<hbm>> -> memref<1x40x128xi32, #tpu.memory_space<hbm>>
      %dma_start3A_51 = tpu.memref_squeeze %dma_start3A_50 : memref<1x40x128xi32, #tpu.memory_space<hbm>> -> memref<40x128xi32, #tpu.memory_space<hbm>>
      %dma_start3A_52 = arith.constant 0 : i32
      %dma_start3A_53 = arith.constant 0 : i32
      %dma_start3A_54 = tpu.memref_slice %arg4[%add3A, %dma_start3A_52, %dma_start3A_53] : memref<32x80x128xi32, #tpu.memory_space<hbm>> -> memref<1x40x128xi32, #tpu.memory_space<hbm>>
      %dma_start3A_55 = tpu.memref_squeeze %dma_start3A_54 : memref<1x40x128xi32, #tpu.memory_space<hbm>> -> memref<40x128xi32, #tpu.memory_space<hbm>>
      tpu.enqueue_dma source(%dma_start3A_55 : memref<40x128xi32, #tpu.memory_space<hbm>>) target(%arg8 : memref<40x128xi32, #tpu.memory_space<vmem>>) target_semaphore(%run_scoped3A : memref<!tpu.dma_semaphore, #tpu.memory_space<semaphore_mem>>)
      %dma_wait3A = arith.constant 0 : i32
      %dma_wait3A_56 = arith.constant 0 : i32
      %dma_wait3A_57 = tpu.memref_slice %arg4[%add3A, %dma_wait3A, %dma_wait3A_56] : memref<32x80x128xi32, #tpu.memory_space<hbm>> -> memref<1x40x128xi32, #tpu.memory_space<hbm>>
      %dma_wait3A_58 = tpu.memref_squeeze %dma_wait3A_57 : memref<1x40x128xi32, #tpu.memory_space<hbm>> -> memref<40x128xi32, #tpu.memory_space<hbm>>
      %dma_wait3A_59 = arith.constant 0 : i32
      %dma_wait3A_60 = arith.constant 0 : i32
      %dma_wait3A_61 = tpu.memref_slice %arg4[%add3A, %dma_wait3A_59, %dma_wait3A_60] : memref<32x80x128xi32, #tpu.memory_space<hbm>> -> memref<1x40x128xi32, #tpu.memory_space<hbm>>
      %dma_wait3A_62 = tpu.memref_squeeze %dma_wait3A_61 : memref<1x40x128xi32, #tpu.memory_space<hbm>> -> memref<40x128xi32, #tpu.memory_space<hbm>>
      tpu.wait_dma2 semaphore(%run_scoped3A : memref<!tpu.dma_semaphore, #tpu.memory_space<semaphore_mem>>) src(%dma_wait3A_62 : memref<40x128xi32, #tpu.memory_space<hbm>>) dst(%arg8 : memref<40x128xi32, #tpu.memory_space<vmem>>)
      tpu.yield
    }) : () -> ()
    %dma_start3A = arith.constant 0 : i32
    %dma_start3A_9 = arith.constant 0 : i32
    %dma_start3A_10 = tpu.memref_slice %arg7[%dma_start3A, %dma_start3A_9] : memref<40x128xi32, #tpu.memory_space<vmem>> -> memref<1x128xi32, #tpu.memory_space<vmem>>
    %dma_start3A_11 = tpu.memref_squeeze %dma_start3A_10 : memref<1x128xi32, #tpu.memory_space<vmem>> -> memref<128xi32, #tpu.memory_space<vmem>>
    %dma_start3A_12 = arith.constant 0 : i32
    %dma_start3A_13 = arith.constant 0 : i32
    %dma_start3A_14 = tpu.memref_slice %arg2[%dma_start3A_12, %dma_start3A_13] : memref<10240x128xf32, #tpu.memory_space<hbm>> -> memref<10240x128xf32, #tpu.memory_space<hbm>>
    tpu.enqueue_indirect_dma source(%dma_start3A_14 : memref<10240x128xf32, #tpu.memory_space<hbm>>) target(%arg9 : memref<128x128xf32, #tpu.memory_space<vmem>>) offsets(%dma_start3A_11 : memref<128xi32, #tpu.memory_space<vmem>>) semaphore(%arg12 : memref<!tpu.dma_semaphore, #tpu.memory_space<semaphore_mem>>)
    %dma_start3A_15 = arith.constant 1 : i32
    %dma_start3A_16 = arith.constant 0 : i32
    %dma_start3A_17 = tpu.memref_slice %arg7[%dma_start3A_15, %dma_start3A_16] : memref<40x128xi32, #tpu.memory_space<vmem>> -> memref<1x128xi32, #tpu.memory_space<vmem>>
    %dma_start3A_18 = tpu.memref_squeeze %dma_start3A_17 : memref<1x128xi32, #tpu.memory_space<vmem>> -> memref<128xi32, #tpu.memory_space<vmem>>
    %dma_start3A_19 = arith.constant 0 : i32
    %dma_start3A_20 = arith.constant 0 : i32
    %dma_start3A_21 = tpu.memref_slice %arg2[%dma_start3A_19, %dma_start3A_20] : memref<10240x128xf32, #tpu.memory_space<hbm>> -> memref<10240x128xf32, #tpu.memory_space<hbm>>
    tpu.enqueue_indirect_dma source(%dma_start3A_21 : memref<10240x128xf32, #tpu.memory_space<hbm>>) target(%arg10 : memref<128x128xf32, #tpu.memory_space<vmem>>) offsets(%dma_start3A_18 : memref<128xi32, #tpu.memory_space<vmem>>) semaphore(%arg13 : memref<!tpu.dma_semaphore, #tpu.memory_space<semaphore_mem>>)
    %scan3A = arith.constant 0 : i32
    %scan3A_22 = arith.constant 0 : i32
    %scan3A_23 = arith.constant 20 : i32
    %scan3A_24 = arith.addi %scan3A_22, %scan3A_23 : i32
    %scan3A_25 = arith.constant 1 : i32
    scf.for %scan3A_48 = %scan3A_22 to %scan3A_24 step %scan3A_25  : i32 {
      %mul3A_49 = arith.constant 2 : i32
      %mul3A_50 = arith.muli %mul3A_49, %scan3A_48 : i32
      %dma_wait3A = arith.constant 0 : i32
      %dma_wait3A_51 = tpu.memref_slice %arg7[%mul3A_50, %dma_wait3A] : memref<40x128xi32, #tpu.memory_space<vmem>> -> memref<1x128xi32, #tpu.memory_space<vmem>>
      %dma_wait3A_52 = tpu.memref_squeeze %dma_wait3A_51 : memref<1x128xi32, #tpu.memory_space<vmem>> -> memref<128xi32, #tpu.memory_space<vmem>>
      %dma_wait3A_53 = arith.constant 0 : i32
      %dma_wait3A_54 = arith.constant 0 : i32
      %dma_wait3A_55 = tpu.memref_slice %arg2[%dma_wait3A_53, %dma_wait3A_54] : memref<10240x128xf32, #tpu.memory_space<hbm>> -> memref<10240x128xf32, #tpu.memory_space<hbm>>
      tpu.wait_indirect_dma semaphore(%arg12 : memref<!tpu.dma_semaphore, #tpu.memory_space<semaphore_mem>>) src(%dma_wait3A_55 : memref<10240x128xf32, #tpu.memory_space<hbm>>) dst(%arg9 : memref<128x128xf32, #tpu.memory_space<vmem>>)
      "tpu.region"() ({
        %run_scoped3A = tpu.sem_alloc : memref<!tpu.dma_semaphore, #tpu.memory_space<semaphore_mem>>
        %dma_start3A_79 = arith.constant 0 : i32
        %dma_start3A_80 = tpu.memref_slice %arg8[%mul3A_50, %dma_start3A_79] : memref<40x128xi32, #tpu.memory_space<vmem>> -> memref<1x128xi32, #tpu.memory_space<vmem>>
        %dma_start3A_81 = tpu.memref_squeeze %dma_start3A_80 : memref<1x128xi32, #tpu.memory_space<vmem>> -> memref<128xi32, #tpu.memory_space<vmem>>
        %dma_start3A_82 = arith.constant 0 : i32
        %dma_start3A_83 = arith.constant 0 : i32
        %dma_start3A_84 = tpu.memref_slice %arg11[%dma_start3A_82, %dma_start3A_83] : memref<10240x128xf32, #tpu.memory_space<vmem_shared>> -> memref<10240x128xf32, #tpu.memory_space<vmem_shared>>
        tpu.enqueue_indirect_dma source(%arg9 : memref<128x128xf32, #tpu.memory_space<vmem>>) target(%dma_start3A_84 : memref<10240x128xf32, #tpu.memory_space<vmem_shared>>) offsets(%dma_start3A_81 : memref<128xi32, #tpu.memory_space<vmem>>) semaphore(%run_scoped3A : memref<!tpu.dma_semaphore, #tpu.memory_space<semaphore_mem>>) {add = true}
        %dma_wait3A_85 = arith.constant 0 : i32
        %dma_wait3A_86 = tpu.memref_slice %arg8[%mul3A_50, %dma_wait3A_85] : memref<40x128xi32, #tpu.memory_space<vmem>> -> memref<1x128xi32, #tpu.memory_space<vmem>>
        %dma_wait3A_87 = tpu.memref_squeeze %dma_wait3A_86 : memref<1x128xi32, #tpu.memory_space<vmem>> -> memref<128xi32, #tpu.memory_space<vmem>>
        %dma_wait3A_88 = arith.constant 0 : i32
        %dma_wait3A_89 = arith.constant 0 : i32
        %dma_wait3A_90 = tpu.memref_slice %arg11[%dma_wait3A_88, %dma_wait3A_89] : memref<10240x128xf32, #tpu.memory_space<vmem_shared>> -> memref<10240x128xf32, #tpu.memory_space<vmem_shared>>
        tpu.wait_indirect_dma semaphore(%run_scoped3A : memref<!tpu.dma_semaphore, #tpu.memory_space<semaphore_mem>>) src(%arg9 : memref<128x128xf32, #tpu.memory_space<vmem>>) dst(%dma_wait3A_90 : memref<10240x128xf32, #tpu.memory_space<vmem_shared>>)
        tpu.yield
      }) : () -> ()
      %add3A_56 = arith.constant 2 : i32
      %add3A_57 = arith.addi %mul3A_50, %add3A_56 : i32
      %lt3A = arith.constant 40 : i32
      %lt3A_58 = arith.cmpi slt, %add3A_57, %lt3A : i32
      %convert_element_type3A_59 = arith.extui %lt3A_58 : i1 to i32
      %cond3A_60 = arith.constant 0 : i32
      %cond3A_61 = arith.cmpi ne, %convert_element_type3A_59, %cond3A_60 : i32
      scf.if %cond3A_61 {
        %add3A_79 = arith.constant 2 : i32
        %add3A_80 = arith.addi %mul3A_50, %add3A_79 : i32
        %dma_start3A_81 = arith.constant 0 : i32
        %dma_start3A_82 = tpu.memref_slice %arg7[%add3A_80, %dma_start3A_81] : memref<40x128xi32, #tpu.memory_space<vmem>> -> memref<1x128xi32, #tpu.memory_space<vmem>>
        %dma_start3A_83 = tpu.memref_squeeze %dma_start3A_82 : memref<1x128xi32, #tpu.memory_space<vmem>> -> memref<128xi32, #tpu.memory_space<vmem>>
        %dma_start3A_84 = arith.constant 0 : i32
        %dma_start3A_85 = arith.constant 0 : i32
        %dma_start3A_86 = tpu.memref_slice %arg2[%dma_start3A_84, %dma_start3A_85] : memref<10240x128xf32, #tpu.memory_space<hbm>> -> memref<10240x128xf32, #tpu.memory_space<hbm>>
        tpu.enqueue_indirect_dma source(%dma_start3A_86 : memref<10240x128xf32, #tpu.memory_space<hbm>>) target(%arg9 : memref<128x128xf32, #tpu.memory_space<vmem>>) offsets(%dma_start3A_83 : memref<128xi32, #tpu.memory_space<vmem>>) semaphore(%arg12 : memref<!tpu.dma_semaphore, #tpu.memory_space<semaphore_mem>>)
      } else {
      }
      %add3A_62 = arith.constant 1 : i32
      %add3A_63 = arith.addi %mul3A_50, %add3A_62 : i32
      %dma_wait3A_64 = arith.constant 0 : i32
      %dma_wait3A_65 = tpu.memref_slice %arg7[%add3A_63, %dma_wait3A_64] : memref<40x128xi32, #tpu.memory_space<vmem>> -> memref<1x128xi32, #tpu.memory_space<vmem>>
      %dma_wait3A_66 = tpu.memref_squeeze %dma_wait3A_65 : memref<1x128xi32, #tpu.memory_space<vmem>> -> memref<128xi32, #tpu.memory_space<vmem>>
      %dma_wait3A_67 = arith.constant 0 : i32
      %dma_wait3A_68 = arith.constant 0 : i32
      %dma_wait3A_69 = tpu.memref_slice %arg2[%dma_wait3A_67, %dma_wait3A_68] : memref<10240x128xf32, #tpu.memory_space<hbm>> -> memref<10240x128xf32, #tpu.memory_space<hbm>>
      tpu.wait_indirect_dma semaphore(%arg13 : memref<!tpu.dma_semaphore, #tpu.memory_space<semaphore_mem>>) src(%dma_wait3A_69 : memref<10240x128xf32, #tpu.memory_space<hbm>>) dst(%arg10 : memref<128x128xf32, #tpu.memory_space<vmem>>)
      %add3A_70 = arith.constant 1 : i32
      %add3A_71 = arith.addi %mul3A_50, %add3A_70 : i32
      "tpu.region"() ({
        %run_scoped3A = tpu.sem_alloc : memref<!tpu.dma_semaphore, #tpu.memory_space<semaphore_mem>>
        %dma_start3A_79 = arith.constant 0 : i32
        %dma_start3A_80 = tpu.memref_slice %arg8[%add3A_71, %dma_start3A_79] : memref<40x128xi32, #tpu.memory_space<vmem>> -> memref<1x128xi32, #tpu.memory_space<vmem>>
        %dma_start3A_81 = tpu.memref_squeeze %dma_start3A_80 : memref<1x128xi32, #tpu.memory_space<vmem>> -> memref<128xi32, #tpu.memory_space<vmem>>
        %dma_start3A_82 = arith.constant 0 : i32
        %dma_start3A_83 = arith.constant 0 : i32
        %dma_start3A_84 = tpu.memref_slice %arg11[%dma_start3A_82, %dma_start3A_83] : memref<10240x128xf32, #tpu.memory_space<vmem_shared>> -> memref<10240x128xf32, #tpu.memory_space<vmem_shared>>
        tpu.enqueue_indirect_dma source(%arg10 : memref<128x128xf32, #tpu.memory_space<vmem>>) target(%dma_start3A_84 : memref<10240x128xf32, #tpu.memory_space<vmem_shared>>) offsets(%dma_start3A_81 : memref<128xi32, #tpu.memory_space<vmem>>) semaphore(%run_scoped3A : memref<!tpu.dma_semaphore, #tpu.memory_space<semaphore_mem>>) {add = true}
        %dma_wait3A_85 = arith.constant 0 : i32
        %dma_wait3A_86 = tpu.memref_slice %arg8[%add3A_71, %dma_wait3A_85] : memref<40x128xi32, #tpu.memory_space<vmem>> -> memref<1x128xi32, #tpu.memory_space<vmem>>
        %dma_wait3A_87 = tpu.memref_squeeze %dma_wait3A_86 : memref<1x128xi32, #tpu.memory_space<vmem>> -> memref<128xi32, #tpu.memory_space<vmem>>
        %dma_wait3A_88 = arith.constant 0 : i32
        %dma_wait3A_89 = arith.constant 0 : i32
        %dma_wait3A_90 = tpu.memref_slice %arg11[%dma_wait3A_88, %dma_wait3A_89] : memref<10240x128xf32, #tpu.memory_space<vmem_shared>> -> memref<10240x128xf32, #tpu.memory_space<vmem_shared>>
        tpu.wait_indirect_dma semaphore(%run_scoped3A : memref<!tpu.dma_semaphore, #tpu.memory_space<semaphore_mem>>) src(%arg10 : memref<128x128xf32, #tpu.memory_space<vmem>>) dst(%dma_wait3A_90 : memref<10240x128xf32, #tpu.memory_space<vmem_shared>>)
        tpu.yield
      }) : () -> ()
      %add3A_72 = arith.constant 3 : i32
      %add3A_73 = arith.addi %mul3A_50, %add3A_72 : i32
      %lt3A_74 = arith.constant 40 : i32
      %lt3A_75 = arith.cmpi slt, %add3A_73, %lt3A_74 : i32
      %convert_element_type3A_76 = arith.extui %lt3A_75 : i1 to i32
      %cond3A_77 = arith.constant 0 : i32
      %cond3A_78 = arith.cmpi ne, %convert_element_type3A_76, %cond3A_77 : i32
      scf.if %cond3A_78 {
        %add3A_79 = arith.constant 3 : i32
        %add3A_80 = arith.addi %mul3A_50, %add3A_79 : i32
        %dma_start3A_81 = arith.constant 0 : i32
        %dma_start3A_82 = tpu.memref_slice %arg7[%add3A_80, %dma_start3A_81] : memref<40x128xi32, #tpu.memory_space<vmem>> -> memref<1x128xi32, #tpu.memory_space<vmem>>
        %dma_start3A_83 = tpu.memref_squeeze %dma_start3A_82 : memref<1x128xi32, #tpu.memory_space<vmem>> -> memref<128xi32, #tpu.memory_space<vmem>>
        %dma_start3A_84 = arith.constant 0 : i32
        %dma_start3A_85 = arith.constant 0 : i32
        %dma_start3A_86 = tpu.memref_slice %arg2[%dma_start3A_84, %dma_start3A_85] : memref<10240x128xf32, #tpu.memory_space<hbm>> -> memref<10240x128xf32, #tpu.memory_space<hbm>>
        tpu.enqueue_indirect_dma source(%dma_start3A_86 : memref<10240x128xf32, #tpu.memory_space<hbm>>) target(%arg10 : memref<128x128xf32, #tpu.memory_space<vmem>>) offsets(%dma_start3A_83 : memref<128xi32, #tpu.memory_space<vmem>>) semaphore(%arg13 : memref<!tpu.dma_semaphore, #tpu.memory_space<semaphore_mem>>)
      } else {
      }
    }
    %scan3A_26 = arith.constant 20 : i32
    "tpu.region"() ({
      %run_scoped3A = tpu.sem_alloc : memref<!tpu.dma_semaphore, #tpu.memory_space<semaphore_mem>>
      %dma_start3A_48 = arith.constant 40 : i32
      %dma_start3A_49 = arith.constant 0 : i32
      %dma_start3A_50 = tpu.memref_slice %arg3[%add3A, %dma_start3A_48, %dma_start3A_49] : memref<32x80x128xi32, #tpu.memory_space<hbm>> -> memref<1x40x128xi32, #tpu.memory_space<hbm>>
      %dma_start3A_51 = tpu.memref_squeeze %dma_start3A_50 : memref<1x40x128xi32, #tpu.memory_space<hbm>> -> memref<40x128xi32, #tpu.memory_space<hbm>>
      %dma_start3A_52 = arith.constant 40 : i32
      %dma_start3A_53 = arith.constant 0 : i32
      %dma_start3A_54 = tpu.memref_slice %arg3[%add3A, %dma_start3A_52, %dma_start3A_53] : memref<32x80x128xi32, #tpu.memory_space<hbm>> -> memref<1x40x128xi32, #tpu.memory_space<hbm>>
      %dma_start3A_55 = tpu.memref_squeeze %dma_start3A_54 : memref<1x40x128xi32, #tpu.memory_space<hbm>> -> memref<40x128xi32, #tpu.memory_space<hbm>>
      tpu.enqueue_dma source(%dma_start3A_55 : memref<40x128xi32, #tpu.memory_space<hbm>>) target(%arg7 : memref<40x128xi32, #tpu.memory_space<vmem>>) target_semaphore(%run_scoped3A : memref<!tpu.dma_semaphore, #tpu.memory_space<semaphore_mem>>)
      %dma_wait3A = arith.constant 40 : i32
      %dma_wait3A_56 = arith.constant 0 : i32
      %dma_wait3A_57 = tpu.memref_slice %arg3[%add3A, %dma_wait3A, %dma_wait3A_56] : memref<32x80x128xi32, #tpu.memory_space<hbm>> -> memref<1x40x128xi32, #tpu.memory_space<hbm>>
      %dma_wait3A_58 = tpu.memref_squeeze %dma_wait3A_57 : memref<1x40x128xi32, #tpu.memory_space<hbm>> -> memref<40x128xi32, #tpu.memory_space<hbm>>
      %dma_wait3A_59 = arith.constant 40 : i32
      %dma_wait3A_60 = arith.constant 0 : i32
      %dma_wait3A_61 = tpu.memref_slice %arg3[%add3A, %dma_wait3A_59, %dma_wait3A_60] : memref<32x80x128xi32, #tpu.memory_space<hbm>> -> memref<1x40x128xi32, #tpu.memory_space<hbm>>
      %dma_wait3A_62 = tpu.memref_squeeze %dma_wait3A_61 : memref<1x40x128xi32, #tpu.memory_space<hbm>> -> memref<40x128xi32, #tpu.memory_space<hbm>>
      tpu.wait_dma2 semaphore(%run_scoped3A : memref<!tpu.dma_semaphore, #tpu.memory_space<semaphore_mem>>) src(%dma_wait3A_62 : memref<40x128xi32, #tpu.memory_space<hbm>>) dst(%arg7 : memref<40x128xi32, #tpu.memory_space<vmem>>)
      tpu.yield
    }) : () -> ()
    "tpu.region"() ({
      %run_scoped3A = tpu.sem_alloc : memref<!tpu.dma_semaphore, #tpu.memory_space<semaphore_mem>>
      %dma_start3A_48 = arith.constant 40 : i32
      %dma_start3A_49 = arith.constant 0 : i32
      %dma_start3A_50 = tpu.memref_slice %arg4[%add3A, %dma_start3A_48, %dma_start3A_49] : memref<32x80x128xi32, #tpu.memory_space<hbm>> -> memref<1x40x128xi32, #tpu.memory_space<hbm>>
      %dma_start3A_51 = tpu.memref_squeeze %dma_start3A_50 : memref<1x40x128xi32, #tpu.memory_space<hbm>> -> memref<40x128xi32, #tpu.memory_space<hbm>>
      %dma_start3A_52 = arith.constant 40 : i32
      %dma_start3A_53 = arith.constant 0 : i32
      %dma_start3A_54 = tpu.memref_slice %arg4[%add3A, %dma_start3A_52, %dma_start3A_53] : memref<32x80x128xi32, #tpu.memory_space<hbm>> -> memref<1x40x128xi32, #tpu.memory_space<hbm>>
      %dma_start3A_55 = tpu.memref_squeeze %dma_start3A_54 : memref<1x40x128xi32, #tpu.memory_space<hbm>> -> memref<40x128xi32, #tpu.memory_space<hbm>>
      tpu.enqueue_dma source(%dma_start3A_55 : memref<40x128xi32, #tpu.memory_space<hbm>>) target(%arg8 : memref<40x128xi32, #tpu.memory_space<vmem>>) target_semaphore(%run_scoped3A : memref<!tpu.dma_semaphore, #tpu.memory_space<semaphore_mem>>)
      %dma_wait3A = arith.constant 40 : i32
      %dma_wait3A_56 = arith.constant 0 : i32
      %dma_wait3A_57 = tpu.memref_slice %arg4[%add3A, %dma_wait3A, %dma_wait3A_56] : memref<32x80x128xi32, #tpu.memory_space<hbm>> -> memref<1x40x128xi32, #tpu.memory_space<hbm>>
      %dma_wait3A_58 = tpu.memref_squeeze %dma_wait3A_57 : memref<1x40x128xi32, #tpu.memory_space<hbm>> -> memref<40x128xi32, #tpu.memory_space<hbm>>
      %dma_wait3A_59 = arith.constant 40 : i32
      %dma_wait3A_60 = arith.constant 0 : i32
      %dma_wait3A_61 = tpu.memref_slice %arg4[%add3A, %dma_wait3A_59, %dma_wait3A_60] : memref<32x80x128xi32, #tpu.memory_space<hbm>> -> memref<1x40x128xi32, #tpu.memory_space<hbm>>
      %dma_wait3A_62 = tpu.memref_squeeze %dma_wait3A_61 : memref<1x40x128xi32, #tpu.memory_space<hbm>> -> memref<40x128xi32, #tpu.memory_space<hbm>>
      tpu.wait_dma2 semaphore(%run_scoped3A : memref<!tpu.dma_semaphore, #tpu.memory_space<semaphore_mem>>) src(%dma_wait3A_62 : memref<40x128xi32, #tpu.memory_space<hbm>>) dst(%arg8 : memref<40x128xi32, #tpu.memory_space<vmem>>)
      tpu.yield
    }) : () -> ()
    %dma_start3A_27 = arith.constant 0 : i32
    %dma_start3A_28 = arith.constant 0 : i32
    %dma_start3A_29 = tpu.memref_slice %arg7[%dma_start3A_27, %dma_start3A_28] : memref<40x128xi32, #tpu.memory_space<vmem>> -> memref<1x128xi32, #tpu.memory_space<vmem>>
    %dma_start3A_30 = tpu.memref_squeeze %dma_start3A_29 : memref<1x128xi32, #tpu.memory_space<vmem>> -> memref<128xi32, #tpu.memory_space<vmem>>
    %dma_start3A_31 = arith.constant 0 : i32
    %dma_start3A_32 = arith.constant 0 : i32
    %dma_start3A_33 = tpu.memref_slice %arg2[%dma_start3A_31, %dma_start3A_32] : memref<10240x128xf32, #tpu.memory_space<hbm>> -> memref<10240x128xf32, #tpu.memory_space<hbm>>
    tpu.enqueue_indirect_dma source(%dma_start3A_33 : memref<10240x128xf32, #tpu.memory_space<hbm>>) target(%arg9 : memref<128x128xf32, #tpu.memory_space<vmem>>) offsets(%dma_start3A_30 : memref<128xi32, #tpu.memory_space<vmem>>) semaphore(%arg12 : memref<!tpu.dma_semaphore, #tpu.memory_space<semaphore_mem>>)
    %dma_start3A_34 = arith.constant 1 : i32
    %dma_start3A_35 = arith.constant 0 : i32
    %dma_start3A_36 = tpu.memref_slice %arg7[%dma_start3A_34, %dma_start3A_35] : memref<40x128xi32, #tpu.memory_space<vmem>> -> memref<1x128xi32, #tpu.memory_space<vmem>>
    %dma_start3A_37 = tpu.memref_squeeze %dma_start3A_36 : memref<1x128xi32, #tpu.memory_space<vmem>> -> memref<128xi32, #tpu.memory_space<vmem>>
    %dma_start3A_38 = arith.constant 0 : i32
    %dma_start3A_39 = arith.constant 0 : i32
    %dma_start3A_40 = tpu.memref_slice %arg2[%dma_start3A_38, %dma_start3A_39] : memref<10240x128xf32, #tpu.memory_space<hbm>> -> memref<10240x128xf32, #tpu.memory_space<hbm>>
    tpu.enqueue_indirect_dma source(%dma_start3A_40 : memref<10240x128xf32, #tpu.memory_space<hbm>>) target(%arg10 : memref<128x128xf32, #tpu.memory_space<vmem>>) offsets(%dma_start3A_37 : memref<128xi32, #tpu.memory_space<vmem>>) semaphore(%arg13 : memref<!tpu.dma_semaphore, #tpu.memory_space<semaphore_mem>>)
    %scan3A_41 = arith.constant 0 : i32
    %scan3A_42 = arith.constant 0 : i32
    %scan3A_43 = arith.constant 20 : i32
    %scan3A_44 = arith.addi %scan3A_42, %scan3A_43 : i32
    %scan3A_45 = arith.constant 1 : i32
    scf.for %scan3A_48 = %scan3A_42 to %scan3A_44 step %scan3A_45  : i32 {
      %mul3A_49 = arith.constant 2 : i32
      %mul3A_50 = arith.muli %mul3A_49, %scan3A_48 : i32
      %dma_wait3A = arith.constant 0 : i32
      %dma_wait3A_51 = tpu.memref_slice %arg7[%mul3A_50, %dma_wait3A] : memref<40x128xi32, #tpu.memory_space<vmem>> -> memref<1x128xi32, #tpu.memory_space<vmem>>
      %dma_wait3A_52 = tpu.memref_squeeze %dma_wait3A_51 : memref<1x128xi32, #tpu.memory_space<vmem>> -> memref<128xi32, #tpu.memory_space<vmem>>
      %dma_wait3A_53 = arith.constant 0 : i32
      %dma_wait3A_54 = arith.constant 0 : i32
      %dma_wait3A_55 = tpu.memref_slice %arg2[%dma_wait3A_53, %dma_wait3A_54] : memref<10240x128xf32, #tpu.memory_space<hbm>> -> memref<10240x128xf32, #tpu.memory_space<hbm>>
      tpu.wait_indirect_dma semaphore(%arg12 : memref<!tpu.dma_semaphore, #tpu.memory_space<semaphore_mem>>) src(%dma_wait3A_55 : memref<10240x128xf32, #tpu.memory_space<hbm>>) dst(%arg9 : memref<128x128xf32, #tpu.memory_space<vmem>>)
      "tpu.region"() ({
        %run_scoped3A = tpu.sem_alloc : memref<!tpu.dma_semaphore, #tpu.memory_space<semaphore_mem>>
        %dma_start3A_79 = arith.constant 0 : i32
        %dma_start3A_80 = tpu.memref_slice %arg8[%mul3A_50, %dma_start3A_79] : memref<40x128xi32, #tpu.memory_space<vmem>> -> memref<1x128xi32, #tpu.memory_space<vmem>>
        %dma_start3A_81 = tpu.memref_squeeze %dma_start3A_80 : memref<1x128xi32, #tpu.memory_space<vmem>> -> memref<128xi32, #tpu.memory_space<vmem>>
        %dma_start3A_82 = arith.constant 0 : i32
        %dma_start3A_83 = arith.constant 0 : i32
        %dma_start3A_84 = tpu.memref_slice %arg11[%dma_start3A_82, %dma_start3A_83] : memref<10240x128xf32, #tpu.memory_space<vmem_shared>> -> memref<10240x128xf32, #tpu.memory_space<vmem_shared>>
        tpu.enqueue_indirect_dma source(%arg9 : memref<128x128xf32, #tpu.memory_space<vmem>>) target(%dma_start3A_84 : memref<10240x128xf32, #tpu.memory_space<vmem_shared>>) offsets(%dma_start3A_81 : memref<128xi32, #tpu.memory_space<vmem>>) semaphore(%run_scoped3A : memref<!tpu.dma_semaphore, #tpu.memory_space<semaphore_mem>>) {add = true}
        %dma_wait3A_85 = arith.constant 0 : i32
        %dma_wait3A_86 = tpu.memref_slice %arg8[%mul3A_50, %dma_wait3A_85] : memref<40x128xi32, #tpu.memory_space<vmem>> -> memref<1x128xi32, #tpu.memory_space<vmem>>
        %dma_wait3A_87 = tpu.memref_squeeze %dma_wait3A_86 : memref<1x128xi32, #tpu.memory_space<vmem>> -> memref<128xi32, #tpu.memory_space<vmem>>
        %dma_wait3A_88 = arith.constant 0 : i32
        %dma_wait3A_89 = arith.constant 0 : i32
        %dma_wait3A_90 = tpu.memref_slice %arg11[%dma_wait3A_88, %dma_wait3A_89] : memref<10240x128xf32, #tpu.memory_space<vmem_shared>> -> memref<10240x128xf32, #tpu.memory_space<vmem_shared>>
        tpu.wait_indirect_dma semaphore(%run_scoped3A : memref<!tpu.dma_semaphore, #tpu.memory_space<semaphore_mem>>) src(%arg9 : memref<128x128xf32, #tpu.memory_space<vmem>>) dst(%dma_wait3A_90 : memref<10240x128xf32, #tpu.memory_space<vmem_shared>>)
        tpu.yield
      }) : () -> ()
      %add3A_56 = arith.constant 2 : i32
      %add3A_57 = arith.addi %mul3A_50, %add3A_56 : i32
      %lt3A = arith.constant 40 : i32
      %lt3A_58 = arith.cmpi slt, %add3A_57, %lt3A : i32
      %convert_element_type3A_59 = arith.extui %lt3A_58 : i1 to i32
      %cond3A_60 = arith.constant 0 : i32
      %cond3A_61 = arith.cmpi ne, %convert_element_type3A_59, %cond3A_60 : i32
      scf.if %cond3A_61 {
        %add3A_79 = arith.constant 2 : i32
        %add3A_80 = arith.addi %mul3A_50, %add3A_79 : i32
        %dma_start3A_81 = arith.constant 0 : i32
        %dma_start3A_82 = tpu.memref_slice %arg7[%add3A_80, %dma_start3A_81] : memref<40x128xi32, #tpu.memory_space<vmem>> -> memref<1x128xi32, #tpu.memory_space<vmem>>
        %dma_start3A_83 = tpu.memref_squeeze %dma_start3A_82 : memref<1x128xi32, #tpu.memory_space<vmem>> -> memref<128xi32, #tpu.memory_space<vmem>>
        %dma_start3A_84 = arith.constant 0 : i32
        %dma_start3A_85 = arith.constant 0 : i32
        %dma_start3A_86 = tpu.memref_slice %arg2[%dma_start3A_84, %dma_start3A_85] : memref<10240x128xf32, #tpu.memory_space<hbm>> -> memref<10240x128xf32, #tpu.memory_space<hbm>>
        tpu.enqueue_indirect_dma source(%dma_start3A_86 : memref<10240x128xf32, #tpu.memory_space<hbm>>) target(%arg9 : memref<128x128xf32, #tpu.memory_space<vmem>>) offsets(%dma_start3A_83 : memref<128xi32, #tpu.memory_space<vmem>>) semaphore(%arg12 : memref<!tpu.dma_semaphore, #tpu.memory_space<semaphore_mem>>)
      } else {
      }
      %add3A_62 = arith.constant 1 : i32
      %add3A_63 = arith.addi %mul3A_50, %add3A_62 : i32
      %dma_wait3A_64 = arith.constant 0 : i32
      %dma_wait3A_65 = tpu.memref_slice %arg7[%add3A_63, %dma_wait3A_64] : memref<40x128xi32, #tpu.memory_space<vmem>> -> memref<1x128xi32, #tpu.memory_space<vmem>>
      %dma_wait3A_66 = tpu.memref_squeeze %dma_wait3A_65 : memref<1x128xi32, #tpu.memory_space<vmem>> -> memref<128xi32, #tpu.memory_space<vmem>>
      %dma_wait3A_67 = arith.constant 0 : i32
      %dma_wait3A_68 = arith.constant 0 : i32
      %dma_wait3A_69 = tpu.memref_slice %arg2[%dma_wait3A_67, %dma_wait3A_68] : memref<10240x128xf32, #tpu.memory_space<hbm>> -> memref<10240x128xf32, #tpu.memory_space<hbm>>
      tpu.wait_indirect_dma semaphore(%arg13 : memref<!tpu.dma_semaphore, #tpu.memory_space<semaphore_mem>>) src(%dma_wait3A_69 : memref<10240x128xf32, #tpu.memory_space<hbm>>) dst(%arg10 : memref<128x128xf32, #tpu.memory_space<vmem>>)
      %add3A_70 = arith.constant 1 : i32
      %add3A_71 = arith.addi %mul3A_50, %add3A_70 : i32
      "tpu.region"() ({
        %run_scoped3A = tpu.sem_alloc : memref<!tpu.dma_semaphore, #tpu.memory_space<semaphore_mem>>
        %dma_start3A_79 = arith.constant 0 : i32
        %dma_start3A_80 = tpu.memref_slice %arg8[%add3A_71, %dma_start3A_79] : memref<40x128xi32, #tpu.memory_space<vmem>> -> memref<1x128xi32, #tpu.memory_space<vmem>>
        %dma_start3A_81 = tpu.memref_squeeze %dma_start3A_80 : memref<1x128xi32, #tpu.memory_space<vmem>> -> memref<128xi32, #tpu.memory_space<vmem>>
        %dma_start3A_82 = arith.constant 0 : i32
        %dma_start3A_83 = arith.constant 0 : i32
        %dma_start3A_84 = tpu.memref_slice %arg11[%dma_start3A_82, %dma_start3A_83] : memref<10240x128xf32, #tpu.memory_space<vmem_shared>> -> memref<10240x128xf32, #tpu.memory_space<vmem_shared>>
        tpu.enqueue_indirect_dma source(%arg10 : memref<128x128xf32, #tpu.memory_space<vmem>>) target(%dma_start3A_84 : memref<10240x128xf32, #tpu.memory_space<vmem_shared>>) offsets(%dma_start3A_81 : memref<128xi32, #tpu.memory_space<vmem>>) semaphore(%run_scoped3A : memref<!tpu.dma_semaphore, #tpu.memory_space<semaphore_mem>>) {add = true}
        %dma_wait3A_85 = arith.constant 0 : i32
        %dma_wait3A_86 = tpu.memref_slice %arg8[%add3A_71, %dma_wait3A_85] : memref<40x128xi32, #tpu.memory_space<vmem>> -> memref<1x128xi32, #tpu.memory_space<vmem>>
        %dma_wait3A_87 = tpu.memref_squeeze %dma_wait3A_86 : memref<1x128xi32, #tpu.memory_space<vmem>> -> memref<128xi32, #tpu.memory_space<vmem>>
        %dma_wait3A_88 = arith.constant 0 : i32
        %dma_wait3A_89 = arith.constant 0 : i32
        %dma_wait3A_90 = tpu.memref_slice %arg11[%dma_wait3A_88, %dma_wait3A_89] : memref<10240x128xf32, #tpu.memory_space<vmem_shared>> -> memref<10240x128xf32, #tpu.memory_space<vmem_shared>>
        tpu.wait_indirect_dma semaphore(%run_scoped3A : memref<!tpu.dma_semaphore, #tpu.memory_space<semaphore_mem>>) src(%arg10 : memref<128x128xf32, #tpu.memory_space<vmem>>) dst(%dma_wait3A_90 : memref<10240x128xf32, #tpu.memory_space<vmem_shared>>)
        tpu.yield
      }) : () -> ()
      %add3A_72 = arith.constant 3 : i32
      %add3A_73 = arith.addi %mul3A_50, %add3A_72 : i32
      %lt3A_74 = arith.constant 40 : i32
      %lt3A_75 = arith.cmpi slt, %add3A_73, %lt3A_74 : i32
      %convert_element_type3A_76 = arith.extui %lt3A_75 : i1 to i32
      %cond3A_77 = arith.constant 0 : i32
      %cond3A_78 = arith.cmpi ne, %convert_element_type3A_76, %cond3A_77 : i32
      scf.if %cond3A_78 {
        %add3A_79 = arith.constant 3 : i32
        %add3A_80 = arith.addi %mul3A_50, %add3A_79 : i32
        %dma_start3A_81 = arith.constant 0 : i32
        %dma_start3A_82 = tpu.memref_slice %arg7[%add3A_80, %dma_start3A_81] : memref<40x128xi32, #tpu.memory_space<vmem>> -> memref<1x128xi32, #tpu.memory_space<vmem>>
        %dma_start3A_83 = tpu.memref_squeeze %dma_start3A_82 : memref<1x128xi32, #tpu.memory_space<vmem>> -> memref<128xi32, #tpu.memory_space<vmem>>
        %dma_start3A_84 = arith.constant 0 : i32
        %dma_start3A_85 = arith.constant 0 : i32
        %dma_start3A_86 = tpu.memref_slice %arg2[%dma_start3A_84, %dma_start3A_85] : memref<10240x128xf32, #tpu.memory_space<hbm>> -> memref<10240x128xf32, #tpu.memory_space<hbm>>
        tpu.enqueue_indirect_dma source(%dma_start3A_86 : memref<10240x128xf32, #tpu.memory_space<hbm>>) target(%arg10 : memref<128x128xf32, #tpu.memory_space<vmem>>) offsets(%dma_start3A_83 : memref<128xi32, #tpu.memory_space<vmem>>) semaphore(%arg13 : memref<!tpu.dma_semaphore, #tpu.memory_space<semaphore_mem>>)
      } else {
      }
    }
    %scan3A_46 = arith.constant 20 : i32
    %barrier3A_47 = arith.constant 0 : index
    tpu.barrier barrier_id(%barrier3A_47)
    "tpu.region"() ({
      %run_scoped3A = tpu.sem_alloc : memref<!tpu.dma_semaphore, #tpu.memory_space<semaphore_mem>>
      %dma_start3A_48 = arith.constant 0 : i32
      %dma_start3A_49 = tpu.memref_slice %arg6[%arg0, %mul3A_2, %dma_start3A_48] : memref<2x10240x128xf32, #tpu.memory_space<hbm>> -> memref<1x640x128xf32, #tpu.memory_space<hbm>>
      %dma_start3A_50 = tpu.memref_squeeze %dma_start3A_49 : memref<1x640x128xf32, #tpu.memory_space<hbm>> -> memref<640x128xf32, #tpu.memory_space<hbm>>
      %dma_start3A_51 = arith.constant 0 : i32
      %dma_start3A_52 = tpu.memref_slice %arg11[%mul3A_2, %dma_start3A_51] : memref<10240x128xf32, #tpu.memory_space<vmem_shared>> -> memref<640x128xf32, #tpu.memory_space<vmem_shared>>
      tpu.enqueue_dma source(%dma_start3A_52 : memref<640x128xf32, #tpu.memory_space<vmem_shared>>) target(%dma_start3A_50 : memref<640x128xf32, #tpu.memory_space<hbm>>) target_semaphore(%run_scoped3A : memref<!tpu.dma_semaphore, #tpu.memory_space<semaphore_mem>>)
      %dma_wait3A = arith.constant 0 : i32
      %dma_wait3A_53 = tpu.memref_slice %arg6[%arg0, %mul3A_2, %dma_wait3A] : memref<2x10240x128xf32, #tpu.memory_space<hbm>> -> memref<1x640x128xf32, #tpu.memory_space<hbm>>
      %dma_wait3A_54 = tpu.memref_squeeze %dma_wait3A_53 : memref<1x640x128xf32, #tpu.memory_space<hbm>> -> memref<640x128xf32, #tpu.memory_space<hbm>>
      %dma_wait3A_55 = arith.constant 0 : i32
      %dma_wait3A_56 = tpu.memref_slice %arg11[%mul3A_2, %dma_wait3A_55] : memref<10240x128xf32, #tpu.memory_space<vmem_shared>> -> memref<640x128xf32, #tpu.memory_space<vmem_shared>>
      tpu.wait_dma2 semaphore(%run_scoped3A : memref<!tpu.dma_semaphore, #tpu.memory_space<semaphore_mem>>) src(%dma_wait3A_56 : memref<640x128xf32, #tpu.memory_space<vmem_shared>>) dst(%dma_wait3A_54 : memref<640x128xf32, #tpu.memory_space<hbm>>)
      tpu.yield
    }) : () -> ()
    return
  }
}

#map = affine_map<(d0, d1) -> (0, 0)>
#map1 = affine_map<(d0, d1) -> (0, 0, 0)>
module attributes {stable_mosaic.version = 14 : i64} {
  func.func @k(%arg0: i32, %arg1: i32, %arg2: memref<10240x64xf32, #tpu.memory_space<hbm>>, %arg3: memref<32x80x128xi32, #tpu.memory_space<hbm>>, %arg4: memref<32x80x128xi32, #tpu.memory_space<hbm>>, %arg5: memref<128x64xf32, #tpu.memory_space<hbm>>, %arg6: memref<2x10240x64xf32, #tpu.memory_space<hbm>>, %arg7: memref<40x128xi32, #tpu.memory_space<vmem>>, %arg8: memref<40x128xi32, #tpu.memory_space<vmem>>, %arg9: memref<128x64xf32, #tpu.memory_space<vmem>>, %arg10: memref<128x64xf32, #tpu.memory_space<vmem>>, %arg11: memref<10240x64xf32, #tpu.memory_space<vmem_shared>>, %arg12: memref<!tpu.dma_semaphore, #tpu.memory_space<semaphore_mem>>, %arg13: memref<!tpu.dma_semaphore, #tpu.memory_space<semaphore_mem>>) attributes {dimension_semantics = [#tpu.dimension_semantics<core_parallel>, #tpu.dimension_semantics<subcore_parallel>], iteration_bounds = array<i64: 2, 16>, scalar_prefetch = 0 : i64, scratch_operands = 7 : i64, tpu.core_type = #tpu.core_type<sc_vector_subcore>, window_params = [{transform_indices = #map}, {transform_indices = #map1}, {transform_indices = #map1}, {transform_indices = #map}, {transform_indices = #map1}]} {
    %mul3A = arith.constant 2 : i32
    %mul3A_0 = arith.muli %arg1, %mul3A : i32
    %add3A = arith.addi %mul3A_0, %arg0 : i32
    %mul3A_1 = arith.constant 640 : i32
    %mul3A_2 = arith.muli %arg1, %mul3A_1 : i32
    %eq3A = arith.constant 0 : i32
    %eq3A_3 = arith.cmpi eq, %arg0, %eq3A : i32
    %convert_element_type3A = arith.extui %eq3A_3 : i1 to i32
    %cond3A = arith.constant 0 : i32
    %cond3A_4 = arith.cmpi ne, %convert_element_type3A, %cond3A : i32
    scf.if %cond3A_4 {
      "tpu.region"() ({
        %run_scoped3A = tpu.sem_alloc : memref<!tpu.dma_semaphore, #tpu.memory_space<semaphore_mem>>
        %dma_start3A_48 = arith.constant 0 : i32
        %dma_start3A_49 = tpu.memref_slice %arg11[%mul3A_2, %dma_start3A_48] : memref<10240x64xf32, #tpu.memory_space<vmem_shared>> -> memref<640x64xf32, #tpu.memory_space<vmem_shared>>
        %dma_start3A_50 = arith.constant 0 : i32
        %dma_start3A_51 = tpu.memref_slice %arg2[%mul3A_2, %dma_start3A_50] : memref<10240x64xf32, #tpu.memory_space<hbm>> -> memref<640x64xf32, #tpu.memory_space<hbm>>
        tpu.enqueue_dma source(%dma_start3A_51 : memref<640x64xf32, #tpu.memory_space<hbm>>) target(%dma_start3A_49 : memref<640x64xf32, #tpu.memory_space<vmem_shared>>) target_semaphore(%run_scoped3A : memref<!tpu.dma_semaphore, #tpu.memory_space<semaphore_mem>>)
        %dma_wait3A = arith.constant 0 : i32
        %dma_wait3A_52 = tpu.memref_slice %arg11[%mul3A_2, %dma_wait3A] : memref<10240x64xf32, #tpu.memory_space<vmem_shared>> -> memref<640x64xf32, #tpu.memory_space<vmem_shared>>
        %dma_wait3A_53 = arith.constant 0 : i32
        %dma_wait3A_54 = tpu.memref_slice %arg2[%mul3A_2, %dma_wait3A_53] : memref<10240x64xf32, #tpu.memory_space<hbm>> -> memref<640x64xf32, #tpu.memory_space<hbm>>
        tpu.wait_dma2 semaphore(%run_scoped3A : memref<!tpu.dma_semaphore, #tpu.memory_space<semaphore_mem>>) src(%dma_wait3A_54 : memref<640x64xf32, #tpu.memory_space<hbm>>) dst(%dma_wait3A_52 : memref<640x64xf32, #tpu.memory_space<vmem_shared>>)
        tpu.yield
      }) : () -> ()
    } else {
    }
    %ne3A = arith.constant 0 : i32
    %ne3A_5 = arith.cmpi ne, %arg0, %ne3A : i32
    %convert_element_type3A_6 = arith.extui %ne3A_5 : i1 to i32
    %cond3A_7 = arith.constant 0 : i32
    %cond3A_8 = arith.cmpi ne, %convert_element_type3A_6, %cond3A_7 : i32
    scf.if %cond3A_8 {
      "tpu.region"() ({
        %run_scoped3A = tpu.sem_alloc : memref<!tpu.dma_semaphore, #tpu.memory_space<semaphore_mem>>
        tpu.enqueue_dma source(%arg5 : memref<128x64xf32, #tpu.memory_space<hbm>>) target(%arg9 : memref<128x64xf32, #tpu.memory_space<vmem>>) target_semaphore(%run_scoped3A : memref<!tpu.dma_semaphore, #tpu.memory_space<semaphore_mem>>)
        tpu.wait_dma2 semaphore(%run_scoped3A : memref<!tpu.dma_semaphore, #tpu.memory_space<semaphore_mem>>) src(%arg5 : memref<128x64xf32, #tpu.memory_space<hbm>>) dst(%arg9 : memref<128x64xf32, #tpu.memory_space<vmem>>)
        tpu.yield
      }) : () -> ()
      %add3A_48 = arith.constant 0 : i32
      %add3A_49 = arith.addi %mul3A_2, %add3A_48 : i32
      "tpu.region"() ({
        %run_scoped3A = tpu.sem_alloc : memref<!tpu.dma_semaphore, #tpu.memory_space<semaphore_mem>>
        %dma_start3A_58 = arith.constant 0 : i32
        %dma_start3A_59 = tpu.memref_slice %arg11[%add3A_49, %dma_start3A_58] : memref<10240x64xf32, #tpu.memory_space<vmem_shared>> -> memref<128x64xf32, #tpu.memory_space<vmem_shared>>
        %dma_start3A_60 = arith.constant 0 : i32
        %dma_start3A_61 = tpu.memref_slice %arg11[%add3A_49, %dma_start3A_60] : memref<10240x64xf32, #tpu.memory_space<vmem_shared>> -> memref<128x64xf32, #tpu.memory_space<vmem_shared>>
        tpu.enqueue_dma source(%arg9 : memref<128x64xf32, #tpu.memory_space<vmem>>) target(%dma_start3A_61 : memref<128x64xf32, #tpu.memory_space<vmem_shared>>) target_semaphore(%run_scoped3A : memref<!tpu.dma_semaphore, #tpu.memory_space<semaphore_mem>>)
        %dma_wait3A = arith.constant 0 : i32
        %dma_wait3A_62 = tpu.memref_slice %arg11[%add3A_49, %dma_wait3A] : memref<10240x64xf32, #tpu.memory_space<vmem_shared>> -> memref<128x64xf32, #tpu.memory_space<vmem_shared>>
        %dma_wait3A_63 = arith.constant 0 : i32
        %dma_wait3A_64 = tpu.memref_slice %arg11[%add3A_49, %dma_wait3A_63] : memref<10240x64xf32, #tpu.memory_space<vmem_shared>> -> memref<128x64xf32, #tpu.memory_space<vmem_shared>>
        tpu.wait_dma2 semaphore(%run_scoped3A : memref<!tpu.dma_semaphore, #tpu.memory_space<semaphore_mem>>) src(%arg9 : memref<128x64xf32, #tpu.memory_space<vmem>>) dst(%dma_wait3A_64 : memref<128x64xf32, #tpu.memory_space<vmem_shared>>)
        tpu.yield
      }) : () -> ()
      %add3A_50 = arith.constant 128 : i32
      %add3A_51 = arith.addi %mul3A_2, %add3A_50 : i32
      "tpu.region"() ({
        %run_scoped3A = tpu.sem_alloc : memref<!tpu.dma_semaphore, #tpu.memory_space<semaphore_mem>>
        %dma_start3A_58 = arith.constant 0 : i32
        %dma_start3A_59 = tpu.memref_slice %arg11[%add3A_51, %dma_start3A_58] : memref<10240x64xf32, #tpu.memory_space<vmem_shared>> -> memref<128x64xf32, #tpu.memory_space<vmem_shared>>
        %dma_start3A_60 = arith.constant 0 : i32
        %dma_start3A_61 = tpu.memref_slice %arg11[%add3A_51, %dma_start3A_60] : memref<10240x64xf32, #tpu.memory_space<vmem_shared>> -> memref<128x64xf32, #tpu.memory_space<vmem_shared>>
        tpu.enqueue_dma source(%arg9 : memref<128x64xf32, #tpu.memory_space<vmem>>) target(%dma_start3A_61 : memref<128x64xf32, #tpu.memory_space<vmem_shared>>) target_semaphore(%run_scoped3A : memref<!tpu.dma_semaphore, #tpu.memory_space<semaphore_mem>>)
        %dma_wait3A = arith.constant 0 : i32
        %dma_wait3A_62 = tpu.memref_slice %arg11[%add3A_51, %dma_wait3A] : memref<10240x64xf32, #tpu.memory_space<vmem_shared>> -> memref<128x64xf32, #tpu.memory_space<vmem_shared>>
        %dma_wait3A_63 = arith.constant 0 : i32
        %dma_wait3A_64 = tpu.memref_slice %arg11[%add3A_51, %dma_wait3A_63] : memref<10240x64xf32, #tpu.memory_space<vmem_shared>> -> memref<128x64xf32, #tpu.memory_space<vmem_shared>>
        tpu.wait_dma2 semaphore(%run_scoped3A : memref<!tpu.dma_semaphore, #tpu.memory_space<semaphore_mem>>) src(%arg9 : memref<128x64xf32, #tpu.memory_space<vmem>>) dst(%dma_wait3A_64 : memref<128x64xf32, #tpu.memory_space<vmem_shared>>)
        tpu.yield
      }) : () -> ()
      %add3A_52 = arith.constant 256 : i32
      %add3A_53 = arith.addi %mul3A_2, %add3A_52 : i32
      "tpu.region"() ({
        %run_scoped3A = tpu.sem_alloc : memref<!tpu.dma_semaphore, #tpu.memory_space<semaphore_mem>>
        %dma_start3A_58 = arith.constant 0 : i32
        %dma_start3A_59 = tpu.memref_slice %arg11[%add3A_53, %dma_start3A_58] : memref<10240x64xf32, #tpu.memory_space<vmem_shared>> -> memref<128x64xf32, #tpu.memory_space<vmem_shared>>
        %dma_start3A_60 = arith.constant 0 : i32
        %dma_start3A_61 = tpu.memref_slice %arg11[%add3A_53, %dma_start3A_60] : memref<10240x64xf32, #tpu.memory_space<vmem_shared>> -> memref<128x64xf32, #tpu.memory_space<vmem_shared>>
        tpu.enqueue_dma source(%arg9 : memref<128x64xf32, #tpu.memory_space<vmem>>) target(%dma_start3A_61 : memref<128x64xf32, #tpu.memory_space<vmem_shared>>) target_semaphore(%run_scoped3A : memref<!tpu.dma_semaphore, #tpu.memory_space<semaphore_mem>>)
        %dma_wait3A = arith.constant 0 : i32
        %dma_wait3A_62 = tpu.memref_slice %arg11[%add3A_53, %dma_wait3A] : memref<10240x64xf32, #tpu.memory_space<vmem_shared>> -> memref<128x64xf32, #tpu.memory_space<vmem_shared>>
        %dma_wait3A_63 = arith.constant 0 : i32
        %dma_wait3A_64 = tpu.memref_slice %arg11[%add3A_53, %dma_wait3A_63] : memref<10240x64xf32, #tpu.memory_space<vmem_shared>> -> memref<128x64xf32, #tpu.memory_space<vmem_shared>>
        tpu.wait_dma2 semaphore(%run_scoped3A : memref<!tpu.dma_semaphore, #tpu.memory_space<semaphore_mem>>) src(%arg9 : memref<128x64xf32, #tpu.memory_space<vmem>>) dst(%dma_wait3A_64 : memref<128x64xf32, #tpu.memory_space<vmem_shared>>)
        tpu.yield
      }) : () -> ()
      %add3A_54 = arith.constant 384 : i32
      %add3A_55 = arith.addi %mul3A_2, %add3A_54 : i32
      "tpu.region"() ({
        %run_scoped3A = tpu.sem_alloc : memref<!tpu.dma_semaphore, #tpu.memory_space<semaphore_mem>>
        %dma_start3A_58 = arith.constant 0 : i32
        %dma_start3A_59 = tpu.memref_slice %arg11[%add3A_55, %dma_start3A_58] : memref<10240x64xf32, #tpu.memory_space<vmem_shared>> -> memref<128x64xf32, #tpu.memory_space<vmem_shared>>
        %dma_start3A_60 = arith.constant 0 : i32
        %dma_start3A_61 = tpu.memref_slice %arg11[%add3A_55, %dma_start3A_60] : memref<10240x64xf32, #tpu.memory_space<vmem_shared>> -> memref<128x64xf32, #tpu.memory_space<vmem_shared>>
        tpu.enqueue_dma source(%arg9 : memref<128x64xf32, #tpu.memory_space<vmem>>) target(%dma_start3A_61 : memref<128x64xf32, #tpu.memory_space<vmem_shared>>) target_semaphore(%run_scoped3A : memref<!tpu.dma_semaphore, #tpu.memory_space<semaphore_mem>>)
        %dma_wait3A = arith.constant 0 : i32
        %dma_wait3A_62 = tpu.memref_slice %arg11[%add3A_55, %dma_wait3A] : memref<10240x64xf32, #tpu.memory_space<vmem_shared>> -> memref<128x64xf32, #tpu.memory_space<vmem_shared>>
        %dma_wait3A_63 = arith.constant 0 : i32
        %dma_wait3A_64 = tpu.memref_slice %arg11[%add3A_55, %dma_wait3A_63] : memref<10240x64xf32, #tpu.memory_space<vmem_shared>> -> memref<128x64xf32, #tpu.memory_space<vmem_shared>>
        tpu.wait_dma2 semaphore(%run_scoped3A : memref<!tpu.dma_semaphore, #tpu.memory_space<semaphore_mem>>) src(%arg9 : memref<128x64xf32, #tpu.memory_space<vmem>>) dst(%dma_wait3A_64 : memref<128x64xf32, #tpu.memory_space<vmem_shared>>)
        tpu.yield
      }) : () -> ()
      %add3A_56 = arith.constant 512 : i32
      %add3A_57 = arith.addi %mul3A_2, %add3A_56 : i32
      "tpu.region"() ({
        %run_scoped3A = tpu.sem_alloc : memref<!tpu.dma_semaphore, #tpu.memory_space<semaphore_mem>>
        %dma_start3A_58 = arith.constant 0 : i32
        %dma_start3A_59 = tpu.memref_slice %arg11[%add3A_57, %dma_start3A_58] : memref<10240x64xf32, #tpu.memory_space<vmem_shared>> -> memref<128x64xf32, #tpu.memory_space<vmem_shared>>
        %dma_start3A_60 = arith.constant 0 : i32
        %dma_start3A_61 = tpu.memref_slice %arg11[%add3A_57, %dma_start3A_60] : memref<10240x64xf32, #tpu.memory_space<vmem_shared>> -> memref<128x64xf32, #tpu.memory_space<vmem_shared>>
        tpu.enqueue_dma source(%arg9 : memref<128x64xf32, #tpu.memory_space<vmem>>) target(%dma_start3A_61 : memref<128x64xf32, #tpu.memory_space<vmem_shared>>) target_semaphore(%run_scoped3A : memref<!tpu.dma_semaphore, #tpu.memory_space<semaphore_mem>>)
        %dma_wait3A = arith.constant 0 : i32
        %dma_wait3A_62 = tpu.memref_slice %arg11[%add3A_57, %dma_wait3A] : memref<10240x64xf32, #tpu.memory_space<vmem_shared>> -> memref<128x64xf32, #tpu.memory_space<vmem_shared>>
        %dma_wait3A_63 = arith.constant 0 : i32
        %dma_wait3A_64 = tpu.memref_slice %arg11[%add3A_57, %dma_wait3A_63] : memref<10240x64xf32, #tpu.memory_space<vmem_shared>> -> memref<128x64xf32, #tpu.memory_space<vmem_shared>>
        tpu.wait_dma2 semaphore(%run_scoped3A : memref<!tpu.dma_semaphore, #tpu.memory_space<semaphore_mem>>) src(%arg9 : memref<128x64xf32, #tpu.memory_space<vmem>>) dst(%dma_wait3A_64 : memref<128x64xf32, #tpu.memory_space<vmem_shared>>)
        tpu.yield
      }) : () -> ()
    } else {
    }
    %barrier3A = arith.constant 0 : index
    tpu.barrier barrier_id(%barrier3A)
    "tpu.region"() ({
      %run_scoped3A = tpu.sem_alloc : memref<!tpu.dma_semaphore, #tpu.memory_space<semaphore_mem>>
      %dma_start3A_48 = arith.constant 0 : i32
      %dma_start3A_49 = arith.constant 0 : i32
      %dma_start3A_50 = tpu.memref_slice %arg3[%add3A, %dma_start3A_48, %dma_start3A_49] : memref<32x80x128xi32, #tpu.memory_space<hbm>> -> memref<1x40x128xi32, #tpu.memory_space<hbm>>
      %dma_start3A_51 = tpu.memref_squeeze %dma_start3A_50 : memref<1x40x128xi32, #tpu.memory_space<hbm>> -> memref<40x128xi32, #tpu.memory_space<hbm>>
      %dma_start3A_52 = arith.constant 0 : i32
      %dma_start3A_53 = arith.constant 0 : i32
      %dma_start3A_54 = tpu.memref_slice %arg3[%add3A, %dma_start3A_52, %dma_start3A_53] : memref<32x80x128xi32, #tpu.memory_space<hbm>> -> memref<1x40x128xi32, #tpu.memory_space<hbm>>
      %dma_start3A_55 = tpu.memref_squeeze %dma_start3A_54 : memref<1x40x128xi32, #tpu.memory_space<hbm>> -> memref<40x128xi32, #tpu.memory_space<hbm>>
      tpu.enqueue_dma source(%dma_start3A_55 : memref<40x128xi32, #tpu.memory_space<hbm>>) target(%arg7 : memref<40x128xi32, #tpu.memory_space<vmem>>) target_semaphore(%run_scoped3A : memref<!tpu.dma_semaphore, #tpu.memory_space<semaphore_mem>>)
      %dma_wait3A = arith.constant 0 : i32
      %dma_wait3A_56 = arith.constant 0 : i32
      %dma_wait3A_57 = tpu.memref_slice %arg3[%add3A, %dma_wait3A, %dma_wait3A_56] : memref<32x80x128xi32, #tpu.memory_space<hbm>> -> memref<1x40x128xi32, #tpu.memory_space<hbm>>
      %dma_wait3A_58 = tpu.memref_squeeze %dma_wait3A_57 : memref<1x40x128xi32, #tpu.memory_space<hbm>> -> memref<40x128xi32, #tpu.memory_space<hbm>>
      %dma_wait3A_59 = arith.constant 0 : i32
      %dma_wait3A_60 = arith.constant 0 : i32
      %dma_wait3A_61 = tpu.memref_slice %arg3[%add3A, %dma_wait3A_59, %dma_wait3A_60] : memref<32x80x128xi32, #tpu.memory_space<hbm>> -> memref<1x40x128xi32, #tpu.memory_space<hbm>>
      %dma_wait3A_62 = tpu.memref_squeeze %dma_wait3A_61 : memref<1x40x128xi32, #tpu.memory_space<hbm>> -> memref<40x128xi32, #tpu.memory_space<hbm>>
      tpu.wait_dma2 semaphore(%run_scoped3A : memref<!tpu.dma_semaphore, #tpu.memory_space<semaphore_mem>>) src(%dma_wait3A_62 : memref<40x128xi32, #tpu.memory_space<hbm>>) dst(%arg7 : memref<40x128xi32, #tpu.memory_space<vmem>>)
      tpu.yield
    }) : () -> ()
    "tpu.region"() ({
      %run_scoped3A = tpu.sem_alloc : memref<!tpu.dma_semaphore, #tpu.memory_space<semaphore_mem>>
      %dma_start3A_48 = arith.constant 0 : i32
      %dma_start3A_49 = arith.constant 0 : i32
      %dma_start3A_50 = tpu.memref_slice %arg4[%add3A, %dma_start3A_48, %dma_start3A_49] : memref<32x80x128xi32, #tpu.memory_space<hbm>> -> memref<1x40x128xi32, #tpu.memory_space<hbm>>
      %dma_start3A_51 = tpu.memref_squeeze %dma_start3A_50 : memref<1x40x128xi32, #tpu.memory_space<hbm>> -> memref<40x128xi32, #tpu.memory_space<hbm>>
      %dma_start3A_52 = arith.constant 0 : i32
      %dma_start3A_53 = arith.constant 0 : i32
      %dma_start3A_54 = tpu.memref_slice %arg4[%add3A, %dma_start3A_52, %dma_start3A_53] : memref<32x80x128xi32, #tpu.memory_space<hbm>> -> memref<1x40x128xi32, #tpu.memory_space<hbm>>
      %dma_start3A_55 = tpu.memref_squeeze %dma_start3A_54 : memref<1x40x128xi32, #tpu.memory_space<hbm>> -> memref<40x128xi32, #tpu.memory_space<hbm>>
      tpu.enqueue_dma source(%dma_start3A_55 : memref<40x128xi32, #tpu.memory_space<hbm>>) target(%arg8 : memref<40x128xi32, #tpu.memory_space<vmem>>) target_semaphore(%run_scoped3A : memref<!tpu.dma_semaphore, #tpu.memory_space<semaphore_mem>>)
      %dma_wait3A = arith.constant 0 : i32
      %dma_wait3A_56 = arith.constant 0 : i32
      %dma_wait3A_57 = tpu.memref_slice %arg4[%add3A, %dma_wait3A, %dma_wait3A_56] : memref<32x80x128xi32, #tpu.memory_space<hbm>> -> memref<1x40x128xi32, #tpu.memory_space<hbm>>
      %dma_wait3A_58 = tpu.memref_squeeze %dma_wait3A_57 : memref<1x40x128xi32, #tpu.memory_space<hbm>> -> memref<40x128xi32, #tpu.memory_space<hbm>>
      %dma_wait3A_59 = arith.constant 0 : i32
      %dma_wait3A_60 = arith.constant 0 : i32
      %dma_wait3A_61 = tpu.memref_slice %arg4[%add3A, %dma_wait3A_59, %dma_wait3A_60] : memref<32x80x128xi32, #tpu.memory_space<hbm>> -> memref<1x40x128xi32, #tpu.memory_space<hbm>>
      %dma_wait3A_62 = tpu.memref_squeeze %dma_wait3A_61 : memref<1x40x128xi32, #tpu.memory_space<hbm>> -> memref<40x128xi32, #tpu.memory_space<hbm>>
      tpu.wait_dma2 semaphore(%run_scoped3A : memref<!tpu.dma_semaphore, #tpu.memory_space<semaphore_mem>>) src(%dma_wait3A_62 : memref<40x128xi32, #tpu.memory_space<hbm>>) dst(%arg8 : memref<40x128xi32, #tpu.memory_space<vmem>>)
      tpu.yield
    }) : () -> ()
    %dma_start3A = arith.constant 0 : i32
    %dma_start3A_9 = arith.constant 0 : i32
    %dma_start3A_10 = tpu.memref_slice %arg7[%dma_start3A, %dma_start3A_9] : memref<40x128xi32, #tpu.memory_space<vmem>> -> memref<1x128xi32, #tpu.memory_space<vmem>>
    %dma_start3A_11 = tpu.memref_squeeze %dma_start3A_10 : memref<1x128xi32, #tpu.memory_space<vmem>> -> memref<128xi32, #tpu.memory_space<vmem>>
    %dma_start3A_12 = arith.constant 0 : i32
    %dma_start3A_13 = arith.constant 0 : i32
    %dma_start3A_14 = tpu.memref_slice %arg2[%dma_start3A_12, %dma_start3A_13] : memref<10240x64xf32, #tpu.memory_space<hbm>> -> memref<10240x64xf32, #tpu.memory_space<hbm>>
    tpu.enqueue_indirect_dma source(%dma_start3A_14 : memref<10240x64xf32, #tpu.memory_space<hbm>>) target(%arg9 : memref<128x64xf32, #tpu.memory_space<vmem>>) offsets(%dma_start3A_11 : memref<128xi32, #tpu.memory_space<vmem>>) semaphore(%arg12 : memref<!tpu.dma_semaphore, #tpu.memory_space<semaphore_mem>>)
    %dma_start3A_15 = arith.constant 1 : i32
    %dma_start3A_16 = arith.constant 0 : i32
    %dma_start3A_17 = tpu.memref_slice %arg7[%dma_start3A_15, %dma_start3A_16] : memref<40x128xi32, #tpu.memory_space<vmem>> -> memref<1x128xi32, #tpu.memory_space<vmem>>
    %dma_start3A_18 = tpu.memref_squeeze %dma_start3A_17 : memref<1x128xi32, #tpu.memory_space<vmem>> -> memref<128xi32, #tpu.memory_space<vmem>>
    %dma_start3A_19 = arith.constant 0 : i32
    %dma_start3A_20 = arith.constant 0 : i32
    %dma_start3A_21 = tpu.memref_slice %arg2[%dma_start3A_19, %dma_start3A_20] : memref<10240x64xf32, #tpu.memory_space<hbm>> -> memref<10240x64xf32, #tpu.memory_space<hbm>>
    tpu.enqueue_indirect_dma source(%dma_start3A_21 : memref<10240x64xf32, #tpu.memory_space<hbm>>) target(%arg10 : memref<128x64xf32, #tpu.memory_space<vmem>>) offsets(%dma_start3A_18 : memref<128xi32, #tpu.memory_space<vmem>>) semaphore(%arg13 : memref<!tpu.dma_semaphore, #tpu.memory_space<semaphore_mem>>)
    %scan3A = arith.constant 0 : i32
    %scan3A_22 = arith.constant 0 : i32
    %scan3A_23 = arith.constant 20 : i32
    %scan3A_24 = arith.addi %scan3A_22, %scan3A_23 : i32
    %scan3A_25 = arith.constant 1 : i32
    scf.for %scan3A_48 = %scan3A_22 to %scan3A_24 step %scan3A_25  : i32 {
      %mul3A_49 = arith.constant 2 : i32
      %mul3A_50 = arith.muli %mul3A_49, %scan3A_48 : i32
      %dma_wait3A = arith.constant 0 : i32
      %dma_wait3A_51 = tpu.memref_slice %arg7[%mul3A_50, %dma_wait3A] : memref<40x128xi32, #tpu.memory_space<vmem>> -> memref<1x128xi32, #tpu.memory_space<vmem>>
      %dma_wait3A_52 = tpu.memref_squeeze %dma_wait3A_51 : memref<1x128xi32, #tpu.memory_space<vmem>> -> memref<128xi32, #tpu.memory_space<vmem>>
      %dma_wait3A_53 = arith.constant 0 : i32
      %dma_wait3A_54 = arith.constant 0 : i32
      %dma_wait3A_55 = tpu.memref_slice %arg2[%dma_wait3A_53, %dma_wait3A_54] : memref<10240x64xf32, #tpu.memory_space<hbm>> -> memref<10240x64xf32, #tpu.memory_space<hbm>>
      tpu.wait_indirect_dma semaphore(%arg12 : memref<!tpu.dma_semaphore, #tpu.memory_space<semaphore_mem>>) src(%dma_wait3A_55 : memref<10240x64xf32, #tpu.memory_space<hbm>>) dst(%arg9 : memref<128x64xf32, #tpu.memory_space<vmem>>)
      "tpu.region"() ({
        %run_scoped3A = tpu.sem_alloc : memref<!tpu.dma_semaphore, #tpu.memory_space<semaphore_mem>>
        %dma_start3A_79 = arith.constant 0 : i32
        %dma_start3A_80 = tpu.memref_slice %arg8[%mul3A_50, %dma_start3A_79] : memref<40x128xi32, #tpu.memory_space<vmem>> -> memref<1x128xi32, #tpu.memory_space<vmem>>
        %dma_start3A_81 = tpu.memref_squeeze %dma_start3A_80 : memref<1x128xi32, #tpu.memory_space<vmem>> -> memref<128xi32, #tpu.memory_space<vmem>>
        %dma_start3A_82 = arith.constant 0 : i32
        %dma_start3A_83 = arith.constant 0 : i32
        %dma_start3A_84 = tpu.memref_slice %arg11[%dma_start3A_82, %dma_start3A_83] : memref<10240x64xf32, #tpu.memory_space<vmem_shared>> -> memref<10240x64xf32, #tpu.memory_space<vmem_shared>>
        tpu.enqueue_indirect_dma source(%arg9 : memref<128x64xf32, #tpu.memory_space<vmem>>) target(%dma_start3A_84 : memref<10240x64xf32, #tpu.memory_space<vmem_shared>>) offsets(%dma_start3A_81 : memref<128xi32, #tpu.memory_space<vmem>>) semaphore(%run_scoped3A : memref<!tpu.dma_semaphore, #tpu.memory_space<semaphore_mem>>) {add = true}
        %dma_wait3A_85 = arith.constant 0 : i32
        %dma_wait3A_86 = tpu.memref_slice %arg8[%mul3A_50, %dma_wait3A_85] : memref<40x128xi32, #tpu.memory_space<vmem>> -> memref<1x128xi32, #tpu.memory_space<vmem>>
        %dma_wait3A_87 = tpu.memref_squeeze %dma_wait3A_86 : memref<1x128xi32, #tpu.memory_space<vmem>> -> memref<128xi32, #tpu.memory_space<vmem>>
        %dma_wait3A_88 = arith.constant 0 : i32
        %dma_wait3A_89 = arith.constant 0 : i32
        %dma_wait3A_90 = tpu.memref_slice %arg11[%dma_wait3A_88, %dma_wait3A_89] : memref<10240x64xf32, #tpu.memory_space<vmem_shared>> -> memref<10240x64xf32, #tpu.memory_space<vmem_shared>>
        tpu.wait_indirect_dma semaphore(%run_scoped3A : memref<!tpu.dma_semaphore, #tpu.memory_space<semaphore_mem>>) src(%arg9 : memref<128x64xf32, #tpu.memory_space<vmem>>) dst(%dma_wait3A_90 : memref<10240x64xf32, #tpu.memory_space<vmem_shared>>)
        tpu.yield
      }) : () -> ()
      %add3A_56 = arith.constant 2 : i32
      %add3A_57 = arith.addi %mul3A_50, %add3A_56 : i32
      %lt3A = arith.constant 40 : i32
      %lt3A_58 = arith.cmpi slt, %add3A_57, %lt3A : i32
      %convert_element_type3A_59 = arith.extui %lt3A_58 : i1 to i32
      %cond3A_60 = arith.constant 0 : i32
      %cond3A_61 = arith.cmpi ne, %convert_element_type3A_59, %cond3A_60 : i32
      scf.if %cond3A_61 {
        %add3A_79 = arith.constant 2 : i32
        %add3A_80 = arith.addi %mul3A_50, %add3A_79 : i32
        %dma_start3A_81 = arith.constant 0 : i32
        %dma_start3A_82 = tpu.memref_slice %arg7[%add3A_80, %dma_start3A_81] : memref<40x128xi32, #tpu.memory_space<vmem>> -> memref<1x128xi32, #tpu.memory_space<vmem>>
        %dma_start3A_83 = tpu.memref_squeeze %dma_start3A_82 : memref<1x128xi32, #tpu.memory_space<vmem>> -> memref<128xi32, #tpu.memory_space<vmem>>
        %dma_start3A_84 = arith.constant 0 : i32
        %dma_start3A_85 = arith.constant 0 : i32
        %dma_start3A_86 = tpu.memref_slice %arg2[%dma_start3A_84, %dma_start3A_85] : memref<10240x64xf32, #tpu.memory_space<hbm>> -> memref<10240x64xf32, #tpu.memory_space<hbm>>
        tpu.enqueue_indirect_dma source(%dma_start3A_86 : memref<10240x64xf32, #tpu.memory_space<hbm>>) target(%arg9 : memref<128x64xf32, #tpu.memory_space<vmem>>) offsets(%dma_start3A_83 : memref<128xi32, #tpu.memory_space<vmem>>) semaphore(%arg12 : memref<!tpu.dma_semaphore, #tpu.memory_space<semaphore_mem>>)
      } else {
      }
      %add3A_62 = arith.constant 1 : i32
      %add3A_63 = arith.addi %mul3A_50, %add3A_62 : i32
      %dma_wait3A_64 = arith.constant 0 : i32
      %dma_wait3A_65 = tpu.memref_slice %arg7[%add3A_63, %dma_wait3A_64] : memref<40x128xi32, #tpu.memory_space<vmem>> -> memref<1x128xi32, #tpu.memory_space<vmem>>
      %dma_wait3A_66 = tpu.memref_squeeze %dma_wait3A_65 : memref<1x128xi32, #tpu.memory_space<vmem>> -> memref<128xi32, #tpu.memory_space<vmem>>
      %dma_wait3A_67 = arith.constant 0 : i32
      %dma_wait3A_68 = arith.constant 0 : i32
      %dma_wait3A_69 = tpu.memref_slice %arg2[%dma_wait3A_67, %dma_wait3A_68] : memref<10240x64xf32, #tpu.memory_space<hbm>> -> memref<10240x64xf32, #tpu.memory_space<hbm>>
      tpu.wait_indirect_dma semaphore(%arg13 : memref<!tpu.dma_semaphore, #tpu.memory_space<semaphore_mem>>) src(%dma_wait3A_69 : memref<10240x64xf32, #tpu.memory_space<hbm>>) dst(%arg10 : memref<128x64xf32, #tpu.memory_space<vmem>>)
      %add3A_70 = arith.constant 1 : i32
      %add3A_71 = arith.addi %mul3A_50, %add3A_70 : i32
      "tpu.region"() ({
        %run_scoped3A = tpu.sem_alloc : memref<!tpu.dma_semaphore, #tpu.memory_space<semaphore_mem>>
        %dma_start3A_79 = arith.constant 0 : i32
        %dma_start3A_80 = tpu.memref_slice %arg8[%add3A_71, %dma_start3A_79] : memref<40x128xi32, #tpu.memory_space<vmem>> -> memref<1x128xi32, #tpu.memory_space<vmem>>
        %dma_start3A_81 = tpu.memref_squeeze %dma_start3A_80 : memref<1x128xi32, #tpu.memory_space<vmem>> -> memref<128xi32, #tpu.memory_space<vmem>>
        %dma_start3A_82 = arith.constant 0 : i32
        %dma_start3A_83 = arith.constant 0 : i32
        %dma_start3A_84 = tpu.memref_slice %arg11[%dma_start3A_82, %dma_start3A_83] : memref<10240x64xf32, #tpu.memory_space<vmem_shared>> -> memref<10240x64xf32, #tpu.memory_space<vmem_shared>>
        tpu.enqueue_indirect_dma source(%arg10 : memref<128x64xf32, #tpu.memory_space<vmem>>) target(%dma_start3A_84 : memref<10240x64xf32, #tpu.memory_space<vmem_shared>>) offsets(%dma_start3A_81 : memref<128xi32, #tpu.memory_space<vmem>>) semaphore(%run_scoped3A : memref<!tpu.dma_semaphore, #tpu.memory_space<semaphore_mem>>) {add = true}
        %dma_wait3A_85 = arith.constant 0 : i32
        %dma_wait3A_86 = tpu.memref_slice %arg8[%add3A_71, %dma_wait3A_85] : memref<40x128xi32, #tpu.memory_space<vmem>> -> memref<1x128xi32, #tpu.memory_space<vmem>>
        %dma_wait3A_87 = tpu.memref_squeeze %dma_wait3A_86 : memref<1x128xi32, #tpu.memory_space<vmem>> -> memref<128xi32, #tpu.memory_space<vmem>>
        %dma_wait3A_88 = arith.constant 0 : i32
        %dma_wait3A_89 = arith.constant 0 : i32
        %dma_wait3A_90 = tpu.memref_slice %arg11[%dma_wait3A_88, %dma_wait3A_89] : memref<10240x64xf32, #tpu.memory_space<vmem_shared>> -> memref<10240x64xf32, #tpu.memory_space<vmem_shared>>
        tpu.wait_indirect_dma semaphore(%run_scoped3A : memref<!tpu.dma_semaphore, #tpu.memory_space<semaphore_mem>>) src(%arg10 : memref<128x64xf32, #tpu.memory_space<vmem>>) dst(%dma_wait3A_90 : memref<10240x64xf32, #tpu.memory_space<vmem_shared>>)
        tpu.yield
      }) : () -> ()
      %add3A_72 = arith.constant 3 : i32
      %add3A_73 = arith.addi %mul3A_50, %add3A_72 : i32
      %lt3A_74 = arith.constant 40 : i32
      %lt3A_75 = arith.cmpi slt, %add3A_73, %lt3A_74 : i32
      %convert_element_type3A_76 = arith.extui %lt3A_75 : i1 to i32
      %cond3A_77 = arith.constant 0 : i32
      %cond3A_78 = arith.cmpi ne, %convert_element_type3A_76, %cond3A_77 : i32
      scf.if %cond3A_78 {
        %add3A_79 = arith.constant 3 : i32
        %add3A_80 = arith.addi %mul3A_50, %add3A_79 : i32
        %dma_start3A_81 = arith.constant 0 : i32
        %dma_start3A_82 = tpu.memref_slice %arg7[%add3A_80, %dma_start3A_81] : memref<40x128xi32, #tpu.memory_space<vmem>> -> memref<1x128xi32, #tpu.memory_space<vmem>>
        %dma_start3A_83 = tpu.memref_squeeze %dma_start3A_82 : memref<1x128xi32, #tpu.memory_space<vmem>> -> memref<128xi32, #tpu.memory_space<vmem>>
        %dma_start3A_84 = arith.constant 0 : i32
        %dma_start3A_85 = arith.constant 0 : i32
        %dma_start3A_86 = tpu.memref_slice %arg2[%dma_start3A_84, %dma_start3A_85] : memref<10240x64xf32, #tpu.memory_space<hbm>> -> memref<10240x64xf32, #tpu.memory_space<hbm>>
        tpu.enqueue_indirect_dma source(%dma_start3A_86 : memref<10240x64xf32, #tpu.memory_space<hbm>>) target(%arg10 : memref<128x64xf32, #tpu.memory_space<vmem>>) offsets(%dma_start3A_83 : memref<128xi32, #tpu.memory_space<vmem>>) semaphore(%arg13 : memref<!tpu.dma_semaphore, #tpu.memory_space<semaphore_mem>>)
      } else {
      }
    }
    %scan3A_26 = arith.constant 20 : i32
    "tpu.region"() ({
      %run_scoped3A = tpu.sem_alloc : memref<!tpu.dma_semaphore, #tpu.memory_space<semaphore_mem>>
      %dma_start3A_48 = arith.constant 40 : i32
      %dma_start3A_49 = arith.constant 0 : i32
      %dma_start3A_50 = tpu.memref_slice %arg3[%add3A, %dma_start3A_48, %dma_start3A_49] : memref<32x80x128xi32, #tpu.memory_space<hbm>> -> memref<1x40x128xi32, #tpu.memory_space<hbm>>
      %dma_start3A_51 = tpu.memref_squeeze %dma_start3A_50 : memref<1x40x128xi32, #tpu.memory_space<hbm>> -> memref<40x128xi32, #tpu.memory_space<hbm>>
      %dma_start3A_52 = arith.constant 40 : i32
      %dma_start3A_53 = arith.constant 0 : i32
      %dma_start3A_54 = tpu.memref_slice %arg3[%add3A, %dma_start3A_52, %dma_start3A_53] : memref<32x80x128xi32, #tpu.memory_space<hbm>> -> memref<1x40x128xi32, #tpu.memory_space<hbm>>
      %dma_start3A_55 = tpu.memref_squeeze %dma_start3A_54 : memref<1x40x128xi32, #tpu.memory_space<hbm>> -> memref<40x128xi32, #tpu.memory_space<hbm>>
      tpu.enqueue_dma source(%dma_start3A_55 : memref<40x128xi32, #tpu.memory_space<hbm>>) target(%arg7 : memref<40x128xi32, #tpu.memory_space<vmem>>) target_semaphore(%run_scoped3A : memref<!tpu.dma_semaphore, #tpu.memory_space<semaphore_mem>>)
      %dma_wait3A = arith.constant 40 : i32
      %dma_wait3A_56 = arith.constant 0 : i32
      %dma_wait3A_57 = tpu.memref_slice %arg3[%add3A, %dma_wait3A, %dma_wait3A_56] : memref<32x80x128xi32, #tpu.memory_space<hbm>> -> memref<1x40x128xi32, #tpu.memory_space<hbm>>
      %dma_wait3A_58 = tpu.memref_squeeze %dma_wait3A_57 : memref<1x40x128xi32, #tpu.memory_space<hbm>> -> memref<40x128xi32, #tpu.memory_space<hbm>>
      %dma_wait3A_59 = arith.constant 40 : i32
      %dma_wait3A_60 = arith.constant 0 : i32
      %dma_wait3A_61 = tpu.memref_slice %arg3[%add3A, %dma_wait3A_59, %dma_wait3A_60] : memref<32x80x128xi32, #tpu.memory_space<hbm>> -> memref<1x40x128xi32, #tpu.memory_space<hbm>>
      %dma_wait3A_62 = tpu.memref_squeeze %dma_wait3A_61 : memref<1x40x128xi32, #tpu.memory_space<hbm>> -> memref<40x128xi32, #tpu.memory_space<hbm>>
      tpu.wait_dma2 semaphore(%run_scoped3A : memref<!tpu.dma_semaphore, #tpu.memory_space<semaphore_mem>>) src(%dma_wait3A_62 : memref<40x128xi32, #tpu.memory_space<hbm>>) dst(%arg7 : memref<40x128xi32, #tpu.memory_space<vmem>>)
      tpu.yield
    }) : () -> ()
    "tpu.region"() ({
      %run_scoped3A = tpu.sem_alloc : memref<!tpu.dma_semaphore, #tpu.memory_space<semaphore_mem>>
      %dma_start3A_48 = arith.constant 40 : i32
      %dma_start3A_49 = arith.constant 0 : i32
      %dma_start3A_50 = tpu.memref_slice %arg4[%add3A, %dma_start3A_48, %dma_start3A_49] : memref<32x80x128xi32, #tpu.memory_space<hbm>> -> memref<1x40x128xi32, #tpu.memory_space<hbm>>
      %dma_start3A_51 = tpu.memref_squeeze %dma_start3A_50 : memref<1x40x128xi32, #tpu.memory_space<hbm>> -> memref<40x128xi32, #tpu.memory_space<hbm>>
      %dma_start3A_52 = arith.constant 40 : i32
      %dma_start3A_53 = arith.constant 0 : i32
      %dma_start3A_54 = tpu.memref_slice %arg4[%add3A, %dma_start3A_52, %dma_start3A_53] : memref<32x80x128xi32, #tpu.memory_space<hbm>> -> memref<1x40x128xi32, #tpu.memory_space<hbm>>
      %dma_start3A_55 = tpu.memref_squeeze %dma_start3A_54 : memref<1x40x128xi32, #tpu.memory_space<hbm>> -> memref<40x128xi32, #tpu.memory_space<hbm>>
      tpu.enqueue_dma source(%dma_start3A_55 : memref<40x128xi32, #tpu.memory_space<hbm>>) target(%arg8 : memref<40x128xi32, #tpu.memory_space<vmem>>) target_semaphore(%run_scoped3A : memref<!tpu.dma_semaphore, #tpu.memory_space<semaphore_mem>>)
      %dma_wait3A = arith.constant 40 : i32
      %dma_wait3A_56 = arith.constant 0 : i32
      %dma_wait3A_57 = tpu.memref_slice %arg4[%add3A, %dma_wait3A, %dma_wait3A_56] : memref<32x80x128xi32, #tpu.memory_space<hbm>> -> memref<1x40x128xi32, #tpu.memory_space<hbm>>
      %dma_wait3A_58 = tpu.memref_squeeze %dma_wait3A_57 : memref<1x40x128xi32, #tpu.memory_space<hbm>> -> memref<40x128xi32, #tpu.memory_space<hbm>>
      %dma_wait3A_59 = arith.constant 40 : i32
      %dma_wait3A_60 = arith.constant 0 : i32
      %dma_wait3A_61 = tpu.memref_slice %arg4[%add3A, %dma_wait3A_59, %dma_wait3A_60] : memref<32x80x128xi32, #tpu.memory_space<hbm>> -> memref<1x40x128xi32, #tpu.memory_space<hbm>>
      %dma_wait3A_62 = tpu.memref_squeeze %dma_wait3A_61 : memref<1x40x128xi32, #tpu.memory_space<hbm>> -> memref<40x128xi32, #tpu.memory_space<hbm>>
      tpu.wait_dma2 semaphore(%run_scoped3A : memref<!tpu.dma_semaphore, #tpu.memory_space<semaphore_mem>>) src(%dma_wait3A_62 : memref<40x128xi32, #tpu.memory_space<hbm>>) dst(%arg8 : memref<40x128xi32, #tpu.memory_space<vmem>>)
      tpu.yield
    }) : () -> ()
    %dma_start3A_27 = arith.constant 0 : i32
    %dma_start3A_28 = arith.constant 0 : i32
    %dma_start3A_29 = tpu.memref_slice %arg7[%dma_start3A_27, %dma_start3A_28] : memref<40x128xi32, #tpu.memory_space<vmem>> -> memref<1x128xi32, #tpu.memory_space<vmem>>
    %dma_start3A_30 = tpu.memref_squeeze %dma_start3A_29 : memref<1x128xi32, #tpu.memory_space<vmem>> -> memref<128xi32, #tpu.memory_space<vmem>>
    %dma_start3A_31 = arith.constant 0 : i32
    %dma_start3A_32 = arith.constant 0 : i32
    %dma_start3A_33 = tpu.memref_slice %arg2[%dma_start3A_31, %dma_start3A_32] : memref<10240x64xf32, #tpu.memory_space<hbm>> -> memref<10240x64xf32, #tpu.memory_space<hbm>>
    tpu.enqueue_indirect_dma source(%dma_start3A_33 : memref<10240x64xf32, #tpu.memory_space<hbm>>) target(%arg9 : memref<128x64xf32, #tpu.memory_space<vmem>>) offsets(%dma_start3A_30 : memref<128xi32, #tpu.memory_space<vmem>>) semaphore(%arg12 : memref<!tpu.dma_semaphore, #tpu.memory_space<semaphore_mem>>)
    %dma_start3A_34 = arith.constant 1 : i32
    %dma_start3A_35 = arith.constant 0 : i32
    %dma_start3A_36 = tpu.memref_slice %arg7[%dma_start3A_34, %dma_start3A_35] : memref<40x128xi32, #tpu.memory_space<vmem>> -> memref<1x128xi32, #tpu.memory_space<vmem>>
    %dma_start3A_37 = tpu.memref_squeeze %dma_start3A_36 : memref<1x128xi32, #tpu.memory_space<vmem>> -> memref<128xi32, #tpu.memory_space<vmem>>
    %dma_start3A_38 = arith.constant 0 : i32
    %dma_start3A_39 = arith.constant 0 : i32
    %dma_start3A_40 = tpu.memref_slice %arg2[%dma_start3A_38, %dma_start3A_39] : memref<10240x64xf32, #tpu.memory_space<hbm>> -> memref<10240x64xf32, #tpu.memory_space<hbm>>
    tpu.enqueue_indirect_dma source(%dma_start3A_40 : memref<10240x64xf32, #tpu.memory_space<hbm>>) target(%arg10 : memref<128x64xf32, #tpu.memory_space<vmem>>) offsets(%dma_start3A_37 : memref<128xi32, #tpu.memory_space<vmem>>) semaphore(%arg13 : memref<!tpu.dma_semaphore, #tpu.memory_space<semaphore_mem>>)
    %scan3A_41 = arith.constant 0 : i32
    %scan3A_42 = arith.constant 0 : i32
    %scan3A_43 = arith.constant 20 : i32
    %scan3A_44 = arith.addi %scan3A_42, %scan3A_43 : i32
    %scan3A_45 = arith.constant 1 : i32
    scf.for %scan3A_48 = %scan3A_42 to %scan3A_44 step %scan3A_45  : i32 {
      %mul3A_49 = arith.constant 2 : i32
      %mul3A_50 = arith.muli %mul3A_49, %scan3A_48 : i32
      %dma_wait3A = arith.constant 0 : i32
      %dma_wait3A_51 = tpu.memref_slice %arg7[%mul3A_50, %dma_wait3A] : memref<40x128xi32, #tpu.memory_space<vmem>> -> memref<1x128xi32, #tpu.memory_space<vmem>>
      %dma_wait3A_52 = tpu.memref_squeeze %dma_wait3A_51 : memref<1x128xi32, #tpu.memory_space<vmem>> -> memref<128xi32, #tpu.memory_space<vmem>>
      %dma_wait3A_53 = arith.constant 0 : i32
      %dma_wait3A_54 = arith.constant 0 : i32
      %dma_wait3A_55 = tpu.memref_slice %arg2[%dma_wait3A_53, %dma_wait3A_54] : memref<10240x64xf32, #tpu.memory_space<hbm>> -> memref<10240x64xf32, #tpu.memory_space<hbm>>
      tpu.wait_indirect_dma semaphore(%arg12 : memref<!tpu.dma_semaphore, #tpu.memory_space<semaphore_mem>>) src(%dma_wait3A_55 : memref<10240x64xf32, #tpu.memory_space<hbm>>) dst(%arg9 : memref<128x64xf32, #tpu.memory_space<vmem>>)
      "tpu.region"() ({
        %run_scoped3A = tpu.sem_alloc : memref<!tpu.dma_semaphore, #tpu.memory_space<semaphore_mem>>
        %dma_start3A_79 = arith.constant 0 : i32
        %dma_start3A_80 = tpu.memref_slice %arg8[%mul3A_50, %dma_start3A_79] : memref<40x128xi32, #tpu.memory_space<vmem>> -> memref<1x128xi32, #tpu.memory_space<vmem>>
        %dma_start3A_81 = tpu.memref_squeeze %dma_start3A_80 : memref<1x128xi32, #tpu.memory_space<vmem>> -> memref<128xi32, #tpu.memory_space<vmem>>
        %dma_start3A_82 = arith.constant 0 : i32
        %dma_start3A_83 = arith.constant 0 : i32
        %dma_start3A_84 = tpu.memref_slice %arg11[%dma_start3A_82, %dma_start3A_83] : memref<10240x64xf32, #tpu.memory_space<vmem_shared>> -> memref<10240x64xf32, #tpu.memory_space<vmem_shared>>
        tpu.enqueue_indirect_dma source(%arg9 : memref<128x64xf32, #tpu.memory_space<vmem>>) target(%dma_start3A_84 : memref<10240x64xf32, #tpu.memory_space<vmem_shared>>) offsets(%dma_start3A_81 : memref<128xi32, #tpu.memory_space<vmem>>) semaphore(%run_scoped3A : memref<!tpu.dma_semaphore, #tpu.memory_space<semaphore_mem>>) {add = true}
        %dma_wait3A_85 = arith.constant 0 : i32
        %dma_wait3A_86 = tpu.memref_slice %arg8[%mul3A_50, %dma_wait3A_85] : memref<40x128xi32, #tpu.memory_space<vmem>> -> memref<1x128xi32, #tpu.memory_space<vmem>>
        %dma_wait3A_87 = tpu.memref_squeeze %dma_wait3A_86 : memref<1x128xi32, #tpu.memory_space<vmem>> -> memref<128xi32, #tpu.memory_space<vmem>>
        %dma_wait3A_88 = arith.constant 0 : i32
        %dma_wait3A_89 = arith.constant 0 : i32
        %dma_wait3A_90 = tpu.memref_slice %arg11[%dma_wait3A_88, %dma_wait3A_89] : memref<10240x64xf32, #tpu.memory_space<vmem_shared>> -> memref<10240x64xf32, #tpu.memory_space<vmem_shared>>
        tpu.wait_indirect_dma semaphore(%run_scoped3A : memref<!tpu.dma_semaphore, #tpu.memory_space<semaphore_mem>>) src(%arg9 : memref<128x64xf32, #tpu.memory_space<vmem>>) dst(%dma_wait3A_90 : memref<10240x64xf32, #tpu.memory_space<vmem_shared>>)
        tpu.yield
      }) : () -> ()
      %add3A_56 = arith.constant 2 : i32
      %add3A_57 = arith.addi %mul3A_50, %add3A_56 : i32
      %lt3A = arith.constant 40 : i32
      %lt3A_58 = arith.cmpi slt, %add3A_57, %lt3A : i32
      %convert_element_type3A_59 = arith.extui %lt3A_58 : i1 to i32
      %cond3A_60 = arith.constant 0 : i32
      %cond3A_61 = arith.cmpi ne, %convert_element_type3A_59, %cond3A_60 : i32
      scf.if %cond3A_61 {
        %add3A_79 = arith.constant 2 : i32
        %add3A_80 = arith.addi %mul3A_50, %add3A_79 : i32
        %dma_start3A_81 = arith.constant 0 : i32
        %dma_start3A_82 = tpu.memref_slice %arg7[%add3A_80, %dma_start3A_81] : memref<40x128xi32, #tpu.memory_space<vmem>> -> memref<1x128xi32, #tpu.memory_space<vmem>>
        %dma_start3A_83 = tpu.memref_squeeze %dma_start3A_82 : memref<1x128xi32, #tpu.memory_space<vmem>> -> memref<128xi32, #tpu.memory_space<vmem>>
        %dma_start3A_84 = arith.constant 0 : i32
        %dma_start3A_85 = arith.constant 0 : i32
        %dma_start3A_86 = tpu.memref_slice %arg2[%dma_start3A_84, %dma_start3A_85] : memref<10240x64xf32, #tpu.memory_space<hbm>> -> memref<10240x64xf32, #tpu.memory_space<hbm>>
        tpu.enqueue_indirect_dma source(%dma_start3A_86 : memref<10240x64xf32, #tpu.memory_space<hbm>>) target(%arg9 : memref<128x64xf32, #tpu.memory_space<vmem>>) offsets(%dma_start3A_83 : memref<128xi32, #tpu.memory_space<vmem>>) semaphore(%arg12 : memref<!tpu.dma_semaphore, #tpu.memory_space<semaphore_mem>>)
      } else {
      }
      %add3A_62 = arith.constant 1 : i32
      %add3A_63 = arith.addi %mul3A_50, %add3A_62 : i32
      %dma_wait3A_64 = arith.constant 0 : i32
      %dma_wait3A_65 = tpu.memref_slice %arg7[%add3A_63, %dma_wait3A_64] : memref<40x128xi32, #tpu.memory_space<vmem>> -> memref<1x128xi32, #tpu.memory_space<vmem>>
      %dma_wait3A_66 = tpu.memref_squeeze %dma_wait3A_65 : memref<1x128xi32, #tpu.memory_space<vmem>> -> memref<128xi32, #tpu.memory_space<vmem>>
      %dma_wait3A_67 = arith.constant 0 : i32
      %dma_wait3A_68 = arith.constant 0 : i32
      %dma_wait3A_69 = tpu.memref_slice %arg2[%dma_wait3A_67, %dma_wait3A_68] : memref<10240x64xf32, #tpu.memory_space<hbm>> -> memref<10240x64xf32, #tpu.memory_space<hbm>>
      tpu.wait_indirect_dma semaphore(%arg13 : memref<!tpu.dma_semaphore, #tpu.memory_space<semaphore_mem>>) src(%dma_wait3A_69 : memref<10240x64xf32, #tpu.memory_space<hbm>>) dst(%arg10 : memref<128x64xf32, #tpu.memory_space<vmem>>)
      %add3A_70 = arith.constant 1 : i32
      %add3A_71 = arith.addi %mul3A_50, %add3A_70 : i32
      "tpu.region"() ({
        %run_scoped3A = tpu.sem_alloc : memref<!tpu.dma_semaphore, #tpu.memory_space<semaphore_mem>>
        %dma_start3A_79 = arith.constant 0 : i32
        %dma_start3A_80 = tpu.memref_slice %arg8[%add3A_71, %dma_start3A_79] : memref<40x128xi32, #tpu.memory_space<vmem>> -> memref<1x128xi32, #tpu.memory_space<vmem>>
        %dma_start3A_81 = tpu.memref_squeeze %dma_start3A_80 : memref<1x128xi32, #tpu.memory_space<vmem>> -> memref<128xi32, #tpu.memory_space<vmem>>
        %dma_start3A_82 = arith.constant 0 : i32
        %dma_start3A_83 = arith.constant 0 : i32
        %dma_start3A_84 = tpu.memref_slice %arg11[%dma_start3A_82, %dma_start3A_83] : memref<10240x64xf32, #tpu.memory_space<vmem_shared>> -> memref<10240x64xf32, #tpu.memory_space<vmem_shared>>
        tpu.enqueue_indirect_dma source(%arg10 : memref<128x64xf32, #tpu.memory_space<vmem>>) target(%dma_start3A_84 : memref<10240x64xf32, #tpu.memory_space<vmem_shared>>) offsets(%dma_start3A_81 : memref<128xi32, #tpu.memory_space<vmem>>) semaphore(%run_scoped3A : memref<!tpu.dma_semaphore, #tpu.memory_space<semaphore_mem>>) {add = true}
        %dma_wait3A_85 = arith.constant 0 : i32
        %dma_wait3A_86 = tpu.memref_slice %arg8[%add3A_71, %dma_wait3A_85] : memref<40x128xi32, #tpu.memory_space<vmem>> -> memref<1x128xi32, #tpu.memory_space<vmem>>
        %dma_wait3A_87 = tpu.memref_squeeze %dma_wait3A_86 : memref<1x128xi32, #tpu.memory_space<vmem>> -> memref<128xi32, #tpu.memory_space<vmem>>
        %dma_wait3A_88 = arith.constant 0 : i32
        %dma_wait3A_89 = arith.constant 0 : i32
        %dma_wait3A_90 = tpu.memref_slice %arg11[%dma_wait3A_88, %dma_wait3A_89] : memref<10240x64xf32, #tpu.memory_space<vmem_shared>> -> memref<10240x64xf32, #tpu.memory_space<vmem_shared>>
        tpu.wait_indirect_dma semaphore(%run_scoped3A : memref<!tpu.dma_semaphore, #tpu.memory_space<semaphore_mem>>) src(%arg10 : memref<128x64xf32, #tpu.memory_space<vmem>>) dst(%dma_wait3A_90 : memref<10240x64xf32, #tpu.memory_space<vmem_shared>>)
        tpu.yield
      }) : () -> ()
      %add3A_72 = arith.constant 3 : i32
      %add3A_73 = arith.addi %mul3A_50, %add3A_72 : i32
      %lt3A_74 = arith.constant 40 : i32
      %lt3A_75 = arith.cmpi slt, %add3A_73, %lt3A_74 : i32
      %convert_element_type3A_76 = arith.extui %lt3A_75 : i1 to i32
      %cond3A_77 = arith.constant 0 : i32
      %cond3A_78 = arith.cmpi ne, %convert_element_type3A_76, %cond3A_77 : i32
      scf.if %cond3A_78 {
        %add3A_79 = arith.constant 3 : i32
        %add3A_80 = arith.addi %mul3A_50, %add3A_79 : i32
        %dma_start3A_81 = arith.constant 0 : i32
        %dma_start3A_82 = tpu.memref_slice %arg7[%add3A_80, %dma_start3A_81] : memref<40x128xi32, #tpu.memory_space<vmem>> -> memref<1x128xi32, #tpu.memory_space<vmem>>
        %dma_start3A_83 = tpu.memref_squeeze %dma_start3A_82 : memref<1x128xi32, #tpu.memory_space<vmem>> -> memref<128xi32, #tpu.memory_space<vmem>>
        %dma_start3A_84 = arith.constant 0 : i32
        %dma_start3A_85 = arith.constant 0 : i32
        %dma_start3A_86 = tpu.memref_slice %arg2[%dma_start3A_84, %dma_start3A_85] : memref<10240x64xf32, #tpu.memory_space<hbm>> -> memref<10240x64xf32, #tpu.memory_space<hbm>>
        tpu.enqueue_indirect_dma source(%dma_start3A_86 : memref<10240x64xf32, #tpu.memory_space<hbm>>) target(%arg10 : memref<128x64xf32, #tpu.memory_space<vmem>>) offsets(%dma_start3A_83 : memref<128xi32, #tpu.memory_space<vmem>>) semaphore(%arg13 : memref<!tpu.dma_semaphore, #tpu.memory_space<semaphore_mem>>)
      } else {
      }
    }
    %scan3A_46 = arith.constant 20 : i32
    %barrier3A_47 = arith.constant 0 : index
    tpu.barrier barrier_id(%barrier3A_47)
    "tpu.region"() ({
      %run_scoped3A = tpu.sem_alloc : memref<!tpu.dma_semaphore, #tpu.memory_space<semaphore_mem>>
      %dma_start3A_48 = arith.constant 0 : i32
      %dma_start3A_49 = tpu.memref_slice %arg6[%arg0, %mul3A_2, %dma_start3A_48] : memref<2x10240x64xf32, #tpu.memory_space<hbm>> -> memref<1x640x64xf32, #tpu.memory_space<hbm>>
      %dma_start3A_50 = tpu.memref_squeeze %dma_start3A_49 : memref<1x640x64xf32, #tpu.memory_space<hbm>> -> memref<640x64xf32, #tpu.memory_space<hbm>>
      %dma_start3A_51 = arith.constant 0 : i32
      %dma_start3A_52 = tpu.memref_slice %arg11[%mul3A_2, %dma_start3A_51] : memref<10240x64xf32, #tpu.memory_space<vmem_shared>> -> memref<640x64xf32, #tpu.memory_space<vmem_shared>>
      tpu.enqueue_dma source(%dma_start3A_52 : memref<640x64xf32, #tpu.memory_space<vmem_shared>>) target(%dma_start3A_50 : memref<640x64xf32, #tpu.memory_space<hbm>>) target_semaphore(%run_scoped3A : memref<!tpu.dma_semaphore, #tpu.memory_space<semaphore_mem>>)
      %dma_wait3A = arith.constant 0 : i32
      %dma_wait3A_53 = tpu.memref_slice %arg6[%arg0, %mul3A_2, %dma_wait3A] : memref<2x10240x64xf32, #tpu.memory_space<hbm>> -> memref<1x640x64xf32, #tpu.memory_space<hbm>>
      %dma_wait3A_54 = tpu.memref_squeeze %dma_wait3A_53 : memref<1x640x64xf32, #tpu.memory_space<hbm>> -> memref<640x64xf32, #tpu.memory_space<hbm>>
      %dma_wait3A_55 = arith.constant 0 : i32
      %dma_wait3A_56 = tpu.memref_slice %arg11[%mul3A_2, %dma_wait3A_55] : memref<10240x64xf32, #tpu.memory_space<vmem_shared>> -> memref<640x64xf32, #tpu.memory_space<vmem_shared>>
      tpu.wait_dma2 semaphore(%run_scoped3A : memref<!tpu.dma_semaphore, #tpu.memory_space<semaphore_mem>>) src(%dma_wait3A_56 : memref<640x64xf32, #tpu.memory_space<vmem_shared>>) dst(%dma_wait3A_54 : memref<640x64xf32, #tpu.memory_space<hbm>>)
      tpu.yield
    }) : () -> ()
    return
  }
}

module attributes {stable_mosaic.version = 14 : i64} {
  func.func @_mm_body(%arg0: i32, %arg1: memref<1024x128xf32, #tpu.memory_space<vmem>>, %arg2: memref<128x128xf32, #tpu.memory_space<vmem>>, %arg3: memref<1024x1xf32, #tpu.memory_space<vmem>>, %arg4: memref<1024x1xf32, #tpu.memory_space<vmem>>, %arg5: memref<1024x128xf32, #tpu.memory_space<vmem>>, %arg6: memref<1024x1xf32, #tpu.memory_space<vmem>>) attributes {dimension_semantics = [#tpu.dimension_semantics<arbitrary>], iteration_bounds = array<i64: 10>, scalar_prefetch = 0 : i64, scratch_operands = 0 : i64, tpu.core_type = #tpu.core_type<tc>, window_params = [{transform_indices = @transform_0, window_bounds = array<i64: 1024, 128>}, {pipeline_mode = #tpu.pipeline_mode<synchronous>, transform_indices = @transform_1, window_bounds = array<i64: 128, 128>}, {transform_indices = @transform_2, window_bounds = array<i64: 1024, 1>}, {transform_indices = @transform_3, window_bounds = array<i64: 1024, 1>}, {transform_indices = @transform_4, window_bounds = array<i64: 1024, 128>}, {transform_indices = @transform_5, window_bounds = array<i64: 1024, 1>}]} {
    %get3A = arith.constant 0 : index
    %get3A_0 = arith.constant 0 : index
    %get3A_1 = vector.load %arg3[%get3A, %get3A_0] : memref<1024x1xf32, #tpu.memory_space<vmem>>, vector<1024x1xf32>
    %get3A_2 = arith.constant 0 : index
    %get3A_3 = arith.constant 0 : index
    %get3A_4 = vector.load %arg4[%get3A_2, %get3A_3] : memref<1024x1xf32, #tpu.memory_space<vmem>>, vector<1024x1xf32>
    %add3A = arith.addf %get3A_1, %get3A_4 : vector<1024x1xf32>
    %add3A_5 = arith.constant 1.000000e+00 : f32
    %add3A_6 = vector.broadcast %add3A_5 : f32 to vector<1024x1xf32>
    %add3A_7 = arith.addf %add3A, %add3A_6 : vector<1024x1xf32>
    %rsqrt3A = math.rsqrt %add3A_7 : vector<1024x1xf32>
    %swap3A = arith.constant 0 : index
    %swap3A_8 = arith.constant 0 : index
    %swap3A_9 = vector.load %arg6[%swap3A, %swap3A_8] : memref<1024x1xf32, #tpu.memory_space<vmem>>, vector<1024x1xf32>
    tpu.vector_store %arg6[%swap3A, %swap3A_8], %rsqrt3A {strides = array<i32>} : memref<1024x1xf32, #tpu.memory_space<vmem>>, vector<1024x1xf32>,
    %get3A_10 = arith.constant 0 : index
    %get3A_11 = arith.constant 0 : index
    %get3A_12 = vector.load %arg1[%get3A_10, %get3A_11] : memref<1024x128xf32, #tpu.memory_space<vmem>>, vector<1024x128xf32>
    %get3A_13 = arith.constant 0 : index
    %get3A_14 = arith.constant 0 : index
    %get3A_15 = vector.load %arg2[%get3A_13, %get3A_14] : memref<128x128xf32, #tpu.memory_space<vmem>>, vector<128x128xf32>
    %dot_general3A = arith.constant dense<0.000000e+00> : vector<1024x128xf32>
    %dot_general3A_16 = tpu.matmul %get3A_12, %get3A_15, %dot_general3A {dimension_numbers = #tpu.dot_dimension_numbers<[1], [0], [0], [1], [0, 0, 1, 1], [], []>, transpose_lhs_hint = false} : vector<1024x128xf32>, vector<128x128xf32>, vector<1024x128xf32> -> vector<1024x128xf32>
    %mul3A = vector.broadcast %rsqrt3A : vector<1024x1xf32> to vector<1024x128xf32>
    %mul3A_17 = arith.mulf %dot_general3A_16, %mul3A : vector<1024x128xf32>
    %swap3A_18 = arith.constant 0 : index
    %swap3A_19 = arith.constant 0 : index
    %swap3A_20 = vector.load %arg5[%swap3A_18, %swap3A_19] : memref<1024x128xf32, #tpu.memory_space<vmem>>, vector<1024x128xf32>
    tpu.vector_store %arg5[%swap3A_18, %swap3A_19], %mul3A_17 {strides = array<i32>} : memref<1024x128xf32, #tpu.memory_space<vmem>>, vector<1024x128xf32>,
    return
  }
  func.func @transform_0(%arg0: i32) -> (i32, i32) {
    %c0_i32 = arith.constant 0 : i32
    %c0_i32_0 = arith.constant 0 : i32
    return %arg0, %c0_i32 : i32, i32
  }
  func.func @transform_1(%arg0: i32) -> (i32, i32) {
    %c0_i32 = arith.constant 0 : i32
    %c0_i32_0 = arith.constant 0 : i32
    %c0_i32_1 = arith.constant 0 : i32
    return %c0_i32, %c0_i32_0 : i32, i32
  }
  func.func @transform_2(%arg0: i32) -> (i32, i32) {
    %c0_i32 = arith.constant 0 : i32
    %c0_i32_0 = arith.constant 0 : i32
    return %arg0, %c0_i32 : i32, i32
  }
  func.func @transform_3(%arg0: i32) -> (i32, i32) {
    %c0_i32 = arith.constant 0 : i32
    %c0_i32_0 = arith.constant 0 : i32
    return %arg0, %c0_i32 : i32, i32
  }
  func.func @transform_4(%arg0: i32) -> (i32, i32) {
    %c0_i32 = arith.constant 0 : i32
    %c0_i32_0 = arith.constant 0 : i32
    return %arg0, %c0_i32 : i32, i32
  }
  func.func @transform_5(%arg0: i32) -> (i32, i32) {
    %c0_i32 = arith.constant 0 : i32
    %c0_i32_0 = arith.constant 0 : i32
    return %arg0, %c0_i32 : i32, i32
  }
}

module attributes {stable_mosaic.version = 14 : i64} {
  func.func @body(%arg0: i32, %arg1: memref<2x1024x128xf32, #tpu.memory_space<vmem>>, %arg2: memref<1024x1xf32, #tpu.memory_space<vmem>>, %arg3: memref<1x128xf32, #tpu.memory_space<vmem>>, %arg4: memref<128x128xf32, #tpu.memory_space<vmem>>, %arg5: memref<1024x128xf32, #tpu.memory_space<vmem>>, %arg6: memref<1024x128xf32, #tpu.memory_space<vmem>>) attributes {dimension_semantics = [#tpu.dimension_semantics<arbitrary>], iteration_bounds = array<i64: 10>, scalar_prefetch = 0 : i64, scratch_operands = 0 : i64, tpu.core_type = #tpu.core_type<tc>, window_params = [{transform_indices = @transform_0, window_bounds = array<i64: 2, 1024, 128>}, {transform_indices = @transform_1, window_bounds = array<i64: 1024, 1>}, {pipeline_mode = #tpu.pipeline_mode<synchronous>, transform_indices = @transform_2, window_bounds = array<i64: 1, 128>}, {pipeline_mode = #tpu.pipeline_mode<synchronous>, transform_indices = @transform_3, window_bounds = array<i64: 128, 128>}, {transform_indices = @transform_4, window_bounds = array<i64: 1024, 128>}, {transform_indices = @transform_5, window_bounds = array<i64: 1024, 128>}]} {
    %get3A = arith.constant 0 : index
    %get3A_0 = arith.constant 0 : index
    %get3A_1 = arith.constant 0 : index
    %get3A_2 = vector.load %arg1[%get3A, %get3A_0, %get3A_1] : memref<2x1024x128xf32, #tpu.memory_space<vmem>>, vector<2x1024x128xf32>
    %get3A_3 = arith.constant 0 : index
    %get3A_4 = arith.constant 0 : index
    %get3A_5 = vector.load %arg2[%get3A_3, %get3A_4] : memref<1024x1xf32, #tpu.memory_space<vmem>>, vector<1024x1xf32>
    %slice3A = vector.extract_strided_slice %get3A_2 {offsets = [0, 0, 0], sizes = [1, 1024, 128], strides = [1, 1, 1]} : vector<2x1024x128xf32> to vector<1x1024x128xf32>
    %squeeze3A = vector.shape_cast %slice3A : vector<1x1024x128xf32> to vector<1024x128xf32>
    %slice3A_6 = vector.extract_strided_slice %get3A_2 {offsets = [1, 0, 0], sizes = [1, 1024, 128], strides = [1, 1, 1]} : vector<2x1024x128xf32> to vector<1x1024x128xf32>
    %squeeze3A_7 = vector.shape_cast %slice3A_6 : vector<1x1024x128xf32> to vector<1024x128xf32>
    %add3A = arith.addf %squeeze3A, %squeeze3A_7 : vector<1024x128xf32>
    %mul3A = vector.broadcast %get3A_5 : vector<1024x1xf32> to vector<1024x128xf32>
    %mul3A_8 = arith.mulf %mul3A, %add3A : vector<1024x128xf32>
    %get3A_9 = arith.constant 0 : index
    %get3A_10 = arith.constant 0 : index
    %get3A_11 = vector.load %arg3[%get3A_9, %get3A_10] : memref<1x128xf32, #tpu.memory_space<vmem>>, vector<1x128xf32>
    %add3A_12 = vector.broadcast %get3A_11 : vector<1x128xf32> to vector<1024x128xf32>
    %add3A_13 = arith.addf %mul3A_8, %add3A_12 : vector<1024x128xf32>
    %gt3A = arith.constant 0.000000e+00 : f32
    %gt3A_14 = vector.broadcast %gt3A : f32 to vector<1024x128xf32>
    %gt3A_15 = arith.cmpf ogt, %add3A_13, %gt3A_14 : vector<1024x128xf32>
    %min3A = arith.constant 0.000000e+00 : f32
    %min3A_16 = vector.broadcast %min3A : f32 to vector<1024x128xf32>
    %min3A_17 = arith.minimumf %add3A_13, %min3A_16 : vector<1024x128xf32>
    %exp3A = math.exp %min3A_17 : vector<1024x128xf32>
    %sub3A = arith.constant 1.000000e+00 : f32
    %sub3A_18 = vector.broadcast %sub3A : f32 to vector<1024x128xf32>
    %sub3A_19 = arith.subf %exp3A, %sub3A_18 : vector<1024x128xf32>
    %select_n3A = arith.select %gt3A_15, %add3A_13, %sub3A_19 : vector<1024x128xi1>, vector<1024x128xf32>
    %swap3A = arith.constant 0 : index
    %swap3A_20 = arith.constant 0 : index
    %swap3A_21 = vector.load %arg5[%swap3A, %swap3A_20] : memref<1024x128xf32, #tpu.memory_space<vmem>>, vector<1024x128xf32>
    tpu.vector_store %arg5[%swap3A, %swap3A_20], %select_n3A {strides = array<i32>} : memref<1024x128xf32, #tpu.memory_space<vmem>>, vector<1024x128xf32>,
    %get3A_22 = arith.constant 0 : index
    %get3A_23 = arith.constant 0 : index
    %get3A_24 = vector.load %arg4[%get3A_22, %get3A_23] : memref<128x128xf32, #tpu.memory_space<vmem>>, vector<128x128xf32>
    %dot_general3A = arith.constant dense<0.000000e+00> : vector<1024x128xf32>
    %dot_general3A_25 = tpu.matmul %select_n3A, %get3A_24, %dot_general3A {dimension_numbers = #tpu.dot_dimension_numbers<[1], [0], [0], [1], [0, 0, 1, 1], [], []>, transpose_lhs_hint = false} : vector<1024x128xf32>, vector<128x128xf32>, vector<1024x128xf32> -> vector<1024x128xf32>
    %get3A_26 = arith.constant 0 : index
    %get3A_27 = arith.constant 0 : index
    %get3A_28 = vector.load %arg2[%get3A_26, %get3A_27] : memref<1024x1xf32, #tpu.memory_space<vmem>>, vector<1024x1xf32>
    %mul3A_29 = vector.broadcast %get3A_28 : vector<1024x1xf32> to vector<1024x128xf32>
    %mul3A_30 = arith.mulf %dot_general3A_25, %mul3A_29 : vector<1024x128xf32>
    %swap3A_31 = arith.constant 0 : index
    %swap3A_32 = arith.constant 0 : index
    %swap3A_33 = vector.load %arg6[%swap3A_31, %swap3A_32] : memref<1024x128xf32, #tpu.memory_space<vmem>>, vector<1024x128xf32>
    tpu.vector_store %arg6[%swap3A_31, %swap3A_32], %mul3A_30 {strides = array<i32>} : memref<1024x128xf32, #tpu.memory_space<vmem>>, vector<1024x128xf32>,
    return
  }
  func.func @transform_0(%arg0: i32) -> (i32, i32, i32) {
    %c0_i32 = arith.constant 0 : i32
    %c0_i32_0 = arith.constant 0 : i32
    %c0_i32_1 = arith.constant 0 : i32
    return %c0_i32, %arg0, %c0_i32_0 : i32, i32, i32
  }
  func.func @transform_1(%arg0: i32) -> (i32, i32) {
    %c0_i32 = arith.constant 0 : i32
    %c0_i32_0 = arith.constant 0 : i32
    return %arg0, %c0_i32 : i32, i32
  }
  func.func @transform_2(%arg0: i32) -> (i32, i32) {
    %c0_i32 = arith.constant 0 : i32
    %c0_i32_0 = arith.constant 0 : i32
    %c0_i32_1 = arith.constant 0 : i32
    return %c0_i32, %c0_i32_0 : i32, i32
  }
  func.func @transform_3(%arg0: i32) -> (i32, i32) {
    %c0_i32 = arith.constant 0 : i32
    %c0_i32_0 = arith.constant 0 : i32
    %c0_i32_1 = arith.constant 0 : i32
    return %c0_i32, %c0_i32_0 : i32, i32
  }
  func.func @transform_4(%arg0: i32) -> (i32, i32) {
    %c0_i32 = arith.constant 0 : i32
    %c0_i32_0 = arith.constant 0 : i32
    return %arg0, %c0_i32 : i32, i32
  }
  func.func @transform_5(%arg0: i32) -> (i32, i32) {
    %c0_i32 = arith.constant 0 : i32
    %c0_i32_0 = arith.constant 0 : i32
    return %arg0, %c0_i32 : i32, i32
  }
}

module attributes {stable_mosaic.version = 14 : i64} {
  func.func @body(%arg0: i32, %arg1: memref<2x1024x128xf32, #tpu.memory_space<vmem>>, %arg2: memref<1024x1xf32, #tpu.memory_space<vmem>>, %arg3: memref<1x128xf32, #tpu.memory_space<vmem>>, %arg4: memref<1024x128xf32, #tpu.memory_space<vmem>>, %arg5: memref<128x64xf32, #tpu.memory_space<vmem>>, %arg6: memref<1024x128xf32, #tpu.memory_space<vmem>>, %arg7: memref<1024x64xf32, #tpu.memory_space<vmem>>) attributes {dimension_semantics = [#tpu.dimension_semantics<arbitrary>], iteration_bounds = array<i64: 10>, scalar_prefetch = 0 : i64, scratch_operands = 0 : i64, tpu.core_type = #tpu.core_type<tc>, window_params = [{transform_indices = @transform_0, window_bounds = array<i64: 2, 1024, 128>}, {transform_indices = @transform_1, window_bounds = array<i64: 1024, 1>}, {pipeline_mode = #tpu.pipeline_mode<synchronous>, transform_indices = @transform_2, window_bounds = array<i64: 1, 128>}, {transform_indices = @transform_3, window_bounds = array<i64: 1024, 128>}, {pipeline_mode = #tpu.pipeline_mode<synchronous>, transform_indices = @transform_4, window_bounds = array<i64: 128, 64>}, {transform_indices = @transform_5, window_bounds = array<i64: 1024, 128>}, {transform_indices = @transform_6, window_bounds = array<i64: 1024, 64>}]} {
    %get3A = arith.constant 0 : index
    %get3A_0 = arith.constant 0 : index
    %get3A_1 = arith.constant 0 : index
    %get3A_2 = vector.load %arg1[%get3A, %get3A_0, %get3A_1] : memref<2x1024x128xf32, #tpu.memory_space<vmem>>, vector<2x1024x128xf32>
    %get3A_3 = arith.constant 0 : index
    %get3A_4 = arith.constant 0 : index
    %get3A_5 = vector.load %arg2[%get3A_3, %get3A_4] : memref<1024x1xf32, #tpu.memory_space<vmem>>, vector<1024x1xf32>
    %slice3A = vector.extract_strided_slice %get3A_2 {offsets = [0, 0, 0], sizes = [1, 1024, 128], strides = [1, 1, 1]} : vector<2x1024x128xf32> to vector<1x1024x128xf32>
    %squeeze3A = vector.shape_cast %slice3A : vector<1x1024x128xf32> to vector<1024x128xf32>
    %slice3A_6 = vector.extract_strided_slice %get3A_2 {offsets = [1, 0, 0], sizes = [1, 1024, 128], strides = [1, 1, 1]} : vector<2x1024x128xf32> to vector<1x1024x128xf32>
    %squeeze3A_7 = vector.shape_cast %slice3A_6 : vector<1x1024x128xf32> to vector<1024x128xf32>
    %add3A = arith.addf %squeeze3A, %squeeze3A_7 : vector<1024x128xf32>
    %mul3A = vector.broadcast %get3A_5 : vector<1024x1xf32> to vector<1024x128xf32>
    %mul3A_8 = arith.mulf %mul3A, %add3A : vector<1024x128xf32>
    %get3A_9 = arith.constant 0 : index
    %get3A_10 = arith.constant 0 : index
    %get3A_11 = vector.load %arg3[%get3A_9, %get3A_10] : memref<1x128xf32, #tpu.memory_space<vmem>>, vector<1x128xf32>
    %add3A_12 = vector.broadcast %get3A_11 : vector<1x128xf32> to vector<1024x128xf32>
    %add3A_13 = arith.addf %mul3A_8, %add3A_12 : vector<1024x128xf32>
    %get3A_14 = arith.constant 0 : index
    %get3A_15 = arith.constant 0 : index
    %get3A_16 = vector.load %arg4[%get3A_14, %get3A_15] : memref<1024x128xf32, #tpu.memory_space<vmem>>, vector<1024x128xf32>
    %add3A_17 = arith.addf %add3A_13, %get3A_16 : vector<1024x128xf32>
    %gt3A = arith.constant 0.000000e+00 : f32
    %gt3A_18 = vector.broadcast %gt3A : f32 to vector<1024x128xf32>
    %gt3A_19 = arith.cmpf ogt, %add3A_17, %gt3A_18 : vector<1024x128xf32>
    %min3A = arith.constant 0.000000e+00 : f32
    %min3A_20 = vector.broadcast %min3A : f32 to vector<1024x128xf32>
    %min3A_21 = arith.minimumf %add3A_17, %min3A_20 : vector<1024x128xf32>
    %exp3A = math.exp %min3A_21 : vector<1024x128xf32>
    %sub3A = arith.constant 1.000000e+00 : f32
    %sub3A_22 = vector.broadcast %sub3A : f32 to vector<1024x128xf32>
    %sub3A_23 = arith.subf %exp3A, %sub3A_22 : vector<1024x128xf32>
    %select_n3A = arith.select %gt3A_19, %add3A_17, %sub3A_23 : vector<1024x128xi1>, vector<1024x128xf32>
    %swap3A = arith.constant 0 : index
    %swap3A_24 = arith.constant 0 : index
    %swap3A_25 = vector.load %arg6[%swap3A, %swap3A_24] : memref<1024x128xf32, #tpu.memory_space<vmem>>, vector<1024x128xf32>
    tpu.vector_store %arg6[%swap3A, %swap3A_24], %select_n3A {strides = array<i32>} : memref<1024x128xf32, #tpu.memory_space<vmem>>, vector<1024x128xf32>,
    %get3A_26 = arith.constant 0 : index
    %get3A_27 = arith.constant 0 : index
    %get3A_28 = vector.load %arg5[%get3A_26, %get3A_27] : memref<128x64xf32, #tpu.memory_space<vmem>>, vector<128x64xf32>
    %dot_general3A = arith.constant dense<0.000000e+00> : vector<1024x64xf32>
    %dot_general3A_29 = tpu.matmul %select_n3A, %get3A_28, %dot_general3A {dimension_numbers = #tpu.dot_dimension_numbers<[1], [0], [0], [1], [0, 0, 1, 1], [], []>, transpose_lhs_hint = false} : vector<1024x128xf32>, vector<128x64xf32>, vector<1024x64xf32> -> vector<1024x64xf32>
    %get3A_30 = arith.constant 0 : index
    %get3A_31 = arith.constant 0 : index
    %get3A_32 = vector.load %arg2[%get3A_30, %get3A_31] : memref<1024x1xf32, #tpu.memory_space<vmem>>, vector<1024x1xf32>
    %mul3A_33 = vector.broadcast %get3A_32 : vector<1024x1xf32> to vector<1024x64xf32>
    %mul3A_34 = arith.mulf %dot_general3A_29, %mul3A_33 : vector<1024x64xf32>
    %swap3A_35 = arith.constant 0 : index
    %swap3A_36 = arith.constant 0 : index
    %swap3A_37 = vector.load %arg7[%swap3A_35, %swap3A_36] : memref<1024x64xf32, #tpu.memory_space<vmem>>, vector<1024x64xf32>
    tpu.vector_store %arg7[%swap3A_35, %swap3A_36], %mul3A_34 {strides = array<i32>} : memref<1024x64xf32, #tpu.memory_space<vmem>>, vector<1024x64xf32>,
    return
  }
  func.func @transform_0(%arg0: i32) -> (i32, i32, i32) {
    %c0_i32 = arith.constant 0 : i32
    %c0_i32_0 = arith.constant 0 : i32
    %c0_i32_1 = arith.constant 0 : i32
    return %c0_i32, %arg0, %c0_i32_0 : i32, i32, i32
  }
  func.func @transform_1(%arg0: i32) -> (i32, i32) {
    %c0_i32 = arith.constant 0 : i32
    %c0_i32_0 = arith.constant 0 : i32
    return %arg0, %c0_i32 : i32, i32
  }
  func.func @transform_2(%arg0: i32) -> (i32, i32) {
    %c0_i32 = arith.constant 0 : i32
    %c0_i32_0 = arith.constant 0 : i32
    %c0_i32_1 = arith.constant 0 : i32
    return %c0_i32, %c0_i32_0 : i32, i32
  }
  func.func @transform_3(%arg0: i32) -> (i32, i32) {
    %c0_i32 = arith.constant 0 : i32
    %c0_i32_0 = arith.constant 0 : i32
    return %arg0, %c0_i32 : i32, i32
  }
  func.func @transform_4(%arg0: i32) -> (i32, i32) {
    %c0_i32 = arith.constant 0 : i32
    %c0_i32_0 = arith.constant 0 : i32
    %c0_i32_1 = arith.constant 0 : i32
    return %c0_i32, %c0_i32_0 : i32, i32
  }
  func.func @transform_5(%arg0: i32) -> (i32, i32) {
    %c0_i32 = arith.constant 0 : i32
    %c0_i32_0 = arith.constant 0 : i32
    return %arg0, %c0_i32 : i32, i32
  }
  func.func @transform_6(%arg0: i32) -> (i32, i32) {
    %c0_i32 = arith.constant 0 : i32
    %c0_i32_0 = arith.constant 0 : i32
    return %arg0, %c0_i32 : i32, i32
  }
}

module attributes {stable_mosaic.version = 14 : i64} {
  func.func @_final_body(%arg0: i32, %arg1: memref<2x1024x64xf32, #tpu.memory_space<vmem>>, %arg2: memref<1024x1xf32, #tpu.memory_space<vmem>>, %arg3: memref<1x64xf32, #tpu.memory_space<vmem>>, %arg4: memref<1024x64xf32, #tpu.memory_space<vmem>>) attributes {dimension_semantics = [#tpu.dimension_semantics<arbitrary>], iteration_bounds = array<i64: 10>, scalar_prefetch = 0 : i64, scratch_operands = 0 : i64, tpu.core_type = #tpu.core_type<tc>, window_params = [{transform_indices = @transform_0, window_bounds = array<i64: 2, 1024, 64>}, {transform_indices = @transform_1, window_bounds = array<i64: 1024, 1>}, {pipeline_mode = #tpu.pipeline_mode<synchronous>, transform_indices = @transform_2, window_bounds = array<i64: 1, 64>}, {transform_indices = @transform_3, window_bounds = array<i64: 1024, 64>}]} {
    %get3A = arith.constant 0 : index
    %get3A_0 = arith.constant 0 : index
    %get3A_1 = arith.constant 0 : index
    %get3A_2 = vector.load %arg1[%get3A, %get3A_0, %get3A_1] : memref<2x1024x64xf32, #tpu.memory_space<vmem>>, vector<2x1024x64xf32>
    %get3A_3 = arith.constant 0 : index
    %get3A_4 = arith.constant 0 : index
    %get3A_5 = vector.load %arg2[%get3A_3, %get3A_4] : memref<1024x1xf32, #tpu.memory_space<vmem>>, vector<1024x1xf32>
    %slice3A = vector.extract_strided_slice %get3A_2 {offsets = [0, 0, 0], sizes = [1, 1024, 64], strides = [1, 1, 1]} : vector<2x1024x64xf32> to vector<1x1024x64xf32>
    %squeeze3A = vector.shape_cast %slice3A : vector<1x1024x64xf32> to vector<1024x64xf32>
    %slice3A_6 = vector.extract_strided_slice %get3A_2 {offsets = [1, 0, 0], sizes = [1, 1024, 64], strides = [1, 1, 1]} : vector<2x1024x64xf32> to vector<1x1024x64xf32>
    %squeeze3A_7 = vector.shape_cast %slice3A_6 : vector<1x1024x64xf32> to vector<1024x64xf32>
    %add3A = arith.addf %squeeze3A, %squeeze3A_7 : vector<1024x64xf32>
    %mul3A = vector.broadcast %get3A_5 : vector<1024x1xf32> to vector<1024x64xf32>
    %mul3A_8 = arith.mulf %mul3A, %add3A : vector<1024x64xf32>
    %get3A_9 = arith.constant 0 : index
    %get3A_10 = arith.constant 0 : index
    %get3A_11 = vector.load %arg3[%get3A_9, %get3A_10] : memref<1x64xf32, #tpu.memory_space<vmem>>, vector<1x64xf32>
    %add3A_12 = vector.broadcast %get3A_11 : vector<1x64xf32> to vector<1024x64xf32>
    %add3A_13 = arith.addf %mul3A_8, %add3A_12 : vector<1024x64xf32>
    %swap3A = arith.constant 0 : index
    %swap3A_14 = arith.constant 0 : index
    %swap3A_15 = vector.load %arg4[%swap3A, %swap3A_14] : memref<1024x64xf32, #tpu.memory_space<vmem>>, vector<1024x64xf32>
    tpu.vector_store %arg4[%swap3A, %swap3A_14], %add3A_13 {strides = array<i32>} : memref<1024x64xf32, #tpu.memory_space<vmem>>, vector<1024x64xf32>,
    return
  }
  func.func @transform_0(%arg0: i32) -> (i32, i32, i32) {
    %c0_i32 = arith.constant 0 : i32
    %c0_i32_0 = arith.constant 0 : i32
    %c0_i32_1 = arith.constant 0 : i32
    return %c0_i32, %arg0, %c0_i32_0 : i32, i32, i32
  }
  func.func @transform_1(%arg0: i32) -> (i32, i32) {
    %c0_i32 = arith.constant 0 : i32
    %c0_i32_0 = arith.constant 0 : i32
    return %arg0, %c0_i32 : i32, i32
  }
  func.func @transform_2(%arg0: i32) -> (i32, i32) {
    %c0_i32 = arith.constant 0 : i32
    %c0_i32_0 = arith.constant 0 : i32
    %c0_i32_1 = arith.constant 0 : i32
    return %c0_i32, %c0_i32_0 : i32, i32
  }
  func.func @transform_3(%arg0: i32) -> (i32, i32) {
    %c0_i32 = arith.constant 0 : i32
    %c0_i32_0 = arith.constant 0 : i32
    return %arg0, %c0_i32 : i32, i32
  }
}

</mosaic_0001>

<sc_bundles>
// kernel: kernel.10.cloned.1.call-start
scs
__scs_entry_jumppad:
0x0: {  	(pc) =	sbr.rel $0x88, $3  }
0x1: {  	(tag) =	ssettag $0x0;
	lr =	simm.s32 $0x1  }
0x2: {  	[smem:$0x3F99] =	sst lr;
	_ =	strace $0xD0000000  }
0x3: {  	_ = 	snop  }
0x4: {  	_ = 	snop  }
0x5: {  	_ = 	snop  }
0x6: {  	_ = 	snop  }
0x7: {  	_ = 	snop  }
__scs_overlays_trampoline_lowered:
0x8: {  	[smem:$0x3FA8] =	sst s0  }
0x9: {  	[smem:$0x3FA9] =	sst s1  }
0xa: {  	[smem:$0x3FAA] =	sst s2  }
0xb: {  	[smem:$0x3FAB] =	sst s3  }
0xc: {  	[smem:$0x3FAC] =	sst s4  }
0xd: {  	[smem:$0x3FAD] =	sst s5  }
0xe: {  	[smem:$0x3FAE] =	sst s6  }
0xf: {  	[smem:$0x3FAF] =	sst s7  }
0x10: {  	[smem:$0x3FB0] =	sst s8  }
0x11: {  	[smem:$0x3FB1] =	sst s9;
	s0 =	simm.s32 @!p0 $0x0  }
0x12: {  	s1 =	sld [smem:$0x3F97];
	s0 =	simm.s32 @p0 $0x1  }
0x13: {  	[smem:$0x3FB2] =	sst s0;
	s0 =	simm.s32 @!p1 $0x0  }
0x14: {  	s2 =	sld [smem:$0x3F96];
	s0 =	simm.s32 @p1 $0x1  }
0x15: {  	[smem:$0x3FB3] =	sst s0;
	s0 =	simm.s32 @!p2 $0x0  }
0x16: {  	s3 =	sld [smem:$0x3FDB];
	s0 =	simm.s32 @p2 $0x1  }
0x17: {  	s4 =	simm.s32 $0x1BF5;
	[smem:$0x3FB5] =	sst s0  }
0x18: {  	s0 =	sld [smem:$0x3F98];
	_ =	swait.ge [sflag:s4], $0x0  }
0x19: {  	s7 =	sld [smem:$0x3F99]  }
0x1a: {  	s8 =	sadd.s32 $0xFFFFE003, lr  }
0x1b: {  	s9 =	sadd.s32 $0xFFFFFEF7, lr;
	s5 =	simm.s32 $0xFFFFFFFF;
	p2 =	slt.u32 s8, $0xFFFFF086  }
0x1c: {  	p1 =	slt.u32 s9, $0xF7A;
	s5 =	simm.s32 @!p2 $0x0  }
0x1d: {  	s5 =	simm.s32 @p1 $0x1;
	p0 =	seq.s32 s7, s2  }
0x1e: {  	s7 =	smul.u32 @!p0 $0xF7A, s2;
	p2 =	seq.s32 @!p0 s5, $0x0  }
0x1f: {  	s9 =	smul.u32 $0xF7A, s1;
	s8 =	simm.s32 @!p0 $0x1BF5;
	p2 =	por !p2, p0  }
0x20: {  	[sflag:s8] =	ssyncset.s32 @!p0 $0xFFFFF086;
	s6 =	sadd.s32 @!p0 s3, s7;
	s7 =	simm.s32 @!p0 $0x108  }
0x21: {  	s3 =	sadd.s32 s3, s9;
	s6 =	sadd.s32 @!p0 $0x88, s6;
	s7 =	simm.s32 @p2 $0x1082  }
0x22: {  	[simem:s7], [sflag:s8] =	dma.local @!p0 [hbm:s6], $0xF7A  }
0x23: {  	s9 =	sor.u32 $0xD0000000, s2;
	s6 =	simm.s32 $0x108;
	_ =	swait.ge @!p0 [sflag:s8], $0x0  }
0x24: {  	s3 =	sadd.s32 $0x88, s3;
	s6 =	simm.s32 @!p1 $0x1082;
	[sflag:s4] =	ssyncset.s32 $0xFFFFF086  }
0x25: {  	[simem:s6], [sflag:s4] =	dma.local [hbm:s3], $0xF7A  }
0x26: {  	[smem:$0x3F99] =	sst s1;
	(tag) =	ssettag s2;
	_ =	strace s9  }
0x27: {  	s1 =	sld [smem:$0x3FA9]  }
0x28: {  	s2 =	sld [smem:$0x3FAA]  }
0x29: {  	s4 =	sld [smem:$0x3FAC]  }
0x2a: {  	p0 =	seq.s32 s5, $0x0;
	s5 =	sld [smem:$0x3FAD]  }
0x2b: {  	s6 =	sld [smem:$0x3FAE]  }
0x2c: {  	s7 =	sld [smem:$0x3FAF]  }
0x2d: {  	s3 =	simm.s32 $0x108;
	s8 =	sld [smem:$0x3FB0]  }
0x2e: {  	s3 =	simm.s32 @!p0 $0x1082;
	s9 =	sld [smem:$0x3FB1]  }
0x2f: {  	lr =	sadd.s32 s0, s3;
	s0 =	sld [smem:$0x3FA8]  }
0x30: {  	s3 =	sld [smem:$0x3FAB]  }
0x31: {  	[smem:$0x3FB4] =	sst s10  }
0x32: {  	s10 =	sld [smem:$0x3FB2];
	_ =	sdelay $0x3  }
0x33: {  	p0 =	seq.s32 s10, $0x1;
	s10 =	sld [smem:$0x3FB4];
	_ =	sdelay $0x3  }
0x34: {  	[smem:$0x3FB4] =	sst s10  }
0x35: {  	s10 =	sld [smem:$0x3FB3];
	_ =	sdelay $0x3  }
0x36: {  	p1 =	seq.s32 s10, $0x1;
	s10 =	sld [smem:$0x3FB4];
	_ =	sdelay $0x3  }
0x37: {  	[smem:$0x3FB4] =	sst s10  }
0x38: {  	s10 =	sld [smem:$0x3FB5]  }
0x39: {  	_ = 	snop;
	(pc) =	sbr.ind lr, $3  }
0x3a: {  	_ = 	snop  }
0x3b: {  	_ = 	snop  }
0x3c: {  	p2 =	seq.s32 s10, $0x1;
	s10 =	sld [smem:$0x3FB4]  }
0x3d: {  	_ =	shalt  }
0x3e: {  	_ =	shalt  }
0x3f: {  	_ =	shalt  }
0x40: {  	_ =	shalt  }
0x41: {  	_ =	shalt  }
0x42: {  	_ =	shalt  }
0x43: {  	_ =	shalt  }
0x44: {  	_ =	shalt  }
0x45: {  	_ =	shalt  }
0x46: {  	_ =	shalt  }
0x47: {  	_ =	shalt  }
0x48: {  	_ =	shalt  }
0x49: {  	_ =	shalt  }
0x4a: {  	_ =	shalt  }
0x4b: {  	_ =	shalt  }
0x4c: {  	_ =	shalt  }
0x4d: {  	_ =	shalt  }
0x4e: {  	_ =	shalt  }
0x4f: {  	_ =	shalt  }
0x50: {  	_ =	shalt  }
0x51: {  	_ =	shalt  }
0x52: {  	_ =	shalt  }
0x53: {  	_ =	shalt  }
0x54: {  	_ =	shalt  }
0x55: {  	_ =	shalt  }
0x56: {  	_ =	shalt  }
0x57: {  	_ =	shalt  }
0x58: {  	_ =	shalt  }
0x59: {  	_ =	shalt  }
0x5a: {  	_ =	shalt  }
0x5b: {  	_ =	shalt  }
0x5c: {  	_ =	shalt  }
0x5d: {  	_ =	shalt  }
0x5e: {  	_ =	shalt  }
0x5f: {  	_ =	shalt  }
0x60: {  	_ =	shalt  }
0x61: {  	_ =	shalt  }
0x62: {  	_ =	shalt  }
0x63: {  	_ =	shalt  }
0x64: {  	_ =	shalt  }
0x65: {  	_ =	shalt  }
0x66: {  	_ =	shalt  }
0x67: {  	_ =	shalt  }
0x68: {  	_ =	shalt  }
0x69: {  	_ =	shalt  }
0x6a: {  	_ =	shalt  }
0x6b: {  	_ =	shalt  }
0x6c: {  	_ =	shalt  }
0x6d: {  	_ =	shalt  }
0x6e: {  	_ =	shalt  }
0x6f: {  	_ =	shalt  }
0x70: {  	_ =	shalt  }
0x71: {  	_ =	shalt  }
0x72: {  	_ =	shalt  }
0x73: {  	_ =	shalt  }
0x74: {  	_ =	shalt  }
0x75: {  	_ =	shalt  }
0x76: {  	_ =	shalt  }
0x77: {  	_ =	shalt  }
0x78: {  	_ =	shalt  }
0x79: {  	_ =	shalt  }
0x7a: {  	_ =	shalt  }
0x7b: {  	_ =	shalt  }
0x7c: {  	_ =	shalt  }
0x7d: {  	_ =	shalt  }
0x7e: {  	_ =	shalt  }
0x7f: {  	_ =	shalt  }
0x80: {  	_ =	shalt  }
0x81: {  	_ =	shalt  }
0x82: {  	_ =	shalt  }
0x83: {  	_ =	shalt  }
0x84: {  	_ =	shalt  }
0x85: {  	_ =	shalt  }
0x86: {  	_ =	shalt  }
0x87: {  	_ =	shalt  }
.Lfunc_end0:
.L_simem_size_0:
called_computation_lowered:
.L_overlay_start_0:
0x88: {  	s2 =	sld [smem:$0x3FD9]  }
0x89: {  	s3 =	sld [smem:$0x3FFE];
	_ =	sdelay $0x1  }
0x8a: {  	s1 =	srdreg.scid  }
0x8b: {  	s0 =	sand.u32 $0x1, s1  }
0x8c: {  	s16 =	sshll.u32 s0, $0xA;
	s2 =	sadd.s32 s3, s2  }
0x8d: {  	s2 =	sadd.s32 s2, s16  }
0x8e: {  	[smem:$0x3FC0] =	sst s2  }
0x8f: {  	_ = 	snop  }
0x90: {  	(tm) =	ssettm $0x1  }
0x91: {  	s17 =	sld [smem:$0x3FFB];
	_ =	sdelay $0x3  }
0x92: {  	_ =	strace s17  }
0x93: {  	s2 =	sld [smem:$0x3FFC];
	_ =	sdelay $0x3  }
0x94: {  	_ =	strace s2  }
0x95: {  	s2 =	sld [smem:$0x3FFD];
	_ =	sdelay $0x3  }
0x96: {  	_ =	strace s2  }
0x97: {  	_ =	strace $0x8FFFFFFF  }
0x98: {  	s18 =	sld [smem:$0x3FDB];
	_ =	sdelay $0x1  }
0x99: {  	s19 =	simm.s32 $_scs_section_size  }
0x9a: {  	s4 =	simm.s32 $_size__tile_overlayer_lowered;
	s5 =	simm.s32 $_tile_overlayer_lowered  }
0x9b: {  	s22 =	simm.s32 $0x1BFF;
	s21 =	sshll.u32 s5, $0x1;
	s2 =	sadd.s32 s19, s18  }
0x9c: {  	s6 =	simm.s32 $0x0;
	s20 =	sshll.u32 s4, $0x1;
	s4 =	sadd.s32 s21, s2  }
0x9d: {  	[timem:s6], [sflag:s22] =	dma.local [hbm:s4], s20  }
0x9e: {  	_ =	swait.ge [sflag:s22], s20  }
0x9f: {  	s3 =	ssub.s32 $0x0, s20;
	[sflag:s22] =	ssyncset.done $0x0  }
0xa0: {  	[sflag:s22] =	ssyncadd.s32 s3;
	_ =	sdelay $0x1  }
0xa1: {  	s23 =	simm.s32 $0x1B8B  }
0xa2: {  	_ =	swait.ge [sflag:s23], $0x1  }
0xa3: {  	[sflag:s23] =	ssyncset.done $0x0  }
0xa4: {  	s25 =	simm.s32 $0x1B8E;
	s24 =	sld [smem:$0x3FFE];
	[sflag:s23] =	ssyncadd.s32 $0xFFFFFFFF  }
0xa5: {  	s26 =	simm.s32 $execute0_lowered;
	[smem:$0x3FD2] =	sst s25  }
0xa6: {  	s4 =	sshll.u32 s26, $0x1;
	_ =	strace $0x80000046;
	[dreg:$0x1] =	wrdreg $0xFFFFFFFF  }
0xa7: {  	s28 =	simm.s32 $_size_execute0_lowered;
	s2 =	sadd.s32 s2, s4;
	[dreg:$0x0] =	wrdreg $0x0  }
0xa8: {  	s4 =	sshll.u32 s28, $0x1;
	[dreg:$0x2] =	wrdreg s2  }
0xa9: {  	[dreg:$0x3] =	wrdreg s4  }
0xaa: {  	[dreg:$0x4] =	wrdreg $0xC0  }
0xab: {  	_ =	task [dreg:s6], $0x5FFFF  }
0xac: {  	[dreg:$0x1] =	wrdreg $0xFFFFFFFF  }
0xad: {  	[dreg:$0x0] =	wrdreg $0x60  }
0xae: {  	[dreg:$0x2] =	wrdreg s24  }
0xaf: {  	[dreg:$0x3] =	wrdreg $0x30000  }
0xb0: {  	[dreg:$0x4] =	wrdreg $0x9  }
0xb1: {  	_ =	task.clear_ibuf [dreg:s6], $0x5FFFF;
	_ =	strace $0x90000046  }
0xb2: {  	s29 =	simm.s32 $0x9;
	_ =	strace $0x80000048  }
0xb3: {  	_ =	swait.ge [sflag:s29], $0x1  }
0xb4: {  	[sflag:s29] =	ssyncadd.s32 $0xFFFFFFFF  }
0xb5: {  	_ =	strace $0x90000048  }
0xb6: {  	_ =	sfence  }
0xb7: {  	s30 =	sld [smem:$0x0];
	_ =	sdelay $0x2  }
0xb8: {  	s31 =	sshll.u32 s1, $0xD;
	s1 =	sshrl.u32 s1, $0x2  }
0xb9: {  	s3 =	sand.u32 $0x4000, s31;
	s1 =	sadd.s32 s1, s30  }
0xba: {  	s0 =	sor.u32 s3, s0;
	s1 =	sshll.u32 s1, $0x11  }
0xbb: {  	s0 =	sor.u32 s1, s0  }
0xbc: {  	s0 =	sadd.s32 $0x8F2B, s0  }
0xbd: {  	[sflag:s0] =	ssyncadd.remote.s32 $0x1  }
0xbe: {  	_ =	sfence.sel $0xFFFF  }
0xbf: {  	[dreg:$0x0] =	wrdreg $0xFFFFFFFF;
	(pc) =	sbr.abs _section_cstart, $3  }
0xc0: {  	[dreg:$0x1] =	wrdreg $0xFFFFFFFF  }
0xc1: {  	_ =	task.clear_ibuf [dreg:s6], $0x2FFFF;
	_ =	strace $0x9FFFFFFF  }
0xc2: {  	(tm) =	ssettm $0x7FFFFFFF  }
0xc3: {  	_ =	shalt  }
tec
execute0_lowered:
.L_overlay_start_1:
0x0: {  	(tag) =	ssettag $0x1  }
0x1: {  	s6 =	rddreg [dreg:$0x0]  }
0x2: {  	s1 =	srdreg.scid;
	s0 =	stileid.u32  }
0x3: {  	s2 =	rddreg [dreg:$0x1];
	s3 =	simm.s32 $0x0;
	s21 =	simm.s32 $0x0  }
0x4: {  	s7 =	sand.u32 $0x1, s1;
	s4 =	sshll.u32 s0, $0x1;
	s1 =	rddreg [dreg:$0x2]  }
0x5: {  	[smem:$0x7FF] =	sst s3;
	s10 =	smul.u32 $0x2800, s0;
	s5 =	sadd.s32 $0xCA00, s6  }
0x6: {  	s16 =	sadd.s32 $0xCE00, s6;
	s4 =	sor.u32 s7, s4;
	s15 =	smul.u32 $0x28000, s7  }
0x7: {  	_ =	strace $0x80000047;
	s8 =	ssub.s32 $0x2, s7;
	s4 =	smul.u32 $0x500, s4  }
0x8: {  	s9 =	sshrl.u32 s8, $0x1;
	s12 =	sadd.s32 $0x800, s10;
	s14 =	sadd.s32 $0x1000, s10  }
0x9: {  	s18 =	sadd.s32 $0x1800, s10;
	s19 =	sadd.s32 $0x2000, s10;
	s17 =	ssub.s32 s8, s9  }
0xa: {  	s7 =	sadd.s32 s12, s2;
	s8 =	sadd.s32 s14, s2;
	s9 =	sadd.s32 s18, s2  }
0xb: {  	s13 =	sadd.s32 s10, s15;
	s20 =	sadd.s32 s15, s12;
	s14 =	sadd.s32 s15, s14  }
0xc: {  	s18 =	sadd.s32 s15, s18;
	s11 =	sadd.s32 s4, s6;
	s4 =	sadd.s32 $0xCC00, s6  }
0xd: {  	s6 =	sadd.s32 s10, s2;
	s10 =	sadd.s32 s19, s2;
	s13 =	sshrl.u32 s13, $0x3  }
0xe: {  	s30 =	sshrl.u32 s20, $0x3;
	s14 =	sshrl.u32 s14, $0x3;
	s18 =	sshrl.u32 s18, $0x3  }
0xf: {  	s19 =	sadd.s32 s15, s19;
	s17 =	smax.u32 s17, $0x1;
	s20 =	simm.s32 $0x80  }
0x10: {  	s11 =	sadd.s32 $0x2A00, s11;
	s12 =	sadd.s32 s16, s13;
	s13 =	sadd.s32 s16, s30  }
0x11: {  	s14 =	sadd.s32 s16, s14;
	s15 =	sadd.s32 s16, s18;
	s31 =	sshrl.u32 s19, $0x3  }
0x12: {  	s18 =	simm.s32 $0x2800;
	s19 =	simm.s32 $0x1;
	s16 =	sadd.s32 s16, s31  }
.LBB2_1:
0x13: {  	[tilespmem:s18], [sflag:$0x1] =	stream.linear.gather [hbm4b:s4+s3], $0x800, $0x38;
	[tilespmem:$0x5800] =	vst v63  }
0x14: {  	_ =	swait.ge [sflag:s19], $0x800  }
0x15: {  	[sflag:s19] =	ssyncset.done $0x0  }
0x16: {  	[sflag:s19] =	ssyncadd.s32 $0xFFFFF800  }
0x17: {  	[spmem:s6] =	stream.linear.scatter [tilespmem:s18], [sflag:$0x1], $0x800, $0x38;
	[tilespmem:$0x5800] =	vst v63  }
0x18: {  	_ =	swait.ge [sflag:s19], $0x800  }
0x19: {  	[sflag:s19] =	ssyncset.done $0x0  }
0x1a: {  	[sflag:s19] =	ssyncadd.s32 $0xFFFFF800  }
0x1b: {  	[spmem:s7] =	stream.linear.scatter [tilespmem:s18], [sflag:$0x1], $0x800, $0x38;
	[tilespmem:$0x5800] =	vst v63  }
0x1c: {  	_ =	swait.ge [sflag:s19], $0x800  }
0x1d: {  	[sflag:s19] =	ssyncset.done $0x0  }
0x1e: {  	[sflag:s19] =	ssyncadd.s32 $0xFFFFF800  }
0x1f: {  	[spmem:s8] =	stream.linear.scatter [tilespmem:s18], [sflag:$0x1], $0x800, $0x38;
	[tilespmem:$0x5800] =	vst v63  }
0x20: {  	_ =	swait.ge [sflag:s19], $0x800  }
0x21: {  	[sflag:s19] =	ssyncset.done $0x0  }
0x22: {  	[sflag:s19] =	ssyncadd.s32 $0xFFFFF800  }
0x23: {  	[spmem:s9] =	stream.linear.scatter [tilespmem:s18], [sflag:$0x1], $0x800, $0x38;
	[tilespmem:$0x5800] =	vst v63  }
0x24: {  	_ =	swait.ge [sflag:s19], $0x800  }
0x25: {  	[sflag:s19] =	ssyncset.done $0x0  }
0x26: {  	[sflag:s19] =	ssyncadd.s32 $0xFFFFF800  }
0x27: {  	[spmem:s10] =	stream.linear.scatter [tilespmem:s18], [sflag:$0x1], $0x800, $0x38;
	[tilespmem:$0x5800] =	vst v63  }
0x28: {  	_ =	swait.ge [sflag:s19], $0x800  }
0x29: {  	[sflag:s19] =	ssyncset.done $0x0  }
0x2a: {  	[sflag:s19] =	ssyncadd.s32 $0xFFFFF800  }
0x2b: {  	[tilespmem:s3], [sflag:$0x1] =	stream.linear.gather [hbm4b:s11+s3], $0x2800, $0x38;
	[tilespmem:$0x5800] =	vst v63  }
0x2c: {  	_ =	swait.ge [sflag:s19], $0x2800  }
0x2d: {  	[sflag:s19] =	ssyncset.done $0x0  }
0x2e: {  	[sflag:s19] =	ssyncadd.s32 $0xFFFFD800  }
0x2f: {  	[tilespmem:s18], [sflag:$0x1] =	stream.linear.gather [hbm4b:s5+s3], $0x800, $0x38;
	[tilespmem:$0x5800] =	vst v63  }
0x30: {  	_ =	swait.ge [sflag:s19], $0x800  }
0x31: {  	[sflag:s19] =	ssyncset.done $0x0  }
0x32: {  	[sflag:s19] =	ssyncadd.s32 $0xFFFFF800  }
0x33: {  	s22 =	simm.s32 $0x0;
	[bflag:$0x0] =	sbarrier.arrive $0xFFFF  }
0x34: {  	[spmem:s2] =	stream.indirect.scatter.add.f32 [tilespmem:s18], [sflag:$0x1], $0x10, s22, s20, $0xb8;
	[tilespmem:$0x5800] =	vst v63  }
0x35: {  	_ =	swait.ge [sflag:s19], $0x800  }
0x36: {  	s22 =	simm.s32 $0x200;
	[sflag:s19] =	ssyncset.done $0x0  }
.LBB2_2:
0x37: {  	s23 =	sshra.s32 s22, $0x2;
	[sflag:s19] =	ssyncadd.s32 $0xFFFFF800;
	p0 =	sne.s32 s22, $0x9E00  }
0x38: {  	[spmem:s2] =	stream.indirect.scatter.add.f32 [tilespmem:s18], [sflag:$0x1], $0x10, s23, s20, $0xb8;
	[tilespmem:$0x5800] =	vst v63  }
.Ltmp0:
0x39: {  	_ = 	snop;
	(pc) =	sbr.rel @p0 .LBB2_2-.Ltmp0, $4  }
0x3a: {  	_ = 	snop  }
0x3b: {  	s22 =	sadd.s32 $0x200, s22  }
0x3c: {  	_ =	swait.ge [sflag:s19], $0x800  }
0x3d: {  	[sflag:s19] =	ssyncset.done $0x0  }
0x3e: {  	[sflag:s19] =	ssyncadd.s32 $0xFFFFF800  }
0x3f: {  	[bflag:$0x0] =	sbarrier.arrive $0xFFFF  }
0x40: {  	[tilespmem:s18], [sflag:$0x1] =	stream.linear.gather [spmem:s6], $0x800, $0x38;
	[tilespmem:$0x5800] =	vst v63  }
0x41: {  	_ =	swait.ge [sflag:s19], $0x800  }
0x42: {  	[sflag:s19] =	ssyncset.done $0x0  }
0x43: {  	[sflag:s19] =	ssyncadd.s32 $0xFFFFF800  }
0x44: {  	[hbm4b:s12+s3] =	stream.linear.scatter [tilespmem:s18], [sflag:$0x1], $0x800, $0x38;
	[tilespmem:$0x5800] =	vst v63  }
0x45: {  	_ =	swait.ge [sflag:s19], $0x800  }
0x46: {  	[sflag:s19] =	ssyncset.done $0x0  }
0x47: {  	[sflag:s19] =	ssyncadd.s32 $0xFFFFF800  }
0x48: {  	[tilespmem:s18], [sflag:$0x1] =	stream.linear.gather [spmem:s7], $0x800, $0x38;
	[tilespmem:$0x5800] =	vst v63  }
0x49: {  	_ =	swait.ge [sflag:s19], $0x800  }
0x4a: {  	[sflag:s19] =	ssyncset.done $0x0  }
0x4b: {  	[sflag:s19] =	ssyncadd.s32 $0xFFFFF800  }
0x4c: {  	[hbm4b:s13+s3] =	stream.linear.scatter [tilespmem:s18], [sflag:$0x1], $0x800, $0x38;
	[tilespmem:$0x5800] =	vst v63  }
0x4d: {  	_ =	swait.ge [sflag:s19], $0x800  }
0x4e: {  	[sflag:s19] =	ssyncset.done $0x0  }
0x4f: {  	[sflag:s19] =	ssyncadd.s32 $0xFFFFF800  }
0x50: {  	[tilespmem:s18], [sflag:$0x1] =	stream.linear.gather [spmem:s8], $0x800, $0x38;
	[tilespmem:$0x5800] =	vst v63  }
0x51: {  	_ =	swait.ge [sflag:s19], $0x800  }
0x52: {  	[sflag:s19] =	ssyncset.done $0x0  }
0x53: {  	[sflag:s19] =	ssyncadd.s32 $0xFFFFF800  }
0x54: {  	[hbm4b:s14+s3] =	stream.linear.scatter [tilespmem:s18], [sflag:$0x1], $0x800, $0x38;
	[tilespmem:$0x5800] =	vst v63  }
0x55: {  	_ =	swait.ge [sflag:s19], $0x800  }
0x56: {  	[sflag:s19] =	ssyncset.done $0x0  }
0x57: {  	[sflag:s19] =	ssyncadd.s32 $0xFFFFF800  }
0x58: {  	[tilespmem:s18], [sflag:$0x1] =	stream.linear.gather [spmem:s9], $0x800, $0x38;
	[tilespmem:$0x5800] =	vst v63  }
0x59: {  	_ =	swait.ge [sflag:s19], $0x800  }
0x5a: {  	[sflag:s19] =	ssyncset.done $0x0  }
0x5b: {  	[sflag:s19] =	ssyncadd.s32 $0xFFFFF800  }
0x5c: {  	[hbm4b:s15+s3] =	stream.linear.scatter [tilespmem:s18], [sflag:$0x1], $0x800, $0x38;
	[tilespmem:$0x5800] =	vst v63  }
0x5d: {  	_ =	swait.ge [sflag:s19], $0x800  }
0x5e: {  	[sflag:s19] =	ssyncset.done $0x0  }
0x5f: {  	[sflag:s19] =	ssyncadd.s32 $0xFFFFF800  }
0x60: {  	[tilespmem:s18], [sflag:$0x1] =	stream.linear.gather [spmem:s10], $0x800, $0x38;
	[tilespmem:$0x5800] =	vst v63  }
0x61: {  	s21 =	sadd.s32 $0x1, s21;
	_ =	swait.ge [sflag:s19], $0x800  }
0x62: {  	p0 =	sne.s32 s21, s17;
	[sflag:s19] =	ssyncset.done $0x0  }
.Ltmp1:
0x63: {  	[sflag:s19] =	ssyncadd.s32 $0xFFFFF800;
	(pc) =	sbr.rel @p0 .LBB2_1-.Ltmp1, $4  }
0x64: {  	[hbm4b:s16+s3] =	stream.linear.scatter [tilespmem:s18], [sflag:$0x1], $0x800, $0x38;
	[tilespmem:$0x5800] =	vst v63  }
0x65: {  	_ =	swait.ge [sflag:s19], $0x800  }
0x66: {  	[sflag:s19] =	ssyncset.done $0x0  }
0x67: {  	[sflag:s19] =	ssyncadd.s32 $0xFFFFF800  }
0x68: {  	_ =	sfence.sel $0x180000  }
0x69: {  	[bflag:$0x0] =	sbarrier.arrive $0xFFFF  }
0x6a: {  	p0 =	sne.s32 s0, $0x0;
	_ =	strace $0x90000047  }
0x6b: {  	s0 =	sadd.s32 @!p0 $0x100000, s1;
	[bflag:$0x2] =	sbarrier.arrive $0xFFFF  }
0x6c: {  	[sflag:s0] =	ssyncadd.tile.s32 @!p0 $0x1;
	_ =	shalt  }
.Lfunc_end2:
_tile_overlayer_lowered:
.L_overlay_start_2:
0x6d: {  	(tag) =	ssettag $0x2  }
0x6e: {  	s0 =	rddreg [dreg:$0x0];
	s2 =	stileid.u32  }
0x6f: {  	s1 =	rddreg [dreg:$0x1];
	p0 =	sne.s32 s2, $0x0  }
0x70: {  	s3 =	rddreg [dreg:$0x2];
	[bflag:$0x3] =	sbarrier.arrive $0xFFFF;
	s2 =	simm.s32 @!p0 $0x1C01  }
0x71: {  	[timem:s3], [sflag:s2] =	dma.local @!p0 [hbm:s0], s1  }
0x72: {  	s0 =	simm.s32 @!p0 $0x1  }
0x73: {  	_ =	swait.ge @!p0 [sflag:s0], s1  }
0x74: {  	s1 =	ssub.s32 @!p0 $0x0, s1;
	[sflag:s0] =	ssyncset.done @!p0 $0x0  }
0x75: {  	[sflag:s0] =	ssyncadd.s32 @!p0 s1  }
0x76: {  	[bflag:$0x3] =	sbarrier.arrive $0xFFFF  }
0x77: {  	_ =	shalt  }

// kernel: kernel.13.cloned.1.call-start
scs
__scs_entry_jumppad:
0x0: {  	(pc) =	sbr.rel $0x88, $3  }
0x1: {  	(tag) =	ssettag $0x0;
	lr =	simm.s32 $0x1  }
0x2: {  	[smem:$0x3F99] =	sst lr;
	_ =	strace $0xD0000000  }
0x3: {  	_ = 	snop  }
0x4: {  	_ = 	snop  }
0x5: {  	_ = 	snop  }
0x6: {  	_ = 	snop  }
0x7: {  	_ = 	snop  }
__scs_overlays_trampoline_lowered:
0x8: {  	[smem:$0x3FA8] =	sst s0  }
0x9: {  	[smem:$0x3FA9] =	sst s1  }
0xa: {  	[smem:$0x3FAA] =	sst s2  }
0xb: {  	[smem:$0x3FAB] =	sst s3  }
0xc: {  	[smem:$0x3FAC] =	sst s4  }
0xd: {  	[smem:$0x3FAD] =	sst s5  }
0xe: {  	[smem:$0x3FAE] =	sst s6  }
0xf: {  	[smem:$0x3FAF] =	sst s7  }
0x10: {  	[smem:$0x3FB0] =	sst s8  }
0x11: {  	[smem:$0x3FB1] =	sst s9;
	s0 =	simm.s32 @!p0 $0x0  }
0x12: {  	s1 =	sld [smem:$0x3F97];
	s0 =	simm.s32 @p0 $0x1  }
0x13: {  	[smem:$0x3FB2] =	sst s0;
	s0 =	simm.s32 @!p1 $0x0  }
0x14: {  	s2 =	sld [smem:$0x3F96];
	s0 =	simm.s32 @p1 $0x1  }
0x15: {  	[smem:$0x3FB3] =	sst s0;
	s0 =	simm.s32 @!p2 $0x0  }
0x16: {  	s3 =	sld [smem:$0x3FDB];
	s0 =	simm.s32 @p2 $0x1  }
0x17: {  	s4 =	simm.s32 $0x1BF5;
	[smem:$0x3FB5] =	sst s0  }
0x18: {  	s0 =	sld [smem:$0x3F98];
	_ =	swait.ge [sflag:s4], $0x0  }
0x19: {  	s7 =	sld [smem:$0x3F99]  }
0x1a: {  	s8 =	sadd.s32 $0xFFFFE003, lr  }
0x1b: {  	s9 =	sadd.s32 $0xFFFFFEF7, lr;
	s5 =	simm.s32 $0xFFFFFFFF;
	p2 =	slt.u32 s8, $0xFFFFF086  }
0x1c: {  	p1 =	slt.u32 s9, $0xF7A;
	s5 =	simm.s32 @!p2 $0x0  }
0x1d: {  	s5 =	simm.s32 @p1 $0x1;
	p0 =	seq.s32 s7, s2  }
0x1e: {  	s7 =	smul.u32 @!p0 $0xF7A, s2;
	p2 =	seq.s32 @!p0 s5, $0x0  }
0x1f: {  	s9 =	smul.u32 $0xF7A, s1;
	s8 =	simm.s32 @!p0 $0x1BF5;
	p2 =	por !p2, p0  }
0x20: {  	[sflag:s8] =	ssyncset.s32 @!p0 $0xFFFFF086;
	s6 =	sadd.s32 @!p0 s3, s7;
	s7 =	simm.s32 @!p0 $0x108  }
0x21: {  	s3 =	sadd.s32 s3, s9;
	s6 =	sadd.s32 @!p0 $0x88, s6;
	s7 =	simm.s32 @p2 $0x1082  }
0x22: {  	[simem:s7], [sflag:s8] =	dma.local @!p0 [hbm:s6], $0xF7A  }
0x23: {  	s9 =	sor.u32 $0xD0000000, s2;
	s6 =	simm.s32 $0x108;
	_ =	swait.ge @!p0 [sflag:s8], $0x0  }
0x24: {  	s3 =	sadd.s32 $0x88, s3;
	s6 =	simm.s32 @!p1 $0x1082;
	[sflag:s4] =	ssyncset.s32 $0xFFFFF086  }
0x25: {  	[simem:s6], [sflag:s4] =	dma.local [hbm:s3], $0xF7A  }
0x26: {  	[smem:$0x3F99] =	sst s1;
	(tag) =	ssettag s2;
	_ =	strace s9  }
0x27: {  	s1 =	sld [smem:$0x3FA9]  }
0x28: {  	s2 =	sld [smem:$0x3FAA]  }
0x29: {  	s4 =	sld [smem:$0x3FAC]  }
0x2a: {  	p0 =	seq.s32 s5, $0x0;
	s5 =	sld [smem:$0x3FAD]  }
0x2b: {  	s6 =	sld [smem:$0x3FAE]  }
0x2c: {  	s7 =	sld [smem:$0x3FAF]  }
0x2d: {  	s3 =	simm.s32 $0x108;
	s8 =	sld [smem:$0x3FB0]  }
0x2e: {  	s3 =	simm.s32 @!p0 $0x1082;
	s9 =	sld [smem:$0x3FB1]  }
0x2f: {  	lr =	sadd.s32 s0, s3;
	s0 =	sld [smem:$0x3FA8]  }
0x30: {  	s3 =	sld [smem:$0x3FAB]  }
0x31: {  	[smem:$0x3FB4] =	sst s10  }
0x32: {  	s10 =	sld [smem:$0x3FB2];
	_ =	sdelay $0x3  }
0x33: {  	p0 =	seq.s32 s10, $0x1;
	s10 =	sld [smem:$0x3FB4];
	_ =	sdelay $0x3  }
0x34: {  	[smem:$0x3FB4] =	sst s10  }
0x35: {  	s10 =	sld [smem:$0x3FB3];
	_ =	sdelay $0x3  }
0x36: {  	p1 =	seq.s32 s10, $0x1;
	s10 =	sld [smem:$0x3FB4];
	_ =	sdelay $0x3  }
0x37: {  	[smem:$0x3FB4] =	sst s10  }
0x38: {  	s10 =	sld [smem:$0x3FB5]  }
0x39: {  	_ = 	snop;
	(pc) =	sbr.ind lr, $3  }
0x3a: {  	_ = 	snop  }
0x3b: {  	_ = 	snop  }
0x3c: {  	p2 =	seq.s32 s10, $0x1;
	s10 =	sld [smem:$0x3FB4]  }
0x3d: {  	_ =	shalt  }
0x3e: {  	_ =	shalt  }
0x3f: {  	_ =	shalt  }
0x40: {  	_ =	shalt  }
0x41: {  	_ =	shalt  }
0x42: {  	_ =	shalt  }
0x43: {  	_ =	shalt  }
0x44: {  	_ =	shalt  }
0x45: {  	_ =	shalt  }
0x46: {  	_ =	shalt  }
0x47: {  	_ =	shalt  }
0x48: {  	_ =	shalt  }
0x49: {  	_ =	shalt  }
0x4a: {  	_ =	shalt  }
0x4b: {  	_ =	shalt  }
0x4c: {  	_ =	shalt  }
0x4d: {  	_ =	shalt  }
0x4e: {  	_ =	shalt  }
0x4f: {  	_ =	shalt  }
0x50: {  	_ =	shalt  }
0x51: {  	_ =	shalt  }
0x52: {  	_ =	shalt  }
0x53: {  	_ =	shalt  }
0x54: {  	_ =	shalt  }
0x55: {  	_ =	shalt  }
0x56: {  	_ =	shalt  }
0x57: {  	_ =	shalt  }
0x58: {  	_ =	shalt  }
0x59: {  	_ =	shalt  }
0x5a: {  	_ =	shalt  }
0x5b: {  	_ =	shalt  }
0x5c: {  	_ =	shalt  }
0x5d: {  	_ =	shalt  }
0x5e: {  	_ =	shalt  }
0x5f: {  	_ =	shalt  }
0x60: {  	_ =	shalt  }
0x61: {  	_ =	shalt  }
0x62: {  	_ =	shalt  }
0x63: {  	_ =	shalt  }
0x64: {  	_ =	shalt  }
0x65: {  	_ =	shalt  }
0x66: {  	_ =	shalt  }
0x67: {  	_ =	shalt  }
0x68: {  	_ =	shalt  }
0x69: {  	_ =	shalt  }
0x6a: {  	_ =	shalt  }
0x6b: {  	_ =	shalt  }
0x6c: {  	_ =	shalt  }
0x6d: {  	_ =	shalt  }
0x6e: {  	_ =	shalt  }
0x6f: {  	_ =	shalt  }
0x70: {  	_ =	shalt  }
0x71: {  	_ =	shalt  }
0x72: {  	_ =	shalt  }
0x73: {  	_ =	shalt  }
0x74: {  	_ =	shalt  }
0x75: {  	_ =	shalt  }
0x76: {  	_ =	shalt  }
0x77: {  	_ =	shalt  }
0x78: {  	_ =	shalt  }
0x79: {  	_ =	shalt  }
0x7a: {  	_ =	shalt  }
0x7b: {  	_ =	shalt  }
0x7c: {  	_ =	shalt  }
0x7d: {  	_ =	shalt  }
0x7e: {  	_ =	shalt  }
0x7f: {  	_ =	shalt  }
0x80: {  	_ =	shalt  }
0x81: {  	_ =	shalt  }
0x82: {  	_ =	shalt  }
0x83: {  	_ =	shalt  }
0x84: {  	_ =	shalt  }
0x85: {  	_ =	shalt  }
0x86: {  	_ =	shalt  }
0x87: {  	_ =	shalt  }
.Lfunc_end0:
.L_simem_size_0:
called_computation.1_lowered:
.L_overlay_start_0:
0x88: {  	s2 =	sld [smem:$0x3FD9]  }
0x89: {  	s3 =	sld [smem:$0x3FFE];
	_ =	sdelay $0x1  }
0x8a: {  	s1 =	srdreg.scid  }
0x8b: {  	s0 =	sand.u32 $0x1, s1  }
0x8c: {  	s17 =	sshll.u32 s0, $0xA;
	s2 =	sadd.s32 s3, s2  }
0x8d: {  	s2 =	sadd.s32 s2, s17  }
0x8e: {  	[smem:$0x3FC0] =	sst s2  }
0x8f: {  	_ = 	snop  }
0x90: {  	s2 =	sld [smem:$0x3FD0];
	(tm) =	ssettm $0x1  }
0x91: {  	s18 =	sld [smem:$0x3FFB];
	_ =	sdelay $0x3  }
0x92: {  	_ =	strace s18  }
0x93: {  	s3 =	sld [smem:$0x3FFC];
	_ =	sdelay $0x3  }
0x94: {  	_ =	strace s3  }
0x95: {  	s3 =	sld [smem:$0x3FFD];
	_ =	sdelay $0x3  }
0x96: {  	_ =	strace s3  }
0x97: {  	_ =	strace $0x8FFFFFFF  }
0x98: {  	s19 =	sld [smem:$0x3FDB];
	_ =	sdelay $0x1  }
0x99: {  	s4 =	simm.s32 $_scs_section_size  }
0x9a: {  	s5 =	simm.s32 $_size__tile_overlayer_lowered;
	s6 =	simm.s32 $_tile_overlayer_lowered  }
0x9b: {  	s22 =	simm.s32 $0x1BFF;
	s21 =	sshll.u32 s6, $0x1;
	s3 =	sadd.s32 s4, s19  }
0x9c: {  	s7 =	simm.s32 $0x0;
	s20 =	sshll.u32 s5, $0x1;
	s5 =	sadd.s32 s21, s3  }
0x9d: {  	[timem:s7], [sflag:s22] =	dma.local [hbm:s5], s20  }
0x9e: {  	_ =	swait.ge [sflag:s22], s20  }
0x9f: {  	s4 =	ssub.s32 $0x0, s20;
	[sflag:s22] =	ssyncset.done $0x0  }
0xa0: {  	[sflag:s22] =	ssyncadd.s32 s4;
	_ =	sdelay $0x1  }
0xa1: {  	s23 =	simm.s32 $0x1B8B  }
0xa2: {  	_ =	swait.ge [sflag:s23], $0x1  }
0xa3: {  	[sflag:s23] =	ssyncset.done $0x0  }
0xa4: {  	s25 =	simm.s32 $0x1B8E;
	s24 =	sld [smem:$0x3FFE];
	[sflag:s23] =	ssyncadd.s32 $0xFFFFFFFF  }
0xa5: {  	s26 =	simm.s32 $execute0_lowered;
	[smem:$0x3FD2] =	sst s25  }
0xa6: {  	s5 =	sshll.u32 s26, $0x1;
	_ =	strace $0x80000049;
	[dreg:$0x1] =	wrdreg $0xFFFFFFFF  }
0xa7: {  	s28 =	simm.s32 $_size_execute0_lowered;
	s3 =	sadd.s32 s3, s5;
	[dreg:$0x0] =	wrdreg $0x0  }
0xa8: {  	s5 =	sshll.u32 s28, $0x1;
	[dreg:$0x2] =	wrdreg s3  }
0xa9: {  	[dreg:$0x3] =	wrdreg s5  }
0xaa: {  	[dreg:$0x4] =	wrdreg $0xC0  }
0xab: {  	_ =	task [dreg:s7], $0x5FFFF  }
0xac: {  	[dreg:$0x1] =	wrdreg $0xFFFFFFFF  }
0xad: {  	[dreg:$0x0] =	wrdreg $0x60  }
0xae: {  	[dreg:$0x2] =	wrdreg s24  }
0xaf: {  	[dreg:$0x3] =	wrdreg s2  }
0xb0: {  	[dreg:$0x4] =	wrdreg $0xA8000  }
0xb1: {  	[dreg:$0x5] =	wrdreg $0x9  }
0xb2: {  	_ =	task.clear_ibuf [dreg:s7], $0x6FFFF;
	_ =	strace $0x90000049  }
0xb3: {  	s29 =	simm.s32 $0x9;
	_ =	strace $0x8000004B  }
0xb4: {  	_ =	swait.ge [sflag:s29], $0x1  }
0xb5: {  	[sflag:s29] =	ssyncadd.s32 $0xFFFFFFFF  }
0xb6: {  	_ =	strace $0x9000004B  }
0xb7: {  	_ =	sfence  }
0xb8: {  	s30 =	sld [smem:$0x0];
	_ =	sdelay $0x2  }
0xb9: {  	s31 =	sshll.u32 s1, $0xD;
	s1 =	sshrl.u32 s1, $0x2  }
0xba: {  	s3 =	sand.u32 $0x4000, s31;
	s1 =	sadd.s32 s1, s30  }
0xbb: {  	s0 =	sor.u32 s3, s0;
	s1 =	sshll.u32 s1, $0x11  }
0xbc: {  	s0 =	sor.u32 s1, s0  }
0xbd: {  	s0 =	sadd.s32 $0x8F2B, s0  }
0xbe: {  	[sflag:s0] =	ssyncadd.remote.s32 $0x1  }
0xbf: {  	_ =	sfence.sel $0xFFFF  }
0xc0: {  	[dreg:$0x0] =	wrdreg $0xFFFFFFFF;
	(pc) =	sbr.abs _section_cstart, $3  }
0xc1: {  	[dreg:$0x1] =	wrdreg $0xFFFFFFFF  }
0xc2: {  	_ =	task.clear_ibuf [dreg:s7], $0x2FFFF;
	_ =	strace $0x9FFFFFFF  }
0xc3: {  	(tm) =	ssettm $0x7FFFFFFF  }
tec
execute0_lowered:
.L_overlay_start_1:
0x0: {  	(tag) =	ssettag $0x1  }
0x1: {  	s0 =	rddreg [dreg:$0x0]  }
0x2: {  	s1 =	rddreg [dreg:$0x1];
	s3 =	srdreg.scid  }
0x3: {  	s20 =	stileid.u32;
	s2 =	rddreg [dreg:$0x2]  }
0x4: {  	s21 =	simm.s32 $0x3;
	s22 =	simm.s32 $0x1400;
	s23 =	simm.s32 $0x80  }
0x5: {  	s24 =	simm.s32 $0x2800;
	s28 =	simm.s32 $0x2;
	s29 =	simm.s32 $0x2700  }
0x6: {  	s30 =	simm.s32 $0x2780;
	s31 =	simm.s32 $0x0;
	s17 =	sand.u32 $0x1, s3  }
0x7: {  	s11 =	smul.u32 $0x14000, s20;
	s3 =	simm.s32 $0x0;
	s4 =	sadd.s32 $0xCA00, s0  }
0x8: {  	s16 =	sadd.s32 $0x2A00, s0;
	s7 =	smul.u32 $0x50000, s20;
	s25 =	sadd.s32 $0x34A00, s0  }
0x9: {  	s9 =	sshll.u32 s20, $0x1;
	s5 =	smul.u32 $0x140000, s17;
	[smem:$0x7FF] =	sst s3  }
0xa: {  	s26 =	ssub.s32 $0x2, s17;
	s9 =	sor.u32 s17, s9;
	p0 =	sne.s32 s17, $0x0  }
0xb: {  	_ =	strace $0x8000004A;
	[dreg:$0x4] =	wrdreg s25;
	s8 =	sshrl.u32 s26, $0x1  }
0xc: {  	s7 =	sshrl.u32 s7, $0x2;
	s13 =	smul.u32 $0x2800, s9;
	s12 =	sshrl.u32 s11, $0x3  }
0xd: {  	s25 =	simm.s32 $0x6800;
	s5 =	sadd.s32 s11, s5;
	s18 =	ssub.s32 s26, s8  }
0xe: {  	s11 =	sadd.s32 s11, s2;
	s12 =	sadd.s32 s4, s12;
	s26 =	simm.s32 $0x1  }
0xf: {  	s6 =	sshrl.u32 s5, $0x3;
	s15 =	sshrl.u32 s13, $0x3;
	s18 =	smax.u32 s18, $0x1  }
0x10: {  	s0 =	sadd.s32 s6, s0;
	s6 =	sadd.s32 s7, s2;
	s13 =	sadd.s32 s1, s15  }
0x11: {  	s14 =	sadd.s32 s16, s15;
	s19 =	sadd.s32 $0x280, s15;
	s7 =	sadd.s32 $0x4000, s6  }
0x12: {  	s8 =	sadd.s32 $0x8000, s6;
	s9 =	sadd.s32 $0xC000, s6;
	s10 =	sadd.s32 $0x10000, s6  }
0x13: {  	s15 =	sadd.s32 s1, s19;
	s17 =	sadd.s32 $0x35200, s0;
	s0 =	sshll.u32 @!p0 s20, $0x6  }
0x14: {  	s16 =	sadd.s32 s16, s19;
	s20 =	sshrl.u32 @!p0 s11, $0x3;
	s19 =	sor.u32 @!p0 $0x1C03, s0  }
.LBB2_1:
0x15: {  	s0 =	simm.s32 @p0 $0x0;
	s1 =	simm.s32 @p0 $0x2800;
	s5 =	rddreg [dreg:$0x4]  }
0x16: {  	[tilespmem:s1], [sflag:$0x3] =	stream.linear.gather @p0 [hbm4b:s5+s0], $0x4000, $0x38;
	[tilespmem:$0x1E800] =	vst v63  }
0x17: {  	s0 =	simm.s32 @p0 $0x3  }
0x18: {  	_ =	swait.ge @p0 [sflag:s0], $0x4000  }
0x19: {  	[sflag:s0] =	ssyncset.done @p0 $0x0  }
0x1a: {  	[sflag:s0] =	ssyncadd.s32 @p0 $0xFFFFC000  }
0x1b: {  	[spmem:s6] =	stream.linear.scatter @p0 [tilespmem:s1], [sflag:$0x3], $0x4000, $0x38;
	[tilespmem:$0x1E800] =	vst v63  }
0x1c: {  	_ =	swait.ge @p0 [sflag:s0], $0x4000  }
0x1d: {  	[sflag:s0] =	ssyncset.done @p0 $0x0  }
0x1e: {  	[sflag:s0] =	ssyncadd.s32 @p0 $0xFFFFC000  }
0x1f: {  	[spmem:s7] =	stream.linear.scatter @p0 [tilespmem:s1], [sflag:$0x3], $0x4000, $0x38;
	[tilespmem:$0x1E800] =	vst v63  }
0x20: {  	_ =	swait.ge @p0 [sflag:s0], $0x4000  }
0x21: {  	[sflag:s0] =	ssyncset.done @p0 $0x0  }
0x22: {  	[sflag:s0] =	ssyncadd.s32 @p0 $0xFFFFC000  }
0x23: {  	[spmem:s8] =	stream.linear.scatter @p0 [tilespmem:s1], [sflag:$0x3], $0x4000, $0x38;
	[tilespmem:$0x1E800] =	vst v63  }
0x24: {  	_ =	swait.ge @p0 [sflag:s0], $0x4000  }
0x25: {  	[sflag:s0] =	ssyncset.done @p0 $0x0  }
0x26: {  	[sflag:s0] =	ssyncadd.s32 @p0 $0xFFFFC000  }
0x27: {  	[spmem:s9] =	stream.linear.scatter @p0 [tilespmem:s1], [sflag:$0x3], $0x4000, $0x38;
	[tilespmem:$0x1E800] =	vst v63  }
0x28: {  	_ =	swait.ge @p0 [sflag:s0], $0x4000  }
0x29: {  	[sflag:s0] =	ssyncset.done @p0 $0x0  }
0x2a: {  	[sflag:s0] =	ssyncadd.s32 @p0 $0xFFFFC000  }
0x2b: {  	[spmem:s10] =	stream.linear.scatter @p0 [tilespmem:s1], [sflag:$0x3], $0x4000, $0x38;
	[tilespmem:$0x1E800] =	vst v63  }
0x2c: {  	_ =	swait.ge @p0 [sflag:s0], $0x4000  }
0x2d: {  	[sflag:s0] =	ssyncset.done @p0 $0x0  }
0x2e: {  	[sflag:s0] =	ssyncadd.s32 @p0 $0xFFFFC000;
	s0 =	simm.s32 @!p0 $0x3  }
0x2f: {  	[spmem:s20], [sflag:s19] =	dma.local @!p0 [hbm:s12], $0x2800  }
0x30: {  	_ =	swait.ge @!p0 [sflag:s0], $0x2800  }
0x31: {  	[sflag:s0] =	ssyncset.done @!p0 $0x0  }
0x32: {  	[sflag:s0] =	ssyncadd.s32 @!p0 $0xFFFFD800  }
0x33: {  	[bflag:$0x0] =	sbarrier.arrive $0xFFFF  }
0x34: {  	[tilespmem:s3], [sflag:$0x3] =	stream.linear.gather [hbm4b:s13+s3], $0x1400, $0x38;
	[tilespmem:$0x1E800] =	vst v63  }
0x35: {  	_ =	swait.ge [sflag:s21], $0x1400  }
0x36: {  	[sflag:s21] =	ssyncset.done $0x0  }
0x37: {  	[sflag:s21] =	ssyncadd.s32 $0xFFFFEC00  }
0x38: {  	[tilespmem:s22], [sflag:$0x3] =	stream.linear.gather [hbm4b:s14+s3], $0x1400, $0x38;
	[tilespmem:$0x1E800] =	vst v63  }
0x39: {  	_ =	swait.ge [sflag:s21], $0x1400  }
0x3a: {  	[sflag:s21] =	ssyncset.done $0x0  }
0x3b: {  	[sflag:s21] =	ssyncadd.s32 $0xFFFFEC00  }
0x3c: {  	[tilespmem:s24], [sflag:$0x1] =	stream.indirect.gather [hbm4b:s4+s23], $0x80, s3, s23, $0xb8;
	[tilespmem:$0x1E800] =	vst v63  }
0x3d: {  	_ = 	snop  }
0x3e: {  	[tilespmem:s25], [sflag:$0x2] =	stream.indirect.gather [hbm4b:s4+s23], $0x80, s23, s23, $0xb8;
	[tilespmem:$0x1E800] =	vst v63  }
0x3f: {  	_ =	swait.ge [sflag:s26], $0x4000  }
0x40: {  	[sflag:s26] =	ssyncset.done $0x0  }
0x41: {  	s5 =	simm.s32 $0x1400;
	[sflag:s26] =	ssyncadd.s32 $0xFFFFC000  }
0x42: {  	[spmem:s2] =	stream.indirect.scatter.add.f32 [tilespmem:s24], [sflag:$0x3], $0x80, s5, s23, $0xb8;
	[tilespmem:$0x1E800] =	vst v63  }
0x43: {  	_ =	swait.ge [sflag:s21], $0x4000  }
0x44: {  	[sflag:s21] =	ssyncset.done $0x0  }
0x45: {  	s1 =	simm.s32 $0x100;
	[sflag:s21] =	ssyncadd.s32 $0xFFFFC000  }
0x46: {  	[tilespmem:s24], [sflag:$0x1] =	stream.indirect.gather [hbm4b:s4+s23], $0x80, s1, s23, $0xb8;
	[tilespmem:$0x1E800] =	vst v63  }
0x47: {  	_ =	swait.ge [sflag:s28], $0x4000  }
0x48: {  	[sflag:s28] =	ssyncset.done $0x0  }
0x49: {  	s5 =	simm.s32 $0x1480;
	[sflag:s28] =	ssyncadd.s32 $0xFFFFC000  }
0x4a: {  	[spmem:s2] =	stream.indirect.scatter.add.f32 [tilespmem:s25], [sflag:$0x3], $0x80, s5, s23, $0xb8;
	[tilespmem:$0x1E800] =	vst v63  }
0x4b: {  	_ =	swait.ge [sflag:s21], $0x4000  }
0x4c: {  	[sflag:s21] =	ssyncset.done $0x0  }
0x4d: {  	s0 =	simm.s32 $0x180;
	s1 =	simm.s32 $0x400;
	[sflag:s21] =	ssyncadd.s32 $0xFFFFC000  }
.LBB2_2:
0x4e: {  	[tilespmem:s25], [sflag:$0x2] =	stream.indirect.gather [hbm4b:s4+s23], $0x80, s0, s23, $0xb8;
	[tilespmem:$0x1E800] =	vst v63  }
0x4f: {  	s0 =	smov.u32 s1  }
0x50: {  	p1 =	sne.s32 s1, $0x4800;
	s1 =	sadd.s32 $0x400, s1;
	_ =	swait.ge [sflag:s26], $0x4000  }
0x51: {  	s0 =	sshra.s32 s0, $0x2;
	[sflag:s26] =	ssyncset.done $0x0  }
0x52: {  	s5 =	sadd.s32 $0x1400, s0;
	[sflag:s26] =	ssyncadd.s32 $0xFFFFC000  }
0x53: {  	[spmem:s2] =	stream.indirect.scatter.add.f32 [tilespmem:s24], [sflag:$0x3], $0x80, s5, s23, $0xb8;
	[tilespmem:$0x1E800] =	vst v63  }
0x54: {  	_ =	swait.ge [sflag:s21], $0x4000  }
0x55: {  	[sflag:s21] =	ssyncset.done $0x0  }
0x56: {  	s5 =	sadd.s32 $0x100, s0;
	[sflag:s21] =	ssyncadd.s32 $0xFFFFC000  }
0x57: {  	[tilespmem:s24], [sflag:$0x1] =	stream.indirect.gather [hbm4b:s4+s23], $0x80, s5, s23, $0xb8;
	[tilespmem:$0x1E800] =	vst v63  }
0x58: {  	_ =	swait.ge [sflag:s28], $0x4000  }
0x59: {  	[sflag:s28] =	ssyncset.done $0x0  }
.Ltmp0:
0x5a: {  	s5 =	sadd.s32 $0x1480, s0;
	[sflag:s28] =	ssyncadd.s32 $0xFFFFC000;
	(pc) =	sbr.rel @p1 .LBB2_2-.Ltmp0, $4  }
0x5b: {  	[spmem:s2] =	stream.indirect.scatter.add.f32 [tilespmem:s25], [sflag:$0x3], $0x80, s5, s23, $0xb8;
	[tilespmem:$0x1E800] =	vst v63  }
0x5c: {  	_ =	swait.ge [sflag:s21], $0x4000  }
0x5d: {  	[sflag:s21] =	ssyncset.done $0x0  }
0x5e: {  	s0 =	sadd.s32 $0x180, s0;
	[sflag:s21] =	ssyncadd.s32 $0xFFFFC000  }
0x5f: {  	[tilespmem:s25], [sflag:$0x2] =	stream.indirect.gather [hbm4b:s4+s23], $0x80, s0, s23, $0xb8;
	[tilespmem:$0x1E800] =	vst v63  }
0x60: {  	_ =	swait.ge [sflag:s26], $0x4000  }
0x61: {  	[sflag:s26] =	ssyncset.done $0x0  }
0x62: {  	[sflag:s26] =	ssyncadd.s32 $0xFFFFC000  }
0x63: {  	[spmem:s2] =	stream.indirect.scatter.add.f32 [tilespmem:s24], [sflag:$0x3], $0x80, s29, s23, $0xb8;
	[tilespmem:$0x1E800] =	vst v63  }
0x64: {  	_ =	swait.ge [sflag:s21], $0x4000  }
0x65: {  	[sflag:s21] =	ssyncset.done $0x0  }
0x66: {  	[sflag:s21] =	ssyncadd.s32 $0xFFFFC000  }
0x67: {  	_ =	swait.ge [sflag:s28], $0x4000  }
0x68: {  	[sflag:s28] =	ssyncset.done $0x0  }
0x69: {  	[sflag:s28] =	ssyncadd.s32 $0xFFFFC000  }
0x6a: {  	[spmem:s2] =	stream.indirect.scatter.add.f32 [tilespmem:s25], [sflag:$0x3], $0x80, s30, s23, $0xb8;
	[tilespmem:$0x1E800] =	vst v63  }
0x6b: {  	_ =	swait.ge [sflag:s21], $0x4000  }
0x6c: {  	[sflag:s21] =	ssyncset.done $0x0  }
0x6d: {  	s1 =	simm.s32 $0x0;
	[sflag:s21] =	ssyncadd.s32 $0xFFFFC000  }
0x6e: {  	[tilespmem:s1], [sflag:$0x3] =	stream.linear.gather [hbm4b:s15+s1], $0x1400, $0x38;
	[tilespmem:$0x1E800] =	vst v63  }
0x6f: {  	_ =	swait.ge [sflag:s21], $0x1400  }
0x70: {  	[sflag:s21] =	ssyncset.done $0x0  }
0x71: {  	[sflag:s21] =	ssyncadd.s32 $0xFFFFEC00  }
0x72: {  	[tilespmem:s22], [sflag:$0x3] =	stream.linear.gather [hbm4b:s16+s1], $0x1400, $0x38;
	[tilespmem:$0x1E800] =	vst v63  }
0x73: {  	_ =	swait.ge [sflag:s21], $0x1400  }
0x74: {  	[sflag:s21] =	ssyncset.done $0x0  }
0x75: {  	[sflag:s21] =	ssyncadd.s32 $0xFFFFEC00  }
0x76: {  	[tilespmem:s24], [sflag:$0x1] =	stream.indirect.gather [hbm4b:s4+s23], $0x80, s1, s23, $0xb8;
	[tilespmem:$0x1E800] =	vst v63  }
0x77: {  	_ = 	snop  }
0x78: {  	[tilespmem:s25], [sflag:$0x2] =	stream.indirect.gather [hbm4b:s4+s23], $0x80, s23, s23, $0xb8;
	[tilespmem:$0x1E800] =	vst v63  }
0x79: {  	_ =	swait.ge [sflag:s26], $0x4000  }
0x7a: {  	[sflag:s26] =	ssyncset.done $0x0  }
0x7b: {  	s5 =	simm.s32 $0x1400;
	[sflag:s26] =	ssyncadd.s32 $0xFFFFC000  }
0x7c: {  	[spmem:s2] =	stream.indirect.scatter.add.f32 [tilespmem:s24], [sflag:$0x3], $0x80, s5, s23, $0xb8;
	[tilespmem:$0x1E800] =	vst v63  }
0x7d: {  	_ =	swait.ge [sflag:s21], $0x4000  }
0x7e: {  	[sflag:s21] =	ssyncset.done $0x0  }
0x7f: {  	s1 =	simm.s32 $0x100;
	[sflag:s21] =	ssyncadd.s32 $0xFFFFC000  }
0x80: {  	[tilespmem:s24], [sflag:$0x1] =	stream.indirect.gather [hbm4b:s4+s23], $0x80, s1, s23, $0xb8;
	[tilespmem:$0x1E800] =	vst v63  }
0x81: {  	_ =	swait.ge [sflag:s28], $0x4000  }
0x82: {  	[sflag:s28] =	ssyncset.done $0x0  }
0x83: {  	s5 =	simm.s32 $0x1480;
	[sflag:s28] =	ssyncadd.s32 $0xFFFFC000  }
0x84: {  	[spmem:s2] =	stream.indirect.scatter.add.f32 [tilespmem:s25], [sflag:$0x3], $0x80, s5, s23, $0xb8;
	[tilespmem:$0x1E800] =	vst v63  }
0x85: {  	_ =	swait.ge [sflag:s21], $0x4000  }
0x86: {  	[sflag:s21] =	ssyncset.done $0x0  }
0x87: {  	s0 =	simm.s32 $0x180;
	s1 =	simm.s32 $0x400;
	[sflag:s21] =	ssyncadd.s32 $0xFFFFC000  }
.LBB2_4:
0x88: {  	[tilespmem:s25], [sflag:$0x2] =	stream.indirect.gather [hbm4b:s4+s23], $0x80, s0, s23, $0xb8;
	[tilespmem:$0x1E800] =	vst v63  }
0x89: {  	s0 =	smov.u32 s1  }
0x8a: {  	p1 =	sne.s32 s1, $0x4800;
	s1 =	sadd.s32 $0x400, s1;
	_ =	swait.ge [sflag:s26], $0x4000  }
0x8b: {  	s0 =	sshra.s32 s0, $0x2;
	[sflag:s26] =	ssyncset.done $0x0  }
0x8c: {  	s5 =	sadd.s32 $0x1400, s0;
	[sflag:s26] =	ssyncadd.s32 $0xFFFFC000  }
0x8d: {  	[spmem:s2] =	stream.indirect.scatter.add.f32 [tilespmem:s24], [sflag:$0x3], $0x80, s5, s23, $0xb8;
	[tilespmem:$0x1E800] =	vst v63  }
0x8e: {  	_ =	swait.ge [sflag:s21], $0x4000  }
0x8f: {  	[sflag:s21] =	ssyncset.done $0x0  }
0x90: {  	s5 =	sadd.s32 $0x100, s0;
	[sflag:s21] =	ssyncadd.s32 $0xFFFFC000  }
0x91: {  	[tilespmem:s24], [sflag:$0x1] =	stream.indirect.gather [hbm4b:s4+s23], $0x80, s5, s23, $0xb8;
	[tilespmem:$0x1E800] =	vst v63  }
0x92: {  	_ =	swait.ge [sflag:s28], $0x4000  }
0x93: {  	[sflag:s28] =	ssyncset.done $0x0  }
.Ltmp1:
0x94: {  	s5 =	sadd.s32 $0x1480, s0;
	[sflag:s28] =	ssyncadd.s32 $0xFFFFC000;
	(pc) =	sbr.rel @p1 .LBB2_4-.Ltmp1, $4  }
0x95: {  	[spmem:s2] =	stream.indirect.scatter.add.f32 [tilespmem:s25], [sflag:$0x3], $0x80, s5, s23, $0xb8;
	[tilespmem:$0x1E800] =	vst v63  }
0x96: {  	_ =	swait.ge [sflag:s21], $0x4000  }
0x97: {  	[sflag:s21] =	ssyncset.done $0x0  }
0x98: {  	s0 =	sadd.s32 $0x180, s0;
	[sflag:s21] =	ssyncadd.s32 $0xFFFFC000  }
0x99: {  	[tilespmem:s25], [sflag:$0x2] =	stream.indirect.gather [hbm4b:s4+s23], $0x80, s0, s23, $0xb8;
	[tilespmem:$0x1E800] =	vst v63  }
0x9a: {  	_ =	swait.ge [sflag:s26], $0x4000  }
0x9b: {  	[sflag:s26] =	ssyncset.done $0x0  }
0x9c: {  	[sflag:s26] =	ssyncadd.s32 $0xFFFFC000  }
0x9d: {  	[spmem:s2] =	stream.indirect.scatter.add.f32 [tilespmem:s24], [sflag:$0x3], $0x80, s29, s23, $0xb8;
	[tilespmem:$0x1E800] =	vst v63  }
0x9e: {  	_ =	swait.ge [sflag:s21], $0x4000  }
0x9f: {  	[sflag:s21] =	ssyncset.done $0x0  }
0xa0: {  	[sflag:s21] =	ssyncadd.s32 $0xFFFFC000  }
0xa1: {  	_ =	swait.ge [sflag:s28], $0x4000  }
0xa2: {  	[sflag:s28] =	ssyncset.done $0x0  }
0xa3: {  	[sflag:s28] =	ssyncadd.s32 $0xFFFFC000  }
0xa4: {  	[spmem:s2] =	stream.indirect.scatter.add.f32 [tilespmem:s25], [sflag:$0x3], $0x80, s30, s23, $0xb8;
	[tilespmem:$0x1E800] =	vst v63  }
0xa5: {  	s5 =	stileid.u32;
	_ =	swait.ge [sflag:s21], $0x4000  }
0xa6: {  	s1 =	sshrl.u32 s11, $0x3;
	s31 =	sadd.s32 $0x1, s31;
	[sflag:s21] =	ssyncset.done $0x0  }
0xa7: {  	s0 =	sshll.u32 s5, $0x6;
	p1 =	sne.s32 s31, s18;
	[sflag:s21] =	ssyncadd.s32 $0xFFFFC000  }
.Ltmp2:
0xa8: {  	s0 =	sor.u32 $0x1C03, s0;
	[bflag:$0x0] =	sbarrier.arrive $0xFFFF;
	(pc) =	sbr.rel @p1 .LBB2_1-.Ltmp2, $4  }
0xa9: {  	[hbm:s17], [sflag:s0] =	dma.local [spmem:s1], $0x2800  }
0xaa: {  	_ =	swait.ge [sflag:s21], $0x2800  }
0xab: {  	[sflag:s21] =	ssyncset.done $0x0  }
0xac: {  	[sflag:s21] =	ssyncadd.s32 $0xFFFFD800  }
0xad: {  	_ =	sfence.sel $0x180000  }
0xae: {  	[bflag:$0x0] =	sbarrier.arrive $0xFFFF  }
0xaf: {  	_ =	strace $0x9000004A  }
0xb0: {  	s0 =	stileid.u32;
	[bflag:$0x2] =	sbarrier.arrive $0xFFFF  }
0xb1: {  	p0 =	sne.s32 s0, $0x0;
	s0 =	rddreg [dreg:$0x3]  }
0xb2: {  	s0 =	sadd.s32 @!p0 $0x100000, s0  }
0xb3: {  	[sflag:s0] =	ssyncadd.tile.s32 @!p0 $0x1;
	_ =	shalt  }
.Lfunc_end2:
_tile_overlayer_lowered:
.L_overlay_start_2:
0xb4: {  	(tag) =	ssettag $0x2  }
0xb5: {  	s0 =	rddreg [dreg:$0x0];
	s2 =	stileid.u32  }
0xb6: {  	s1 =	rddreg [dreg:$0x1];
	p0 =	sne.s32 s2, $0x0  }
0xb7: {  	s3 =	rddreg [dreg:$0x2];
	[bflag:$0x3] =	sbarrier.arrive $0xFFFF;
	s2 =	simm.s32 @!p0 $0x1C03  }
0xb8: {  	[timem:s3], [sflag:s2] =	dma.local @!p0 [hbm:s0], s1  }
0xb9: {  	s0 =	simm.s32 @!p0 $0x3  }
0xba: {  	_ =	swait.ge @!p0 [sflag:s0], s1  }
0xbb: {  	s1 =	ssub.s32 @!p0 $0x0, s1;
	[sflag:s0] =	ssyncset.done @!p0 $0x0  }
0xbc: {  	[sflag:s0] =	ssyncadd.s32 @!p0 s1  }
0xbd: {  	[bflag:$0x3] =	sbarrier.arrive $0xFFFF  }
0xbe: {  	_ =	shalt  }

// kernel: kernel.16.cloned.1.call-start
scs
__scs_entry_jumppad:
0x0: {  	(pc) =	sbr.rel $0x88, $3  }
0x1: {  	(tag) =	ssettag $0x0;
	lr =	simm.s32 $0x1  }
0x2: {  	[smem:$0x3F99] =	sst lr;
	_ =	strace $0xD0000000  }
0x3: {  	_ = 	snop  }
0x4: {  	_ = 	snop  }
0x5: {  	_ = 	snop  }
0x6: {  	_ = 	snop  }
0x7: {  	_ = 	snop  }
__scs_overlays_trampoline_lowered:
0x8: {  	[smem:$0x3FA8] =	sst s0  }
0x9: {  	[smem:$0x3FA9] =	sst s1  }
0xa: {  	[smem:$0x3FAA] =	sst s2  }
0xb: {  	[smem:$0x3FAB] =	sst s3  }
0xc: {  	[smem:$0x3FAC] =	sst s4  }
0xd: {  	[smem:$0x3FAD] =	sst s5  }
0xe: {  	[smem:$0x3FAE] =	sst s6  }
0xf: {  	[smem:$0x3FAF] =	sst s7  }
0x10: {  	[smem:$0x3FB0] =	sst s8  }
0x11: {  	[smem:$0x3FB1] =	sst s9;
	s0 =	simm.s32 @!p0 $0x0  }
0x12: {  	s1 =	sld [smem:$0x3F97];
	s0 =	simm.s32 @p0 $0x1  }
0x13: {  	[smem:$0x3FB2] =	sst s0;
	s0 =	simm.s32 @!p1 $0x0  }
0x14: {  	s2 =	sld [smem:$0x3F96];
	s0 =	simm.s32 @p1 $0x1  }
0x15: {  	[smem:$0x3FB3] =	sst s0;
	s0 =	simm.s32 @!p2 $0x0  }
0x16: {  	s3 =	sld [smem:$0x3FDB];
	s0 =	simm.s32 @p2 $0x1  }
0x17: {  	s4 =	simm.s32 $0x1BF5;
	[smem:$0x3FB5] =	sst s0  }
0x18: {  	s0 =	sld [smem:$0x3F98];
	_ =	swait.ge [sflag:s4], $0x0  }
0x19: {  	s7 =	sld [smem:$0x3F99]  }
0x1a: {  	s8 =	sadd.s32 $0xFFFFE003, lr  }
0x1b: {  	s9 =	sadd.s32 $0xFFFFFEF7, lr;
	s5 =	simm.s32 $0xFFFFFFFF;
	p2 =	slt.u32 s8, $0xFFFFF086  }
0x1c: {  	p1 =	slt.u32 s9, $0xF7A;
	s5 =	simm.s32 @!p2 $0x0  }
0x1d: {  	s5 =	simm.s32 @p1 $0x1;
	p0 =	seq.s32 s7, s2  }
0x1e: {  	s7 =	smul.u32 @!p0 $0xF7A, s2;
	p2 =	seq.s32 @!p0 s5, $0x0  }
0x1f: {  	s9 =	smul.u32 $0xF7A, s1;
	s8 =	simm.s32 @!p0 $0x1BF5;
	p2 =	por !p2, p0  }
0x20: {  	[sflag:s8] =	ssyncset.s32 @!p0 $0xFFFFF086;
	s6 =	sadd.s32 @!p0 s3, s7;
	s7 =	simm.s32 @!p0 $0x108  }
0x21: {  	s3 =	sadd.s32 s3, s9;
	s6 =	sadd.s32 @!p0 $0x88, s6;
	s7 =	simm.s32 @p2 $0x1082  }
0x22: {  	[simem:s7], [sflag:s8] =	dma.local @!p0 [hbm:s6], $0xF7A  }
0x23: {  	s9 =	sor.u32 $0xD0000000, s2;
	s6 =	simm.s32 $0x108;
	_ =	swait.ge @!p0 [sflag:s8], $0x0  }
0x24: {  	s3 =	sadd.s32 $0x88, s3;
	s6 =	simm.s32 @!p1 $0x1082;
	[sflag:s4] =	ssyncset.s32 $0xFFFFF086  }
0x25: {  	[simem:s6], [sflag:s4] =	dma.local [hbm:s3], $0xF7A  }
0x26: {  	[smem:$0x3F99] =	sst s1;
	(tag) =	ssettag s2;
	_ =	strace s9  }
0x27: {  	s1 =	sld [smem:$0x3FA9]  }
0x28: {  	s2 =	sld [smem:$0x3FAA]  }
0x29: {  	s4 =	sld [smem:$0x3FAC]  }
0x2a: {  	p0 =	seq.s32 s5, $0x0;
	s5 =	sld [smem:$0x3FAD]  }
0x2b: {  	s6 =	sld [smem:$0x3FAE]  }
0x2c: {  	s7 =	sld [smem:$0x3FAF]  }
0x2d: {  	s3 =	simm.s32 $0x108;
	s8 =	sld [smem:$0x3FB0]  }
0x2e: {  	s3 =	simm.s32 @!p0 $0x1082;
	s9 =	sld [smem:$0x3FB1]  }
0x2f: {  	lr =	sadd.s32 s0, s3;
	s0 =	sld [smem:$0x3FA8]  }
0x30: {  	s3 =	sld [smem:$0x3FAB]  }
0x31: {  	[smem:$0x3FB4] =	sst s10  }
0x32: {  	s10 =	sld [smem:$0x3FB2];
	_ =	sdelay $0x3  }
0x33: {  	p0 =	seq.s32 s10, $0x1;
	s10 =	sld [smem:$0x3FB4];
	_ =	sdelay $0x3  }
0x34: {  	[smem:$0x3FB4] =	sst s10  }
0x35: {  	s10 =	sld [smem:$0x3FB3];
	_ =	sdelay $0x3  }
0x36: {  	p1 =	seq.s32 s10, $0x1;
	s10 =	sld [smem:$0x3FB4];
	_ =	sdelay $0x3  }
0x37: {  	[smem:$0x3FB4] =	sst s10  }
0x38: {  	s10 =	sld [smem:$0x3FB5]  }
0x39: {  	_ = 	snop;
	(pc) =	sbr.ind lr, $3  }
0x3a: {  	_ = 	snop  }
0x3b: {  	_ = 	snop  }
0x3c: {  	p2 =	seq.s32 s10, $0x1;
	s10 =	sld [smem:$0x3FB4]  }
0x3d: {  	_ =	shalt  }
0x3e: {  	_ =	shalt  }
0x3f: {  	_ =	shalt  }
0x40: {  	_ =	shalt  }
0x41: {  	_ =	shalt  }
0x42: {  	_ =	shalt  }
0x43: {  	_ =	shalt  }
0x44: {  	_ =	shalt  }
0x45: {  	_ =	shalt  }
0x46: {  	_ =	shalt  }
0x47: {  	_ =	shalt  }
0x48: {  	_ =	shalt  }
0x49: {  	_ =	shalt  }
0x4a: {  	_ =	shalt  }
0x4b: {  	_ =	shalt  }
0x4c: {  	_ =	shalt  }
0x4d: {  	_ =	shalt  }
0x4e: {  	_ =	shalt  }
0x4f: {  	_ =	shalt  }
0x50: {  	_ =	shalt  }
0x51: {  	_ =	shalt  }
0x52: {  	_ =	shalt  }
0x53: {  	_ =	shalt  }
0x54: {  	_ =	shalt  }
0x55: {  	_ =	shalt  }
0x56: {  	_ =	shalt  }
0x57: {  	_ =	shalt  }
0x58: {  	_ =	shalt  }
0x59: {  	_ =	shalt  }
0x5a: {  	_ =	shalt  }
0x5b: {  	_ =	shalt  }
0x5c: {  	_ =	shalt  }
0x5d: {  	_ =	shalt  }
0x5e: {  	_ =	shalt  }
0x5f: {  	_ =	shalt  }
0x60: {  	_ =	shalt  }
0x61: {  	_ =	shalt  }
0x62: {  	_ =	shalt  }
0x63: {  	_ =	shalt  }
0x64: {  	_ =	shalt  }
0x65: {  	_ =	shalt  }
0x66: {  	_ =	shalt  }
0x67: {  	_ =	shalt  }
0x68: {  	_ =	shalt  }
0x69: {  	_ =	shalt  }
0x6a: {  	_ =	shalt  }
0x6b: {  	_ =	shalt  }
0x6c: {  	_ =	shalt  }
0x6d: {  	_ =	shalt  }
0x6e: {  	_ =	shalt  }
0x6f: {  	_ =	shalt  }
0x70: {  	_ =	shalt  }
0x71: {  	_ =	shalt  }
0x72: {  	_ =	shalt  }
0x73: {  	_ =	shalt  }
0x74: {  	_ =	shalt  }
0x75: {  	_ =	shalt  }
0x76: {  	_ =	shalt  }
0x77: {  	_ =	shalt  }
0x78: {  	_ =	shalt  }
0x79: {  	_ =	shalt  }
0x7a: {  	_ =	shalt  }
0x7b: {  	_ =	shalt  }
0x7c: {  	_ =	shalt  }
0x7d: {  	_ =	shalt  }
0x7e: {  	_ =	shalt  }
0x7f: {  	_ =	shalt  }
0x80: {  	_ =	shalt  }
0x81: {  	_ =	shalt  }
0x82: {  	_ =	shalt  }
0x83: {  	_ =	shalt  }
0x84: {  	_ =	shalt  }
0x85: {  	_ =	shalt  }
0x86: {  	_ =	shalt  }
0x87: {  	_ =	shalt  }
.Lfunc_end0:
.L_simem_size_0:
called_computation.2_lowered:
.L_overlay_start_0:
0x88: {  	s2 =	sld [smem:$0x3FD9]  }
0x89: {  	s3 =	sld [smem:$0x3FFE];
	_ =	sdelay $0x1  }
0x8a: {  	s1 =	srdreg.scid  }
0x8b: {  	s0 =	sand.u32 $0x1, s1  }
0x8c: {  	s17 =	sshll.u32 s0, $0xA;
	s2 =	sadd.s32 s3, s2  }
0x8d: {  	s2 =	sadd.s32 s2, s17  }
0x8e: {  	[smem:$0x3FC0] =	sst s2  }
0x8f: {  	_ = 	snop  }
0x90: {  	s2 =	sld [smem:$0x3FD0];
	(tm) =	ssettm $0x1  }
0x91: {  	s18 =	sld [smem:$0x3FFB];
	_ =	sdelay $0x3  }
0x92: {  	_ =	strace s18  }
0x93: {  	s3 =	sld [smem:$0x3FFC];
	_ =	sdelay $0x3  }
0x94: {  	_ =	strace s3  }
0x95: {  	s3 =	sld [smem:$0x3FFD];
	_ =	sdelay $0x3  }
0x96: {  	_ =	strace s3  }
0x97: {  	_ =	strace $0x8FFFFFFF  }
0x98: {  	s19 =	sld [smem:$0x3FDB];
	_ =	sdelay $0x1  }
0x99: {  	s4 =	simm.s32 $_scs_section_size  }
0x9a: {  	s5 =	simm.s32 $_size__tile_overlayer_lowered;
	s6 =	simm.s32 $_tile_overlayer_lowered  }
0x9b: {  	s22 =	simm.s32 $0x1BFF;
	s21 =	sshll.u32 s6, $0x1;
	s3 =	sadd.s32 s4, s19  }
0x9c: {  	s7 =	simm.s32 $0x0;
	s20 =	sshll.u32 s5, $0x1;
	s5 =	sadd.s32 s21, s3  }
0x9d: {  	[timem:s7], [sflag:s22] =	dma.local [hbm:s5], s20  }
0x9e: {  	_ =	swait.ge [sflag:s22], s20  }
0x9f: {  	s4 =	ssub.s32 $0x0, s20;
	[sflag:s22] =	ssyncset.done $0x0  }
0xa0: {  	[sflag:s22] =	ssyncadd.s32 s4;
	_ =	sdelay $0x1  }
0xa1: {  	s23 =	simm.s32 $0x1B8B  }
0xa2: {  	_ =	swait.ge [sflag:s23], $0x1  }
0xa3: {  	[sflag:s23] =	ssyncset.done $0x0  }
0xa4: {  	s25 =	simm.s32 $0x1B8E;
	s24 =	sld [smem:$0x3FFE];
	[sflag:s23] =	ssyncadd.s32 $0xFFFFFFFF  }
0xa5: {  	s26 =	simm.s32 $execute0_lowered;
	[smem:$0x3FD2] =	sst s25  }
0xa6: {  	s5 =	sshll.u32 s26, $0x1;
	_ =	strace $0x8000004C;
	[dreg:$0x1] =	wrdreg $0xFFFFFFFF  }
0xa7: {  	s28 =	simm.s32 $_size_execute0_lowered;
	s3 =	sadd.s32 s3, s5;
	[dreg:$0x0] =	wrdreg $0x0  }
0xa8: {  	s5 =	sshll.u32 s28, $0x1;
	[dreg:$0x2] =	wrdreg s3  }
0xa9: {  	[dreg:$0x3] =	wrdreg s5  }
0xaa: {  	[dreg:$0x4] =	wrdreg $0xC0  }
0xab: {  	_ =	task [dreg:s7], $0x5FFFF  }
0xac: {  	[dreg:$0x1] =	wrdreg $0xFFFFFFFF  }
0xad: {  	[dreg:$0x0] =	wrdreg $0x60  }
0xae: {  	[dreg:$0x2] =	wrdreg s24  }
0xaf: {  	[dreg:$0x3] =	wrdreg s2  }
0xb0: {  	[dreg:$0x4] =	wrdreg $0xA8000  }
0xb1: {  	[dreg:$0x5] =	wrdreg $0x9  }
0xb2: {  	_ =	task.clear_ibuf [dreg:s7], $0x6FFFF;
	_ =	strace $0x9000004C  }
0xb3: {  	s29 =	simm.s32 $0x9;
	_ =	strace $0x8000004E  }
0xb4: {  	_ =	swait.ge [sflag:s29], $0x1  }
0xb5: {  	[sflag:s29] =	ssyncadd.s32 $0xFFFFFFFF  }
0xb6: {  	_ =	strace $0x9000004E  }
0xb7: {  	_ =	sfence  }
0xb8: {  	s30 =	sld [smem:$0x0];
	_ =	sdelay $0x2  }
0xb9: {  	s31 =	sshll.u32 s1, $0xD;
	s1 =	sshrl.u32 s1, $0x2  }
0xba: {  	s3 =	sand.u32 $0x4000, s31;
	s1 =	sadd.s32 s1, s30  }
0xbb: {  	s0 =	sor.u32 s3, s0;
	s1 =	sshll.u32 s1, $0x11  }
0xbc: {  	s0 =	sor.u32 s1, s0  }
0xbd: {  	s0 =	sadd.s32 $0x8F2B, s0  }
0xbe: {  	[sflag:s0] =	ssyncadd.remote.s32 $0x1  }
0xbf: {  	_ =	sfence.sel $0xFFFF  }
0xc0: {  	[dreg:$0x0] =	wrdreg $0xFFFFFFFF;
	(pc) =	sbr.abs _section_cstart, $3  }
0xc1: {  	[dreg:$0x1] =	wrdreg $0xFFFFFFFF  }
0xc2: {  	_ =	task.clear_ibuf [dreg:s7], $0x2FFFF;
	_ =	strace $0x9FFFFFFF  }
0xc3: {  	(tm) =	ssettm $0x7FFFFFFF  }
tec
execute0_lowered:
.L_overlay_start_1:
0x0: {  	(tag) =	ssettag $0x1  }
0x1: {  	s0 =	rddreg [dreg:$0x0]  }
0x2: {  	s1 =	rddreg [dreg:$0x1];
	s3 =	srdreg.scid  }
0x3: {  	s20 =	stileid.u32;
	s2 =	rddreg [dreg:$0x2]  }
0x4: {  	s21 =	simm.s32 $0x3;
	s22 =	simm.s32 $0x1400;
	s23 =	simm.s32 $0x80  }
0x5: {  	s24 =	simm.s32 $0x2800;
	s28 =	simm.s32 $0x2;
	s29 =	simm.s32 $0x2700  }
0x6: {  	s30 =	simm.s32 $0x2780;
	s31 =	simm.s32 $0x0;
	s17 =	sand.u32 $0x1, s3  }
0x7: {  	s11 =	smul.u32 $0x14000, s20;
	s3 =	simm.s32 $0x0;
	s4 =	sadd.s32 $0xCA00, s0  }
0x8: {  	s16 =	sadd.s32 $0x2A00, s0;
	s7 =	smul.u32 $0x50000, s20;
	s25 =	sadd.s32 $0x34A00, s0  }
0x9: {  	s9 =	sshll.u32 s20, $0x1;
	s5 =	smul.u32 $0x140000, s17;
	[smem:$0x7FF] =	sst s3  }
0xa: {  	s26 =	ssub.s32 $0x2, s17;
	s9 =	sor.u32 s17, s9;
	p0 =	sne.s32 s17, $0x0  }
0xb: {  	_ =	strace $0x8000004D;
	[dreg:$0x4] =	wrdreg s25;
	s8 =	sshrl.u32 s26, $0x1  }
0xc: {  	s7 =	sshrl.u32 s7, $0x2;
	s13 =	smul.u32 $0x2800, s9;
	s12 =	sshrl.u32 s11, $0x3  }
0xd: {  	s25 =	simm.s32 $0x6800;
	s5 =	sadd.s32 s11, s5;
	s18 =	ssub.s32 s26, s8  }
0xe: {  	s11 =	sadd.s32 s11, s2;
	s12 =	sadd.s32 s4, s12;
	s26 =	simm.s32 $0x1  }
0xf: {  	s6 =	sshrl.u32 s5, $0x3;
	s15 =	sshrl.u32 s13, $0x3;
	s18 =	smax.u32 s18, $0x1  }
0x10: {  	s0 =	sadd.s32 s6, s0;
	s6 =	sadd.s32 s7, s2;
	s13 =	sadd.s32 s1, s15  }
0x11: {  	s14 =	sadd.s32 s16, s15;
	s19 =	sadd.s32 $0x280, s15;
	s7 =	sadd.s32 $0x4000, s6  }
0x12: {  	s8 =	sadd.s32 $0x8000, s6;
	s9 =	sadd.s32 $0xC000, s6;
	s10 =	sadd.s32 $0x10000, s6  }
0x13: {  	s15 =	sadd.s32 s1, s19;
	s17 =	sadd.s32 $0x35200, s0;
	s0 =	sshll.u32 @!p0 s20, $0x6  }
0x14: {  	s16 =	sadd.s32 s16, s19;
	s20 =	sshrl.u32 @!p0 s11, $0x3;
	s19 =	sor.u32 @!p0 $0x1C03, s0  }
.LBB2_1:
0x15: {  	s0 =	simm.s32 @p0 $0x0;
	s1 =	simm.s32 @p0 $0x2800;
	s5 =	rddreg [dreg:$0x4]  }
0x16: {  	[tilespmem:s1], [sflag:$0x3] =	stream.linear.gather @p0 [hbm4b:s5+s0], $0x4000, $0x38;
	[tilespmem:$0x1E800] =	vst v63  }
0x17: {  	s0 =	simm.s32 @p0 $0x3  }
0x18: {  	_ =	swait.ge @p0 [sflag:s0], $0x4000  }
0x19: {  	[sflag:s0] =	ssyncset.done @p0 $0x0  }
0x1a: {  	[sflag:s0] =	ssyncadd.s32 @p0 $0xFFFFC000  }
0x1b: {  	[spmem:s6] =	stream.linear.scatter @p0 [tilespmem:s1], [sflag:$0x3], $0x4000, $0x38;
	[tilespmem:$0x1E800] =	vst v63  }
0x1c: {  	_ =	swait.ge @p0 [sflag:s0], $0x4000  }
0x1d: {  	[sflag:s0] =	ssyncset.done @p0 $0x0  }
0x1e: {  	[sflag:s0] =	ssyncadd.s32 @p0 $0xFFFFC000  }
0x1f: {  	[spmem:s7] =	stream.linear.scatter @p0 [tilespmem:s1], [sflag:$0x3], $0x4000, $0x38;
	[tilespmem:$0x1E800] =	vst v63  }
0x20: {  	_ =	swait.ge @p0 [sflag:s0], $0x4000  }
0x21: {  	[sflag:s0] =	ssyncset.done @p0 $0x0  }
0x22: {  	[sflag:s0] =	ssyncadd.s32 @p0 $0xFFFFC000  }
0x23: {  	[spmem:s8] =	stream.linear.scatter @p0 [tilespmem:s1], [sflag:$0x3], $0x4000, $0x38;
	[tilespmem:$0x1E800] =	vst v63  }
0x24: {  	_ =	swait.ge @p0 [sflag:s0], $0x4000  }
0x25: {  	[sflag:s0] =	ssyncset.done @p0 $0x0  }
0x26: {  	[sflag:s0] =	ssyncadd.s32 @p0 $0xFFFFC000  }
0x27: {  	[spmem:s9] =	stream.linear.scatter @p0 [tilespmem:s1], [sflag:$0x3], $0x4000, $0x38;
	[tilespmem:$0x1E800] =	vst v63  }
0x28: {  	_ =	swait.ge @p0 [sflag:s0], $0x4000  }
0x29: {  	[sflag:s0] =	ssyncset.done @p0 $0x0  }
0x2a: {  	[sflag:s0] =	ssyncadd.s32 @p0 $0xFFFFC000  }
0x2b: {  	[spmem:s10] =	stream.linear.scatter @p0 [tilespmem:s1], [sflag:$0x3], $0x4000, $0x38;
	[tilespmem:$0x1E800] =	vst v63  }
0x2c: {  	_ =	swait.ge @p0 [sflag:s0], $0x4000  }
0x2d: {  	[sflag:s0] =	ssyncset.done @p0 $0x0  }
0x2e: {  	[sflag:s0] =	ssyncadd.s32 @p0 $0xFFFFC000;
	s0 =	simm.s32 @!p0 $0x3  }
0x2f: {  	[spmem:s20], [sflag:s19] =	dma.local @!p0 [hbm:s12], $0x2800  }
0x30: {  	_ =	swait.ge @!p0 [sflag:s0], $0x2800  }
0x31: {  	[sflag:s0] =	ssyncset.done @!p0 $0x0  }
0x32: {  	[sflag:s0] =	ssyncadd.s32 @!p0 $0xFFFFD800  }
0x33: {  	[bflag:$0x0] =	sbarrier.arrive $0xFFFF  }
0x34: {  	[tilespmem:s3], [sflag:$0x3] =	stream.linear.gather [hbm4b:s13+s3], $0x1400, $0x38;
	[tilespmem:$0x1E800] =	vst v63  }
0x35: {  	_ =	swait.ge [sflag:s21], $0x1400  }
0x36: {  	[sflag:s21] =	ssyncset.done $0x0  }
0x37: {  	[sflag:s21] =	ssyncadd.s32 $0xFFFFEC00  }
0x38: {  	[tilespmem:s22], [sflag:$0x3] =	stream.linear.gather [hbm4b:s14+s3], $0x1400, $0x38;
	[tilespmem:$0x1E800] =	vst v63  }
0x39: {  	_ =	swait.ge [sflag:s21], $0x1400  }
0x3a: {  	[sflag:s21] =	ssyncset.done $0x0  }
0x3b: {  	[sflag:s21] =	ssyncadd.s32 $0xFFFFEC00  }
0x3c: {  	[tilespmem:s24], [sflag:$0x1] =	stream.indirect.gather [hbm4b:s4+s23], $0x80, s3, s23, $0xb8;
	[tilespmem:$0x1E800] =	vst v63  }
0x3d: {  	_ = 	snop  }
0x3e: {  	[tilespmem:s25], [sflag:$0x2] =	stream.indirect.gather [hbm4b:s4+s23], $0x80, s23, s23, $0xb8;
	[tilespmem:$0x1E800] =	vst v63  }
0x3f: {  	_ =	swait.ge [sflag:s26], $0x4000  }
0x40: {  	[sflag:s26] =	ssyncset.done $0x0  }
0x41: {  	s5 =	simm.s32 $0x1400;
	[sflag:s26] =	ssyncadd.s32 $0xFFFFC000  }
0x42: {  	[spmem:s2] =	stream.indirect.scatter.add.f32 [tilespmem:s24], [sflag:$0x3], $0x80, s5, s23, $0xb8;
	[tilespmem:$0x1E800] =	vst v63  }
0x43: {  	_ =	swait.ge [sflag:s21], $0x4000  }
0x44: {  	[sflag:s21] =	ssyncset.done $0x0  }
0x45: {  	s1 =	simm.s32 $0x100;
	[sflag:s21] =	ssyncadd.s32 $0xFFFFC000  }
0x46: {  	[tilespmem:s24], [sflag:$0x1] =	stream.indirect.gather [hbm4b:s4+s23], $0x80, s1, s23, $0xb8;
	[tilespmem:$0x1E800] =	vst v63  }
0x47: {  	_ =	swait.ge [sflag:s28], $0x4000  }
0x48: {  	[sflag:s28] =	ssyncset.done $0x0  }
0x49: {  	s5 =	simm.s32 $0x1480;
	[sflag:s28] =	ssyncadd.s32 $0xFFFFC000  }
0x4a: {  	[spmem:s2] =	stream.indirect.scatter.add.f32 [tilespmem:s25], [sflag:$0x3], $0x80, s5, s23, $0xb8;
	[tilespmem:$0x1E800] =	vst v63  }
0x4b: {  	_ =	swait.ge [sflag:s21], $0x4000  }
0x4c: {  	[sflag:s21] =	ssyncset.done $0x0  }
0x4d: {  	s0 =	simm.s32 $0x180;
	s1 =	simm.s32 $0x400;
	[sflag:s21] =	ssyncadd.s32 $0xFFFFC000  }
.LBB2_2:
0x4e: {  	[tilespmem:s25], [sflag:$0x2] =	stream.indirect.gather [hbm4b:s4+s23], $0x80, s0, s23, $0xb8;
	[tilespmem:$0x1E800] =	vst v63  }
0x4f: {  	s0 =	smov.u32 s1  }
0x50: {  	p1 =	sne.s32 s1, $0x4800;
	s1 =	sadd.s32 $0x400, s1;
	_ =	swait.ge [sflag:s26], $0x4000  }
0x51: {  	s0 =	sshra.s32 s0, $0x2;
	[sflag:s26] =	ssyncset.done $0x0  }
0x52: {  	s5 =	sadd.s32 $0x1400, s0;
	[sflag:s26] =	ssyncadd.s32 $0xFFFFC000  }
0x53: {  	[spmem:s2] =	stream.indirect.scatter.add.f32 [tilespmem:s24], [sflag:$0x3], $0x80, s5, s23, $0xb8;
	[tilespmem:$0x1E800] =	vst v63  }
0x54: {  	_ =	swait.ge [sflag:s21], $0x4000  }
0x55: {  	[sflag:s21] =	ssyncset.done $0x0  }
0x56: {  	s5 =	sadd.s32 $0x100, s0;
	[sflag:s21] =	ssyncadd.s32 $0xFFFFC000  }
0x57: {  	[tilespmem:s24], [sflag:$0x1] =	stream.indirect.gather [hbm4b:s4+s23], $0x80, s5, s23, $0xb8;
	[tilespmem:$0x1E800] =	vst v63  }
0x58: {  	_ =	swait.ge [sflag:s28], $0x4000  }
0x59: {  	[sflag:s28] =	ssyncset.done $0x0  }
.Ltmp0:
0x5a: {  	s5 =	sadd.s32 $0x1480, s0;
	[sflag:s28] =	ssyncadd.s32 $0xFFFFC000;
	(pc) =	sbr.rel @p1 .LBB2_2-.Ltmp0, $4  }
0x5b: {  	[spmem:s2] =	stream.indirect.scatter.add.f32 [tilespmem:s25], [sflag:$0x3], $0x80, s5, s23, $0xb8;
	[tilespmem:$0x1E800] =	vst v63  }
0x5c: {  	_ =	swait.ge [sflag:s21], $0x4000  }
0x5d: {  	[sflag:s21] =	ssyncset.done $0x0  }
0x5e: {  	s0 =	sadd.s32 $0x180, s0;
	[sflag:s21] =	ssyncadd.s32 $0xFFFFC000  }
0x5f: {  	[tilespmem:s25], [sflag:$0x2] =	stream.indirect.gather [hbm4b:s4+s23], $0x80, s0, s23, $0xb8;
	[tilespmem:$0x1E800] =	vst v63  }
0x60: {  	_ =	swait.ge [sflag:s26], $0x4000  }
0x61: {  	[sflag:s26] =	ssyncset.done $0x0  }
0x62: {  	[sflag:s26] =	ssyncadd.s32 $0xFFFFC000  }
0x63: {  	[spmem:s2] =	stream.indirect.scatter.add.f32 [tilespmem:s24], [sflag:$0x3], $0x80, s29, s23, $0xb8;
	[tilespmem:$0x1E800] =	vst v63  }
0x64: {  	_ =	swait.ge [sflag:s21], $0x4000  }
0x65: {  	[sflag:s21] =	ssyncset.done $0x0  }
0x66: {  	[sflag:s21] =	ssyncadd.s32 $0xFFFFC000  }
0x67: {  	_ =	swait.ge [sflag:s28], $0x4000  }
0x68: {  	[sflag:s28] =	ssyncset.done $0x0  }
0x69: {  	[sflag:s28] =	ssyncadd.s32 $0xFFFFC000  }
0x6a: {  	[spmem:s2] =	stream.indirect.scatter.add.f32 [tilespmem:s25], [sflag:$0x3], $0x80, s30, s23, $0xb8;
	[tilespmem:$0x1E800] =	vst v63  }
0x6b: {  	_ =	swait.ge [sflag:s21], $0x4000  }
0x6c: {  	[sflag:s21] =	ssyncset.done $0x0  }
0x6d: {  	s1 =	simm.s32 $0x0;
	[sflag:s21] =	ssyncadd.s32 $0xFFFFC000  }
0x6e: {  	[tilespmem:s1], [sflag:$0x3] =	stream.linear.gather [hbm4b:s15+s1], $0x1400, $0x38;
	[tilespmem:$0x1E800] =	vst v63  }
0x6f: {  	_ =	swait.ge [sflag:s21], $0x1400  }
0x70: {  	[sflag:s21] =	ssyncset.done $0x0  }
0x71: {  	[sflag:s21] =	ssyncadd.s32 $0xFFFFEC00  }
0x72: {  	[tilespmem:s22], [sflag:$0x3] =	stream.linear.gather [hbm4b:s16+s1], $0x1400, $0x38;
	[tilespmem:$0x1E800] =	vst v63  }
0x73: {  	_ =	swait.ge [sflag:s21], $0x1400  }
0x74: {  	[sflag:s21] =	ssyncset.done $0x0  }
0x75: {  	[sflag:s21] =	ssyncadd.s32 $0xFFFFEC00  }
0x76: {  	[tilespmem:s24], [sflag:$0x1] =	stream.indirect.gather [hbm4b:s4+s23], $0x80, s1, s23, $0xb8;
	[tilespmem:$0x1E800] =	vst v63  }
0x77: {  	_ = 	snop  }
0x78: {  	[tilespmem:s25], [sflag:$0x2] =	stream.indirect.gather [hbm4b:s4+s23], $0x80, s23, s23, $0xb8;
	[tilespmem:$0x1E800] =	vst v63  }
0x79: {  	_ =	swait.ge [sflag:s26], $0x4000  }
0x7a: {  	[sflag:s26] =	ssyncset.done $0x0  }
0x7b: {  	s5 =	simm.s32 $0x1400;
	[sflag:s26] =	ssyncadd.s32 $0xFFFFC000  }
0x7c: {  	[spmem:s2] =	stream.indirect.scatter.add.f32 [tilespmem:s24], [sflag:$0x3], $0x80, s5, s23, $0xb8;
	[tilespmem:$0x1E800] =	vst v63  }
0x7d: {  	_ =	swait.ge [sflag:s21], $0x4000  }
0x7e: {  	[sflag:s21] =	ssyncset.done $0x0  }
0x7f: {  	s1 =	simm.s32 $0x100;
	[sflag:s21] =	ssyncadd.s32 $0xFFFFC000  }
0x80: {  	[tilespmem:s24], [sflag:$0x1] =	stream.indirect.gather [hbm4b:s4+s23], $0x80, s1, s23, $0xb8;
	[tilespmem:$0x1E800] =	vst v63  }
0x81: {  	_ =	swait.ge [sflag:s28], $0x4000  }
0x82: {  	[sflag:s28] =	ssyncset.done $0x0  }
0x83: {  	s5 =	simm.s32 $0x1480;
	[sflag:s28] =	ssyncadd.s32 $0xFFFFC000  }
0x84: {  	[spmem:s2] =	stream.indirect.scatter.add.f32 [tilespmem:s25], [sflag:$0x3], $0x80, s5, s23, $0xb8;
	[tilespmem:$0x1E800] =	vst v63  }
0x85: {  	_ =	swait.ge [sflag:s21], $0x4000  }
0x86: {  	[sflag:s21] =	ssyncset.done $0x0  }
0x87: {  	s0 =	simm.s32 $0x180;
	s1 =	simm.s32 $0x400;
	[sflag:s21] =	ssyncadd.s32 $0xFFFFC000  }
.LBB2_4:
0x88: {  	[tilespmem:s25], [sflag:$0x2] =	stream.indirect.gather [hbm4b:s4+s23], $0x80, s0, s23, $0xb8;
	[tilespmem:$0x1E800] =	vst v63  }
0x89: {  	s0 =	smov.u32 s1  }
0x8a: {  	p1 =	sne.s32 s1, $0x4800;
	s1 =	sadd.s32 $0x400, s1;
	_ =	swait.ge [sflag:s26], $0x4000  }
0x8b: {  	s0 =	sshra.s32 s0, $0x2;
	[sflag:s26] =	ssyncset.done $0x0  }
0x8c: {  	s5 =	sadd.s32 $0x1400, s0;
	[sflag:s26] =	ssyncadd.s32 $0xFFFFC000  }
0x8d: {  	[spmem:s2] =	stream.indirect.scatter.add.f32 [tilespmem:s24], [sflag:$0x3], $0x80, s5, s23, $0xb8;
	[tilespmem:$0x1E800] =	vst v63  }
0x8e: {  	_ =	swait.ge [sflag:s21], $0x4000  }
0x8f: {  	[sflag:s21] =	ssyncset.done $0x0  }
0x90: {  	s5 =	sadd.s32 $0x100, s0;
	[sflag:s21] =	ssyncadd.s32 $0xFFFFC000  }
0x91: {  	[tilespmem:s24], [sflag:$0x1] =	stream.indirect.gather [hbm4b:s4+s23], $0x80, s5, s23, $0xb8;
	[tilespmem:$0x1E800] =	vst v63  }
0x92: {  	_ =	swait.ge [sflag:s28], $0x4000  }
0x93: {  	[sflag:s28] =	ssyncset.done $0x0  }
.Ltmp1:
0x94: {  	s5 =	sadd.s32 $0x1480, s0;
	[sflag:s28] =	ssyncadd.s32 $0xFFFFC000;
	(pc) =	sbr.rel @p1 .LBB2_4-.Ltmp1, $4  }
0x95: {  	[spmem:s2] =	stream.indirect.scatter.add.f32 [tilespmem:s25], [sflag:$0x3], $0x80, s5, s23, $0xb8;
	[tilespmem:$0x1E800] =	vst v63  }
0x96: {  	_ =	swait.ge [sflag:s21], $0x4000  }
0x97: {  	[sflag:s21] =	ssyncset.done $0x0  }
0x98: {  	s0 =	sadd.s32 $0x180, s0;
	[sflag:s21] =	ssyncadd.s32 $0xFFFFC000  }
0x99: {  	[tilespmem:s25], [sflag:$0x2] =	stream.indirect.gather [hbm4b:s4+s23], $0x80, s0, s23, $0xb8;
	[tilespmem:$0x1E800] =	vst v63  }
0x9a: {  	_ =	swait.ge [sflag:s26], $0x4000  }
0x9b: {  	[sflag:s26] =	ssyncset.done $0x0  }
0x9c: {  	[sflag:s26] =	ssyncadd.s32 $0xFFFFC000  }
0x9d: {  	[spmem:s2] =	stream.indirect.scatter.add.f32 [tilespmem:s24], [sflag:$0x3], $0x80, s29, s23, $0xb8;
	[tilespmem:$0x1E800] =	vst v63  }
0x9e: {  	_ =	swait.ge [sflag:s21], $0x4000  }
0x9f: {  	[sflag:s21] =	ssyncset.done $0x0  }
0xa0: {  	[sflag:s21] =	ssyncadd.s32 $0xFFFFC000  }
0xa1: {  	_ =	swait.ge [sflag:s28], $0x4000  }
0xa2: {  	[sflag:s28] =	ssyncset.done $0x0  }
0xa3: {  	[sflag:s28] =	ssyncadd.s32 $0xFFFFC000  }
0xa4: {  	[spmem:s2] =	stream.indirect.scatter.add.f32 [tilespmem:s25], [sflag:$0x3], $0x80, s30, s23, $0xb8;
	[tilespmem:$0x1E800] =	vst v63  }
0xa5: {  	s5 =	stileid.u32;
	_ =	swait.ge [sflag:s21], $0x4000  }
0xa6: {  	s1 =	sshrl.u32 s11, $0x3;
	s31 =	sadd.s32 $0x1, s31;
	[sflag:s21] =	ssyncset.done $0x0  }
0xa7: {  	s0 =	sshll.u32 s5, $0x6;
	p1 =	sne.s32 s31, s18;
	[sflag:s21] =	ssyncadd.s32 $0xFFFFC000  }
.Ltmp2:
0xa8: {  	s0 =	sor.u32 $0x1C03, s0;
	[bflag:$0x0] =	sbarrier.arrive $0xFFFF;
	(pc) =	sbr.rel @p1 .LBB2_1-.Ltmp2, $4  }
0xa9: {  	[hbm:s17], [sflag:s0] =	dma.local [spmem:s1], $0x2800  }
0xaa: {  	_ =	swait.ge [sflag:s21], $0x2800  }
0xab: {  	[sflag:s21] =	ssyncset.done $0x0  }
0xac: {  	[sflag:s21] =	ssyncadd.s32 $0xFFFFD800  }
0xad: {  	_ =	sfence.sel $0x180000  }
0xae: {  	[bflag:$0x0] =	sbarrier.arrive $0xFFFF  }
0xaf: {  	_ =	strace $0x9000004D  }
0xb0: {  	s0 =	stileid.u32;
	[bflag:$0x2] =	sbarrier.arrive $0xFFFF  }
0xb1: {  	p0 =	sne.s32 s0, $0x0;
	s0 =	rddreg [dreg:$0x3]  }
0xb2: {  	s0 =	sadd.s32 @!p0 $0x100000, s0  }
0xb3: {  	[sflag:s0] =	ssyncadd.tile.s32 @!p0 $0x1;
	_ =	shalt  }
.Lfunc_end2:
_tile_overlayer_lowered:
.L_overlay_start_2:
0xb4: {  	(tag) =	ssettag $0x2  }
0xb5: {  	s0 =	rddreg [dreg:$0x0];
	s2 =	stileid.u32  }
0xb6: {  	s1 =	rddreg [dreg:$0x1];
	p0 =	sne.s32 s2, $0x0  }
0xb7: {  	s3 =	rddreg [dreg:$0x2];
	[bflag:$0x3] =	sbarrier.arrive $0xFFFF;
	s2 =	simm.s32 @!p0 $0x1C03  }
0xb8: {  	[timem:s3], [sflag:s2] =	dma.local @!p0 [hbm:s0], s1  }
0xb9: {  	s0 =	simm.s32 @!p0 $0x3  }
0xba: {  	_ =	swait.ge @!p0 [sflag:s0], s1  }
0xbb: {  	s1 =	ssub.s32 @!p0 $0x0, s1;
	[sflag:s0] =	ssyncset.done @!p0 $0x0  }
0xbc: {  	[sflag:s0] =	ssyncadd.s32 @!p0 s1  }
0xbd: {  	[bflag:$0x3] =	sbarrier.arrive $0xFFFF  }
0xbe: {  	_ =	shalt  }

// kernel: kernel.19.cloned.1.call-start
scs
__scs_entry_jumppad:
0x0: {  	(pc) =	sbr.rel $0x88, $3  }
0x1: {  	(tag) =	ssettag $0x0;
	lr =	simm.s32 $0x1  }
0x2: {  	[smem:$0x3F99] =	sst lr;
	_ =	strace $0xD0000000  }
0x3: {  	_ = 	snop  }
0x4: {  	_ = 	snop  }
0x5: {  	_ = 	snop  }
0x6: {  	_ = 	snop  }
0x7: {  	_ = 	snop  }
__scs_overlays_trampoline_lowered:
0x8: {  	[smem:$0x3FA8] =	sst s0  }
0x9: {  	[smem:$0x3FA9] =	sst s1  }
0xa: {  	[smem:$0x3FAA] =	sst s2  }
0xb: {  	[smem:$0x3FAB] =	sst s3  }
0xc: {  	[smem:$0x3FAC] =	sst s4  }
0xd: {  	[smem:$0x3FAD] =	sst s5  }
0xe: {  	[smem:$0x3FAE] =	sst s6  }
0xf: {  	[smem:$0x3FAF] =	sst s7  }
0x10: {  	[smem:$0x3FB0] =	sst s8  }
0x11: {  	[smem:$0x3FB1] =	sst s9;
	s0 =	simm.s32 @!p0 $0x0  }
0x12: {  	s1 =	sld [smem:$0x3F97];
	s0 =	simm.s32 @p0 $0x1  }
0x13: {  	[smem:$0x3FB2] =	sst s0;
	s0 =	simm.s32 @!p1 $0x0  }
0x14: {  	s2 =	sld [smem:$0x3F96];
	s0 =	simm.s32 @p1 $0x1  }
0x15: {  	[smem:$0x3FB3] =	sst s0;
	s0 =	simm.s32 @!p2 $0x0  }
0x16: {  	s3 =	sld [smem:$0x3FDB];
	s0 =	simm.s32 @p2 $0x1  }
0x17: {  	s4 =	simm.s32 $0x1BF5;
	[smem:$0x3FB5] =	sst s0  }
0x18: {  	s0 =	sld [smem:$0x3F98];
	_ =	swait.ge [sflag:s4], $0x0  }
0x19: {  	s7 =	sld [smem:$0x3F99]  }
0x1a: {  	s8 =	sadd.s32 $0xFFFFE003, lr  }
0x1b: {  	s9 =	sadd.s32 $0xFFFFFEF7, lr;
	s5 =	simm.s32 $0xFFFFFFFF;
	p2 =	slt.u32 s8, $0xFFFFF086  }
0x1c: {  	p1 =	slt.u32 s9, $0xF7A;
	s5 =	simm.s32 @!p2 $0x0  }
0x1d: {  	s5 =	simm.s32 @p1 $0x1;
	p0 =	seq.s32 s7, s2  }
0x1e: {  	s7 =	smul.u32 @!p0 $0xF7A, s2;
	p2 =	seq.s32 @!p0 s5, $0x0  }
0x1f: {  	s9 =	smul.u32 $0xF7A, s1;
	s8 =	simm.s32 @!p0 $0x1BF5;
	p2 =	por !p2, p0  }
0x20: {  	[sflag:s8] =	ssyncset.s32 @!p0 $0xFFFFF086;
	s6 =	sadd.s32 @!p0 s3, s7;
	s7 =	simm.s32 @!p0 $0x108  }
0x21: {  	s3 =	sadd.s32 s3, s9;
	s6 =	sadd.s32 @!p0 $0x88, s6;
	s7 =	simm.s32 @p2 $0x1082  }
0x22: {  	[simem:s7], [sflag:s8] =	dma.local @!p0 [hbm:s6], $0xF7A  }
0x23: {  	s9 =	sor.u32 $0xD0000000, s2;
	s6 =	simm.s32 $0x108;
	_ =	swait.ge @!p0 [sflag:s8], $0x0  }
0x24: {  	s3 =	sadd.s32 $0x88, s3;
	s6 =	simm.s32 @!p1 $0x1082;
	[sflag:s4] =	ssyncset.s32 $0xFFFFF086  }
0x25: {  	[simem:s6], [sflag:s4] =	dma.local [hbm:s3], $0xF7A  }
0x26: {  	[smem:$0x3F99] =	sst s1;
	(tag) =	ssettag s2;
	_ =	strace s9  }
0x27: {  	s1 =	sld [smem:$0x3FA9]  }
0x28: {  	s2 =	sld [smem:$0x3FAA]  }
0x29: {  	s4 =	sld [smem:$0x3FAC]  }
0x2a: {  	p0 =	seq.s32 s5, $0x0;
	s5 =	sld [smem:$0x3FAD]  }
0x2b: {  	s6 =	sld [smem:$0x3FAE]  }
0x2c: {  	s7 =	sld [smem:$0x3FAF]  }
0x2d: {  	s3 =	simm.s32 $0x108;
	s8 =	sld [smem:$0x3FB0]  }
0x2e: {  	s3 =	simm.s32 @!p0 $0x1082;
	s9 =	sld [smem:$0x3FB1]  }
0x2f: {  	lr =	sadd.s32 s0, s3;
	s0 =	sld [smem:$0x3FA8]  }
0x30: {  	s3 =	sld [smem:$0x3FAB]  }
0x31: {  	[smem:$0x3FB4] =	sst s10  }
0x32: {  	s10 =	sld [smem:$0x3FB2];
	_ =	sdelay $0x3  }
0x33: {  	p0 =	seq.s32 s10, $0x1;
	s10 =	sld [smem:$0x3FB4];
	_ =	sdelay $0x3  }
0x34: {  	[smem:$0x3FB4] =	sst s10  }
0x35: {  	s10 =	sld [smem:$0x3FB3];
	_ =	sdelay $0x3  }
0x36: {  	p1 =	seq.s32 s10, $0x1;
	s10 =	sld [smem:$0x3FB4];
	_ =	sdelay $0x3  }
0x37: {  	[smem:$0x3FB4] =	sst s10  }
0x38: {  	s10 =	sld [smem:$0x3FB5]  }
0x39: {  	_ = 	snop;
	(pc) =	sbr.ind lr, $3  }
0x3a: {  	_ = 	snop  }
0x3b: {  	_ = 	snop  }
0x3c: {  	p2 =	seq.s32 s10, $0x1;
	s10 =	sld [smem:$0x3FB4]  }
0x3d: {  	_ =	shalt  }
0x3e: {  	_ =	shalt  }
0x3f: {  	_ =	shalt  }
0x40: {  	_ =	shalt  }
0x41: {  	_ =	shalt  }
0x42: {  	_ =	shalt  }
0x43: {  	_ =	shalt  }
0x44: {  	_ =	shalt  }
0x45: {  	_ =	shalt  }
0x46: {  	_ =	shalt  }
0x47: {  	_ =	shalt  }
0x48: {  	_ =	shalt  }
0x49: {  	_ =	shalt  }
0x4a: {  	_ =	shalt  }
0x4b: {  	_ =	shalt  }
0x4c: {  	_ =	shalt  }
0x4d: {  	_ =	shalt  }
0x4e: {  	_ =	shalt  }
0x4f: {  	_ =	shalt  }
0x50: {  	_ =	shalt  }
0x51: {  	_ =	shalt  }
0x52: {  	_ =	shalt  }
0x53: {  	_ =	shalt  }
0x54: {  	_ =	shalt  }
0x55: {  	_ =	shalt  }
0x56: {  	_ =	shalt  }
0x57: {  	_ =	shalt  }
0x58: {  	_ =	shalt  }
0x59: {  	_ =	shalt  }
0x5a: {  	_ =	shalt  }
0x5b: {  	_ =	shalt  }
0x5c: {  	_ =	shalt  }
0x5d: {  	_ =	shalt  }
0x5e: {  	_ =	shalt  }
0x5f: {  	_ =	shalt  }
0x60: {  	_ =	shalt  }
0x61: {  	_ =	shalt  }
0x62: {  	_ =	shalt  }
0x63: {  	_ =	shalt  }
0x64: {  	_ =	shalt  }
0x65: {  	_ =	shalt  }
0x66: {  	_ =	shalt  }
0x67: {  	_ =	shalt  }
0x68: {  	_ =	shalt  }
0x69: {  	_ =	shalt  }
0x6a: {  	_ =	shalt  }
0x6b: {  	_ =	shalt  }
0x6c: {  	_ =	shalt  }
0x6d: {  	_ =	shalt  }
0x6e: {  	_ =	shalt  }
0x6f: {  	_ =	shalt  }
0x70: {  	_ =	shalt  }
0x71: {  	_ =	shalt  }
0x72: {  	_ =	shalt  }
0x73: {  	_ =	shalt  }
0x74: {  	_ =	shalt  }
0x75: {  	_ =	shalt  }
0x76: {  	_ =	shalt  }
0x77: {  	_ =	shalt  }
0x78: {  	_ =	shalt  }
0x79: {  	_ =	shalt  }
0x7a: {  	_ =	shalt  }
0x7b: {  	_ =	shalt  }
0x7c: {  	_ =	shalt  }
0x7d: {  	_ =	shalt  }
0x7e: {  	_ =	shalt  }
0x7f: {  	_ =	shalt  }
0x80: {  	_ =	shalt  }
0x81: {  	_ =	shalt  }
0x82: {  	_ =	shalt  }
0x83: {  	_ =	shalt  }
0x84: {  	_ =	shalt  }
0x85: {  	_ =	shalt  }
0x86: {  	_ =	shalt  }
0x87: {  	_ =	shalt  }
.Lfunc_end0:
.L_simem_size_0:
called_computation.3_lowered:
.L_overlay_start_0:
0x88: {  	s2 =	sld [smem:$0x3FD9]  }
0x89: {  	s3 =	sld [smem:$0x3FFE];
	_ =	sdelay $0x1  }
0x8a: {  	s1 =	srdreg.scid  }
0x8b: {  	s0 =	sand.u32 $0x1, s1  }
0x8c: {  	s17 =	sshll.u32 s0, $0xA;
	s2 =	sadd.s32 s3, s2  }
0x8d: {  	s2 =	sadd.s32 s2, s17  }
0x8e: {  	[smem:$0x3FC0] =	sst s2  }
0x8f: {  	_ = 	snop  }
0x90: {  	s2 =	sld [smem:$0x3FD0];
	(tm) =	ssettm $0x1  }
0x91: {  	s18 =	sld [smem:$0x3FFB];
	_ =	sdelay $0x3  }
0x92: {  	_ =	strace s18  }
0x93: {  	s3 =	sld [smem:$0x3FFC];
	_ =	sdelay $0x3  }
0x94: {  	_ =	strace s3  }
0x95: {  	s3 =	sld [smem:$0x3FFD];
	_ =	sdelay $0x3  }
0x96: {  	_ =	strace s3  }
0x97: {  	_ =	strace $0x8FFFFFFF  }
0x98: {  	s19 =	sld [smem:$0x3FDB];
	_ =	sdelay $0x1  }
0x99: {  	s4 =	simm.s32 $_scs_section_size  }
0x9a: {  	s5 =	simm.s32 $_size__tile_overlayer_lowered;
	s6 =	simm.s32 $_tile_overlayer_lowered  }
0x9b: {  	s22 =	simm.s32 $0x1BFF;
	s21 =	sshll.u32 s6, $0x1;
	s3 =	sadd.s32 s4, s19  }
0x9c: {  	s7 =	simm.s32 $0x0;
	s20 =	sshll.u32 s5, $0x1;
	s5 =	sadd.s32 s21, s3  }
0x9d: {  	[timem:s7], [sflag:s22] =	dma.local [hbm:s5], s20  }
0x9e: {  	_ =	swait.ge [sflag:s22], s20  }
0x9f: {  	s4 =	ssub.s32 $0x0, s20;
	[sflag:s22] =	ssyncset.done $0x0  }
0xa0: {  	[sflag:s22] =	ssyncadd.s32 s4;
	_ =	sdelay $0x1  }
0xa1: {  	s23 =	simm.s32 $0x1B8B  }
0xa2: {  	_ =	swait.ge [sflag:s23], $0x1  }
0xa3: {  	[sflag:s23] =	ssyncset.done $0x0  }
0xa4: {  	s25 =	simm.s32 $0x1B8E;
	s24 =	sld [smem:$0x3FFE];
	[sflag:s23] =	ssyncadd.s32 $0xFFFFFFFF  }
0xa5: {  	s26 =	simm.s32 $execute0_lowered;
	[smem:$0x3FD2] =	sst s25  }
0xa6: {  	s5 =	sshll.u32 s26, $0x1;
	_ =	strace $0x8000004F;
	[dreg:$0x1] =	wrdreg $0xFFFFFFFF  }
0xa7: {  	s28 =	simm.s32 $_size_execute0_lowered;
	s3 =	sadd.s32 s3, s5;
	[dreg:$0x0] =	wrdreg $0x0  }
0xa8: {  	s5 =	sshll.u32 s28, $0x1;
	[dreg:$0x2] =	wrdreg s3  }
0xa9: {  	[dreg:$0x3] =	wrdreg s5  }
0xaa: {  	[dreg:$0x4] =	wrdreg $0xC0  }
0xab: {  	_ =	task [dreg:s7], $0x5FFFF  }
0xac: {  	[dreg:$0x1] =	wrdreg $0xFFFFFFFF  }
0xad: {  	[dreg:$0x0] =	wrdreg $0x60  }
0xae: {  	[dreg:$0x2] =	wrdreg s24  }
0xaf: {  	[dreg:$0x3] =	wrdreg s2  }
0xb0: {  	[dreg:$0x4] =	wrdreg $0x68000  }
0xb1: {  	[dreg:$0x5] =	wrdreg $0x9  }
0xb2: {  	_ =	task.clear_ibuf [dreg:s7], $0x6FFFF;
	_ =	strace $0x9000004F  }
0xb3: {  	s29 =	simm.s32 $0x9;
	_ =	strace $0x80000051  }
0xb4: {  	_ =	swait.ge [sflag:s29], $0x1  }
0xb5: {  	[sflag:s29] =	ssyncadd.s32 $0xFFFFFFFF  }
0xb6: {  	_ =	strace $0x90000051  }
0xb7: {  	_ =	sfence  }
0xb8: {  	s30 =	sld [smem:$0x0];
	_ =	sdelay $0x2  }
0xb9: {  	s31 =	sshll.u32 s1, $0xD;
	s1 =	sshrl.u32 s1, $0x2  }
0xba: {  	s3 =	sand.u32 $0x4000, s31;
	s1 =	sadd.s32 s1, s30  }
0xbb: {  	s0 =	sor.u32 s3, s0;
	s1 =	sshll.u32 s1, $0x11  }
0xbc: {  	s0 =	sor.u32 s1, s0  }
0xbd: {  	s0 =	sadd.s32 $0x8F2B, s0  }
0xbe: {  	[sflag:s0] =	ssyncadd.remote.s32 $0x1  }
0xbf: {  	_ =	sfence.sel $0xFFFF  }
0xc0: {  	[dreg:$0x0] =	wrdreg $0xFFFFFFFF;
	(pc) =	sbr.abs _section_cstart, $3  }
0xc1: {  	[dreg:$0x1] =	wrdreg $0xFFFFFFFF  }
0xc2: {  	_ =	task.clear_ibuf [dreg:s7], $0x2FFFF;
	_ =	strace $0x9FFFFFFF  }
0xc3: {  	(tm) =	ssettm $0x7FFFFFFF  }
tec
execute0_lowered:
.L_overlay_start_1:
0x0: {  	(tag) =	ssettag $0x1  }
0x1: {  	s0 =	rddreg [dreg:$0x0]  }
0x2: {  	s1 =	rddreg [dreg:$0x1];
	s3 =	srdreg.scid  }
0x3: {  	s20 =	stileid.u32;
	s2 =	rddreg [dreg:$0x2]  }
0x4: {  	s21 =	simm.s32 $0x3;
	s22 =	simm.s32 $0x1400;
	s23 =	simm.s32 $0x80  }
0x5: {  	s24 =	simm.s32 $0x2800;
	s28 =	simm.s32 $0x2;
	s29 =	simm.s32 $0x2700  }
0x6: {  	s30 =	simm.s32 $0x2780;
	s31 =	simm.s32 $0x0;
	s17 =	sand.u32 $0x1, s3  }
0x7: {  	s11 =	smul.u32 $0xA000, s20;
	s3 =	simm.s32 $0x0;
	s4 =	sadd.s32 $0xCA00, s0  }
0x8: {  	s16 =	sadd.s32 $0x2A00, s0;
	s7 =	smul.u32 $0x28000, s20;
	s25 =	sadd.s32 $0x20A00, s0  }
0x9: {  	s9 =	sshll.u32 s20, $0x1;
	s5 =	smul.u32 $0xA0000, s17;
	[smem:$0x7FF] =	sst s3  }
0xa: {  	s26 =	ssub.s32 $0x2, s17;
	s9 =	sor.u32 s17, s9;
	p0 =	sne.s32 s17, $0x0  }
0xb: {  	_ =	strace $0x80000050;
	[dreg:$0x4] =	wrdreg s25;
	s8 =	sshrl.u32 s26, $0x1  }
0xc: {  	s7 =	sshrl.u32 s7, $0x2;
	s13 =	smul.u32 $0x2800, s9;
	s12 =	sshrl.u32 s11, $0x3  }
0xd: {  	s25 =	simm.s32 $0x4800;
	s5 =	sadd.s32 s11, s5;
	s18 =	ssub.s32 s26, s8  }
0xe: {  	s11 =	sadd.s32 s11, s2;
	s12 =	sadd.s32 s4, s12;
	s26 =	simm.s32 $0x1  }
0xf: {  	s6 =	sshrl.u32 s5, $0x3;
	s15 =	sshrl.u32 s13, $0x3;
	s18 =	smax.u32 s18, $0x1  }
0x10: {  	s0 =	sadd.s32 s6, s0;
	s6 =	sadd.s32 s7, s2;
	s13 =	sadd.s32 s1, s15  }
0x11: {  	s14 =	sadd.s32 s16, s15;
	s19 =	sadd.s32 $0x280, s15;
	s7 =	sadd.s32 $0x2000, s6  }
0x12: {  	s8 =	sadd.s32 $0x4000, s6;
	s9 =	sadd.s32 $0x6000, s6;
	s10 =	sadd.s32 $0x8000, s6  }
0x13: {  	s15 =	sadd.s32 s1, s19;
	s17 =	sadd.s32 $0x20E00, s0;
	s0 =	sshll.u32 @!p0 s20, $0x6  }
0x14: {  	s16 =	sadd.s32 s16, s19;
	s20 =	sshrl.u32 @!p0 s11, $0x3;
	s19 =	sor.u32 @!p0 $0x1C03, s0  }
.LBB2_1:
0x15: {  	s0 =	simm.s32 @p0 $0x0;
	s1 =	simm.s32 @p0 $0x2800;
	s5 =	rddreg [dreg:$0x4]  }
0x16: {  	[tilespmem:s1], [sflag:$0x3] =	stream.linear.gather @p0 [hbm4b:s5+s0], $0x2000, $0x38;
	[tilespmem:$0x10800] =	vst v63  }
0x17: {  	s0 =	simm.s32 @p0 $0x3  }
0x18: {  	_ =	swait.ge @p0 [sflag:s0], $0x2000  }
0x19: {  	[sflag:s0] =	ssyncset.done @p0 $0x0  }
0x1a: {  	[sflag:s0] =	ssyncadd.s32 @p0 $0xFFFFE000  }
0x1b: {  	[spmem:s6] =	stream.linear.scatter @p0 [tilespmem:s1], [sflag:$0x3], $0x2000, $0x38;
	[tilespmem:$0x10800] =	vst v63  }
0x1c: {  	_ =	swait.ge @p0 [sflag:s0], $0x2000  }
0x1d: {  	[sflag:s0] =	ssyncset.done @p0 $0x0  }
0x1e: {  	[sflag:s0] =	ssyncadd.s32 @p0 $0xFFFFE000  }
0x1f: {  	[spmem:s7] =	stream.linear.scatter @p0 [tilespmem:s1], [sflag:$0x3], $0x2000, $0x38;
	[tilespmem:$0x10800] =	vst v63  }
0x20: {  	_ =	swait.ge @p0 [sflag:s0], $0x2000  }
0x21: {  	[sflag:s0] =	ssyncset.done @p0 $0x0  }
0x22: {  	[sflag:s0] =	ssyncadd.s32 @p0 $0xFFFFE000  }
0x23: {  	[spmem:s8] =	stream.linear.scatter @p0 [tilespmem:s1], [sflag:$0x3], $0x2000, $0x38;
	[tilespmem:$0x10800] =	vst v63  }
0x24: {  	_ =	swait.ge @p0 [sflag:s0], $0x2000  }
0x25: {  	[sflag:s0] =	ssyncset.done @p0 $0x0  }
0x26: {  	[sflag:s0] =	ssyncadd.s32 @p0 $0xFFFFE000  }
0x27: {  	[spmem:s9] =	stream.linear.scatter @p0 [tilespmem:s1], [sflag:$0x3], $0x2000, $0x38;
	[tilespmem:$0x10800] =	vst v63  }
0x28: {  	_ =	swait.ge @p0 [sflag:s0], $0x2000  }
0x29: {  	[sflag:s0] =	ssyncset.done @p0 $0x0  }
0x2a: {  	[sflag:s0] =	ssyncadd.s32 @p0 $0xFFFFE000  }
0x2b: {  	[spmem:s10] =	stream.linear.scatter @p0 [tilespmem:s1], [sflag:$0x3], $0x2000, $0x38;
	[tilespmem:$0x10800] =	vst v63  }
0x2c: {  	_ =	swait.ge @p0 [sflag:s0], $0x2000  }
0x2d: {  	[sflag:s0] =	ssyncset.done @p0 $0x0  }
0x2e: {  	[sflag:s0] =	ssyncadd.s32 @p0 $0xFFFFE000;
	s0 =	simm.s32 @!p0 $0x3  }
0x2f: {  	[spmem:s20], [sflag:s19] =	dma.local @!p0 [hbm:s12], $0x1400  }
0x30: {  	_ =	swait.ge @!p0 [sflag:s0], $0x1400  }
0x31: {  	[sflag:s0] =	ssyncset.done @!p0 $0x0  }
0x32: {  	[sflag:s0] =	ssyncadd.s32 @!p0 $0xFFFFEC00  }
0x33: {  	[bflag:$0x0] =	sbarrier.arrive $0xFFFF  }
0x34: {  	[tilespmem:s3], [sflag:$0x3] =	stream.linear.gather [hbm4b:s13+s3], $0x1400, $0x38;
	[tilespmem:$0x10800] =	vst v63  }
0x35: {  	_ =	swait.ge [sflag:s21], $0x1400  }
0x36: {  	[sflag:s21] =	ssyncset.done $0x0  }
0x37: {  	[sflag:s21] =	ssyncadd.s32 $0xFFFFEC00  }
0x38: {  	[tilespmem:s22], [sflag:$0x3] =	stream.linear.gather [hbm4b:s14+s3], $0x1400, $0x38;
	[tilespmem:$0x10800] =	vst v63  }
0x39: {  	_ =	swait.ge [sflag:s21], $0x1400  }
0x3a: {  	[sflag:s21] =	ssyncset.done $0x0  }
0x3b: {  	[sflag:s21] =	ssyncadd.s32 $0xFFFFEC00  }
0x3c: {  	[tilespmem:s24], [sflag:$0x1] =	stream.indirect.gather [hbm4b:s4+s23], $0x40, s3, s23, $0xb8;
	[tilespmem:$0x10800] =	vst v63  }
0x3d: {  	_ = 	snop  }
0x3e: {  	[tilespmem:s25], [sflag:$0x2] =	stream.indirect.gather [hbm4b:s4+s23], $0x40, s23, s23, $0xb8;
	[tilespmem:$0x10800] =	vst v63  }
0x3f: {  	_ =	swait.ge [sflag:s26], $0x2000  }
0x40: {  	[sflag:s26] =	ssyncset.done $0x0  }
0x41: {  	s5 =	simm.s32 $0x1400;
	[sflag:s26] =	ssyncadd.s32 $0xFFFFE000  }
0x42: {  	[spmem:s2] =	stream.indirect.scatter.add.f32 [tilespmem:s24], [sflag:$0x3], $0x40, s5, s23, $0xb8;
	[tilespmem:$0x10800] =	vst v63  }
0x43: {  	_ =	swait.ge [sflag:s21], $0x2000  }
0x44: {  	[sflag:s21] =	ssyncset.done $0x0  }
0x45: {  	s1 =	simm.s32 $0x100;
	[sflag:s21] =	ssyncadd.s32 $0xFFFFE000  }
0x46: {  	[tilespmem:s24], [sflag:$0x1] =	stream.indirect.gather [hbm4b:s4+s23], $0x40, s1, s23, $0xb8;
	[tilespmem:$0x10800] =	vst v63  }
0x47: {  	_ =	swait.ge [sflag:s28], $0x2000  }
0x48: {  	[sflag:s28] =	ssyncset.done $0x0  }
0x49: {  	s5 =	simm.s32 $0x1480;
	[sflag:s28] =	ssyncadd.s32 $0xFFFFE000  }
0x4a: {  	[spmem:s2] =	stream.indirect.scatter.add.f32 [tilespmem:s25], [sflag:$0x3], $0x40, s5, s23, $0xb8;
	[tilespmem:$0x10800] =	vst v63  }
0x4b: {  	_ =	swait.ge [sflag:s21], $0x2000  }
0x4c: {  	[sflag:s21] =	ssyncset.done $0x0  }
0x4d: {  	s0 =	simm.s32 $0x180;
	s1 =	simm.s32 $0x400;
	[sflag:s21] =	ssyncadd.s32 $0xFFFFE000  }
.LBB2_2:
0x4e: {  	[tilespmem:s25], [sflag:$0x2] =	stream.indirect.gather [hbm4b:s4+s23], $0x40, s0, s23, $0xb8;
	[tilespmem:$0x10800] =	vst v63  }
0x4f: {  	s0 =	smov.u32 s1  }
0x50: {  	p1 =	sne.s32 s1, $0x4800;
	s1 =	sadd.s32 $0x400, s1;
	_ =	swait.ge [sflag:s26], $0x2000  }
0x51: {  	s0 =	sshra.s32 s0, $0x2;
	[sflag:s26] =	ssyncset.done $0x0  }
0x52: {  	s5 =	sadd.s32 $0x1400, s0;
	[sflag:s26] =	ssyncadd.s32 $0xFFFFE000  }
0x53: {  	[spmem:s2] =	stream.indirect.scatter.add.f32 [tilespmem:s24], [sflag:$0x3], $0x40, s5, s23, $0xb8;
	[tilespmem:$0x10800] =	vst v63  }
0x54: {  	_ =	swait.ge [sflag:s21], $0x2000  }
0x55: {  	[sflag:s21] =	ssyncset.done $0x0  }
0x56: {  	s5 =	sadd.s32 $0x100, s0;
	[sflag:s21] =	ssyncadd.s32 $0xFFFFE000  }
0x57: {  	[tilespmem:s24], [sflag:$0x1] =	stream.indirect.gather [hbm4b:s4+s23], $0x40, s5, s23, $0xb8;
	[tilespmem:$0x10800] =	vst v63  }
0x58: {  	_ =	swait.ge [sflag:s28], $0x2000  }
0x59: {  	[sflag:s28] =	ssyncset.done $0x0  }
.Ltmp0:
0x5a: {  	s5 =	sadd.s32 $0x1480, s0;
	[sflag:s28] =	ssyncadd.s32 $0xFFFFE000;
	(pc) =	sbr.rel @p1 .LBB2_2-.Ltmp0, $4  }
0x5b: {  	[spmem:s2] =	stream.indirect.scatter.add.f32 [tilespmem:s25], [sflag:$0x3], $0x40, s5, s23, $0xb8;
	[tilespmem:$0x10800] =	vst v63  }
0x5c: {  	_ =	swait.ge [sflag:s21], $0x2000  }
0x5d: {  	[sflag:s21] =	ssyncset.done $0x0  }
0x5e: {  	s0 =	sadd.s32 $0x180, s0;
	[sflag:s21] =	ssyncadd.s32 $0xFFFFE000  }
0x5f: {  	[tilespmem:s25], [sflag:$0x2] =	stream.indirect.gather [hbm4b:s4+s23], $0x40, s0, s23, $0xb8;
	[tilespmem:$0x10800] =	vst v63  }
0x60: {  	_ =	swait.ge [sflag:s26], $0x2000  }
0x61: {  	[sflag:s26] =	ssyncset.done $0x0  }
0x62: {  	[sflag:s26] =	ssyncadd.s32 $0xFFFFE000  }
0x63: {  	[spmem:s2] =	stream.indirect.scatter.add.f32 [tilespmem:s24], [sflag:$0x3], $0x40, s29, s23, $0xb8;
	[tilespmem:$0x10800] =	vst v63  }
0x64: {  	_ =	swait.ge [sflag:s21], $0x2000  }
0x65: {  	[sflag:s21] =	ssyncset.done $0x0  }
0x66: {  	[sflag:s21] =	ssyncadd.s32 $0xFFFFE000  }
0x67: {  	_ =	swait.ge [sflag:s28], $0x2000  }
0x68: {  	[sflag:s28] =	ssyncset.done $0x0  }
0x69: {  	[sflag:s28] =	ssyncadd.s32 $0xFFFFE000  }
0x6a: {  	[spmem:s2] =	stream.indirect.scatter.add.f32 [tilespmem:s25], [sflag:$0x3], $0x40, s30, s23, $0xb8;
	[tilespmem:$0x10800] =	vst v63  }
0x6b: {  	_ =	swait.ge [sflag:s21], $0x2000  }
0x6c: {  	[sflag:s21] =	ssyncset.done $0x0  }
0x6d: {  	s1 =	simm.s32 $0x0;
	[sflag:s21] =	ssyncadd.s32 $0xFFFFE000  }
0x6e: {  	[tilespmem:s1], [sflag:$0x3] =	stream.linear.gather [hbm4b:s15+s1], $0x1400, $0x38;
	[tilespmem:$0x10800] =	vst v63  }
0x6f: {  	_ =	swait.ge [sflag:s21], $0x1400  }
0x70: {  	[sflag:s21] =	ssyncset.done $0x0  }
0x71: {  	[sflag:s21] =	ssyncadd.s32 $0xFFFFEC00  }
0x72: {  	[tilespmem:s22], [sflag:$0x3] =	stream.linear.gather [hbm4b:s16+s1], $0x1400, $0x38;
	[tilespmem:$0x10800] =	vst v63  }
0x73: {  	_ =	swait.ge [sflag:s21], $0x1400  }
0x74: {  	[sflag:s21] =	ssyncset.done $0x0  }
0x75: {  	[sflag:s21] =	ssyncadd.s32 $0xFFFFEC00  }
0x76: {  	[tilespmem:s24], [sflag:$0x1] =	stream.indirect.gather [hbm4b:s4+s23], $0x40, s1, s23, $0xb8;
	[tilespmem:$0x10800] =	vst v63  }
0x77: {  	_ = 	snop  }
0x78: {  	[tilespmem:s25], [sflag:$0x2] =	stream.indirect.gather [hbm4b:s4+s23], $0x40, s23, s23, $0xb8;
	[tilespmem:$0x10800] =	vst v63  }
0x79: {  	_ =	swait.ge [sflag:s26], $0x2000  }
0x7a: {  	[sflag:s26] =	ssyncset.done $0x0  }
0x7b: {  	s5 =	simm.s32 $0x1400;
	[sflag:s26] =	ssyncadd.s32 $0xFFFFE000  }
0x7c: {  	[spmem:s2] =	stream.indirect.scatter.add.f32 [tilespmem:s24], [sflag:$0x3], $0x40, s5, s23, $0xb8;
	[tilespmem:$0x10800] =	vst v63  }
0x7d: {  	_ =	swait.ge [sflag:s21], $0x2000  }
0x7e: {  	[sflag:s21] =	ssyncset.done $0x0  }
0x7f: {  	s1 =	simm.s32 $0x100;
	[sflag:s21] =	ssyncadd.s32 $0xFFFFE000  }
0x80: {  	[tilespmem:s24], [sflag:$0x1] =	stream.indirect.gather [hbm4b:s4+s23], $0x40, s1, s23, $0xb8;
	[tilespmem:$0x10800] =	vst v63  }
0x81: {  	_ =	swait.ge [sflag:s28], $0x2000  }
0x82: {  	[sflag:s28] =	ssyncset.done $0x0  }
0x83: {  	s5 =	simm.s32 $0x1480;
	[sflag:s28] =	ssyncadd.s32 $0xFFFFE000  }
0x84: {  	[spmem:s2] =	stream.indirect.scatter.add.f32 [tilespmem:s25], [sflag:$0x3], $0x40, s5, s23, $0xb8;
	[tilespmem:$0x10800] =	vst v63  }
0x85: {  	_ =	swait.ge [sflag:s21], $0x2000  }
0x86: {  	[sflag:s21] =	ssyncset.done $0x0  }
0x87: {  	s0 =	simm.s32 $0x180;
	s1 =	simm.s32 $0x400;
	[sflag:s21] =	ssyncadd.s32 $0xFFFFE000  }
.LBB2_4:
0x88: {  	[tilespmem:s25], [sflag:$0x2] =	stream.indirect.gather [hbm4b:s4+s23], $0x40, s0, s23, $0xb8;
	[tilespmem:$0x10800] =	vst v63  }
0x89: {  	s0 =	smov.u32 s1  }
0x8a: {  	p1 =	sne.s32 s1, $0x4800;
	s1 =	sadd.s32 $0x400, s1;
	_ =	swait.ge [sflag:s26], $0x2000  }
0x8b: {  	s0 =	sshra.s32 s0, $0x2;
	[sflag:s26] =	ssyncset.done $0x0  }
0x8c: {  	s5 =	sadd.s32 $0x1400, s0;
	[sflag:s26] =	ssyncadd.s32 $0xFFFFE000  }
0x8d: {  	[spmem:s2] =	stream.indirect.scatter.add.f32 [tilespmem:s24], [sflag:$0x3], $0x40, s5, s23, $0xb8;
	[tilespmem:$0x10800] =	vst v63  }
0x8e: {  	_ =	swait.ge [sflag:s21], $0x2000  }
0x8f: {  	[sflag:s21] =	ssyncset.done $0x0  }
0x90: {  	s5 =	sadd.s32 $0x100, s0;
	[sflag:s21] =	ssyncadd.s32 $0xFFFFE000  }
0x91: {  	[tilespmem:s24], [sflag:$0x1] =	stream.indirect.gather [hbm4b:s4+s23], $0x40, s5, s23, $0xb8;
	[tilespmem:$0x10800] =	vst v63  }
0x92: {  	_ =	swait.ge [sflag:s28], $0x2000  }
0x93: {  	[sflag:s28] =	ssyncset.done $0x0  }
.Ltmp1:
0x94: {  	s5 =	sadd.s32 $0x1480, s0;
	[sflag:s28] =	ssyncadd.s32 $0xFFFFE000;
	(pc) =	sbr.rel @p1 .LBB2_4-.Ltmp1, $4  }
0x95: {  	[spmem:s2] =	stream.indirect.scatter.add.f32 [tilespmem:s25], [sflag:$0x3], $0x40, s5, s23, $0xb8;
	[tilespmem:$0x10800] =	vst v63  }
0x96: {  	_ =	swait.ge [sflag:s21], $0x2000  }
0x97: {  	[sflag:s21] =	ssyncset.done $0x0  }
0x98: {  	s0 =	sadd.s32 $0x180, s0;
	[sflag:s21] =	ssyncadd.s32 $0xFFFFE000  }
0x99: {  	[tilespmem:s25], [sflag:$0x2] =	stream.indirect.gather [hbm4b:s4+s23], $0x40, s0, s23, $0xb8;
	[tilespmem:$0x10800] =	vst v63  }
0x9a: {  	_ =	swait.ge [sflag:s26], $0x2000  }
0x9b: {  	[sflag:s26] =	ssyncset.done $0x0  }
0x9c: {  	[sflag:s26] =	ssyncadd.s32 $0xFFFFE000  }
0x9d: {  	[spmem:s2] =	stream.indirect.scatter.add.f32 [tilespmem:s24], [sflag:$0x3], $0x40, s29, s23, $0xb8;
	[tilespmem:$0x10800] =	vst v63  }
0x9e: {  	_ =	swait.ge [sflag:s21], $0x2000  }
0x9f: {  	[sflag:s21] =	ssyncset.done $0x0  }
0xa0: {  	[sflag:s21] =	ssyncadd.s32 $0xFFFFE000  }
0xa1: {  	_ =	swait.ge [sflag:s28], $0x2000  }
0xa2: {  	[sflag:s28] =	ssyncset.done $0x0  }
0xa3: {  	[sflag:s28] =	ssyncadd.s32 $0xFFFFE000  }
0xa4: {  	[spmem:s2] =	stream.indirect.scatter.add.f32 [tilespmem:s25], [sflag:$0x3], $0x40, s30, s23, $0xb8;
	[tilespmem:$0x10800] =	vst v63  }
0xa5: {  	s5 =	stileid.u32;
	_ =	swait.ge [sflag:s21], $0x2000  }
0xa6: {  	s1 =	sshrl.u32 s11, $0x3;
	s31 =	sadd.s32 $0x1, s31;
	[sflag:s21] =	ssyncset.done $0x0  }
0xa7: {  	s0 =	sshll.u32 s5, $0x6;
	p1 =	sne.s32 s31, s18;
	[sflag:s21] =	ssyncadd.s32 $0xFFFFE000  }
.Ltmp2:
0xa8: {  	s0 =	sor.u32 $0x1C03, s0;
	[bflag:$0x0] =	sbarrier.arrive $0xFFFF;
	(pc) =	sbr.rel @p1 .LBB2_1-.Ltmp2, $4  }
0xa9: {  	[hbm:s17], [sflag:s0] =	dma.local [spmem:s1], $0x1400  }
0xaa: {  	_ =	swait.ge [sflag:s21], $0x1400  }
0xab: {  	[sflag:s21] =	ssyncset.done $0x0  }
0xac: {  	[sflag:s21] =	ssyncadd.s32 $0xFFFFEC00  }
0xad: {  	_ =	sfence.sel $0x180000  }
0xae: {  	[bflag:$0x0] =	sbarrier.arrive $0xFFFF  }
0xaf: {  	_ =	strace $0x90000050  }
0xb0: {  	s0 =	stileid.u32;
	[bflag:$0x2] =	sbarrier.arrive $0xFFFF  }
0xb1: {  	p0 =	sne.s32 s0, $0x0;
	s0 =	rddreg [dreg:$0x3]  }
0xb2: {  	s0 =	sadd.s32 @!p0 $0x100000, s0  }
0xb3: {  	[sflag:s0] =	ssyncadd.tile.s32 @!p0 $0x1;
	_ =	shalt  }
.Lfunc_end2:
_tile_overlayer_lowered:
.L_overlay_start_2:
0xb4: {  	(tag) =	ssettag $0x2  }
0xb5: {  	s0 =	rddreg [dreg:$0x0];
	s2 =	stileid.u32  }
0xb6: {  	s1 =	rddreg [dreg:$0x1];
	p0 =	sne.s32 s2, $0x0  }
0xb7: {  	s3 =	rddreg [dreg:$0x2];
	[bflag:$0x3] =	sbarrier.arrive $0xFFFF;
	s2 =	simm.s32 @!p0 $0x1C03  }
0xb8: {  	[timem:s3], [sflag:s2] =	dma.local @!p0 [hbm:s0], s1  }
0xb9: {  	s0 =	simm.s32 @!p0 $0x3  }
0xba: {  	_ =	swait.ge @!p0 [sflag:s0], s1  }
0xbb: {  	s1 =	ssub.s32 @!p0 $0x0, s1;
	[sflag:s0] =	ssyncset.done @!p0 $0x0  }
0xbc: {  	[sflag:s0] =	ssyncadd.s32 @!p0 s1  }
0xbd: {  	[bflag:$0x3] =	sbarrier.arrive $0xFFFF  }
0xbe: {  	_ =	shalt  }

</sc_bundles>
